<compile_context>
chip_gen: v7x
topology: tpu7x:2x2x1
jax: 0.10.2.dev20260603
libtpu: 0.0.44.dev20260713+nightly
codegen_flags: <defaults>
</compile_context>

<pallas_src>
import functools

import jax
import jax.numpy as jnp
from jax import lax
from jax.experimental import pallas as pl
from jax.experimental.pallas import tpu as pltpu
from jax.experimental.pallas import tpu_sc as plsc
from jax._src.pallas import mpmd as _mpmd

NNODES = 1000000
EMB_DIM = 64
B = 16384
L = 20

NC = 2
NS = 16
NW = NC * NS
SPW = B // NW
CHUNK_S = 32
CHUNK_W = CHUNK_S * L
NCHUNK = SPW // CHUNK_S
IDXW = 128

_mesh = plsc.VectorSubcoreMesh(core_axis_name="c", subcore_axis_name="s")
_sc_params = pltpu.CompilerParams(use_tc_tiling_on_sc=False)


def _worker_id():
    return lax.axis_index("s") * NC + lax.axis_index("c")


_WROWS = NCHUNK * (CHUNK_W // IDXW)


@functools.partial(
    pl.kernel,
    out_type=(
        jax.ShapeDtypeStruct((B, EMB_DIM), jnp.float32),
        jax.ShapeDtypeStruct((B, EMB_DIM), jnp.float32),
    ),
    mesh=_mesh,
    scratch_types=[
        pltpu.VMEM((8, IDXW), jnp.int32),
        pltpu.VMEM((_WROWS, IDXW), jnp.int32),
        pltpu.VMEM((CHUNK_W, EMB_DIM), jnp.float32),
        pltpu.VMEM((CHUNK_W, EMB_DIM), jnp.float32),
        pltpu.VMEM((CHUNK_S, EMB_DIM), jnp.float32),
        pltpu.SemaphoreType.DMA,
        pltpu.SemaphoreType.DMA,
    ],
    compiler_params=_sc_params,
)
def _gather_agg(emb, start2, walk2, old_out, agg_out,
                sidx_v, widx_v, buf0, buf1, agg_v, semA, semB):
    cid = lax.axis_index("c")
    sid = lax.axis_index("s")
    wid = sid * NC + cid
    base = wid * SPW
    nrow = CHUNK_W // IDXW

    pltpu.sync_copy(start2.at[pl.ds(sid * 8, 8)], sidx_v)
    pltpu.sync_copy(walk2.at[pl.ds(wid * _WROWS, _WROWS)], widx_v)

    def fire(c, buf, sem):
        for j in range(nrow):
            pltpu.async_copy(
                emb.at[widx_v.at[c * nrow + j]],
                buf.at[pl.ds(j * IDXW, IDXW)], sem,
            )

    def drain(buf, sem):
        pltpu.make_async_copy(emb.at[pl.ds(0, CHUNK_W)], buf, sem).wait()

    def reduce_chunk(c, buf):
        def samp_body(s, carry2):
            r0 = s * L
            for q in range(EMB_DIM // 16):
                col = pl.ds(q * 16, 16)
                acc = buf[r0, col]
                for l in range(1, L):
                    acc = acc + buf[r0 + l, col]
                agg_v[s, col] = acc * (1.0 / L)
            return carry2

        lax.fori_loop(0, CHUNK_S, samp_body, 0)
        pltpu.sync_copy(agg_v, agg_out.at[pl.ds(base + c * CHUNK_S, CHUNK_S)])

    for j in range(4):
        pltpu.async_copy(
            emb.at[sidx_v.at[cid * 4 + j]],
            buf0.at[pl.ds(j * IDXW, IDXW)], semA,
        )
    fire(0, buf1, semB)
    pltpu.make_async_copy(
        emb.at[pl.ds(0, 4 * IDXW)], buf0.at[pl.ds(0, 4 * IDXW)], semA
    ).wait()
    pltpu.sync_copy(buf0.at[pl.ds(0, SPW)], old_out.at[pl.ds(base, SPW)])
    fire(1, buf0, semA)

    def body2(k, carry):
        c0 = 2 * k
        drain(buf1, semB)
        reduce_chunk(c0, buf1)

        @pl.when(k < NCHUNK // 2 - 1)
        def _():
            fire(c0 + 2, buf1, semB)

        drain(buf0, semA)
        reduce_chunk(c0 + 1, buf0)

        @pl.when(k < NCHUNK // 2 - 1)
        def _():
            fire(c0 + 3, buf0, semA)

        return carry

    lax.fori_loop(0, NCHUNK // 2, body2, 0)


def _combine_body(old_ref, agg_ref, ws_ref, wn_ref, new_ref, dist_ref):
    old = old_ref[...]
    agg = agg_ref[...]
    h = jnp.dot(old, ws_ref[...], preferred_element_type=jnp.float32)
    h = h + jnp.dot(agg, wn_ref[...], preferred_element_type=jnp.float32)
    h = jnp.maximum(h, 0.0)
    norm = jnp.sqrt(jnp.sum(h * h, axis=1, keepdims=True))
    new = h / (norm + 1e-8)
    new_ref[...] = new
    d = jnp.sqrt(jnp.sum((new - old) ** 2, axis=1) + 1e-12)
    dist_ref[...] = d.reshape(dist_ref.shape)


_RB = 1024


def _combine(old, agg, w_self, w_neigh):
    return pl.pallas_call(
        _combine_body,
        grid=(B // _RB,),
        in_specs=[
            pl.BlockSpec((_RB, EMB_DIM), lambda i: (i, 0)),
            pl.BlockSpec((_RB, EMB_DIM), lambda i: (i, 0)),
            pl.BlockSpec((EMB_DIM, EMB_DIM), lambda i: (0, 0)),
            pl.BlockSpec((EMB_DIM, EMB_DIM), lambda i: (0, 0)),
        ],
        out_specs=[
            pl.BlockSpec((_RB, EMB_DIM), lambda i: (i, 0)),
            pl.BlockSpec((_RB // 128, 128), lambda i: (i, 0)),
        ],
        out_shape=[
            jax.ShapeDtypeStruct((B, EMB_DIM), jnp.float32),
            jax.ShapeDtypeStruct((B // 128, 128), jnp.float32),
        ],
    )(old, agg, w_self, w_neigh)


def _scatter_body(mem_in, start2, new, mem_out, sidx_v, rows_v):
    del mem_in
    cid = lax.axis_index("c")
    sid = lax.axis_index("s")
    wid = sid * NC + cid
    base = wid * SPW
    pltpu.sync_copy(start2.at[pl.ds(sid * 8, 8)], sidx_v)
    pltpu.sync_copy(new.at[pl.ds(base, SPW)], rows_v)
    for j in range(4):
        pltpu.sync_copy(
            rows_v.at[pl.ds(j * IDXW, IDXW)], mem_out.at[sidx_v.at[cid * 4 + j]]
        )


_scatter = _mpmd._mpmd_map(
    [(_mesh, _scatter_body)],
    out_types=[jax.ShapeDtypeStruct((NNODES, EMB_DIM), jnp.float32)],
    input_output_aliases={0: 0},
    scratch_types=[
        pltpu.VMEM((8, IDXW), jnp.int32),
        pltpu.VMEM((SPW, EMB_DIM), jnp.float32),
    ],
    compiler_params=_sc_params,
)


def kernel(emb_features, W_self, W_neigh, start_idx, walk_idx):
    start2 = start_idx.reshape(B // IDXW, IDXW)
    walk2 = walk_idx.reshape(B * L // IDXW, IDXW)
    old_embs, agg = _gather_agg(emb_features, start2, walk2)
    new_embs, dist2 = _combine(old_embs, agg, W_self, W_neigh)
    (mem_updated,) = _scatter(emb_features, start2, new_embs)
    distances = dist2.reshape(B)
    return (new_embs, old_embs, mem_updated, distances)

# --- scband reference (transcript-rebuilt; emitter-appended) ---
"""Pipeline reference for scband-smart-sampling-45990509805919 (READ-ONLY COPY).

The authoritative reference and input builder live on the scoring server;
editing this copy changes nothing except your own understanding.
"""

import jax, jax.numpy as jnp
import numpy as np

NNODES = 1000000
EMB_DIM = 64
NSAMPLERS = 16384
WALK_LEN = 20


def setup_inputs(seed: int = 0) -> dict:
    key = jax.random.key(seed)
    k1, k2, k3, k4, k5 = jax.random.split(key, 5)
    emb_features = jax.random.normal(k1, (NNODES, EMB_DIM), dtype=jnp.float32) * 0.1
    start_idx = jax.random.randint(k2, (NSAMPLERS,), 0, NNODES)
    walk_idx = jax.random.randint(k3, (NSAMPLERS, WALK_LEN), 0, NNODES)
    W_self = jax.random.normal(k4, (EMB_DIM, EMB_DIM), dtype=jnp.float32) * (1.0 / np.sqrt(EMB_DIM))
    W_neigh = jax.random.normal(k5, (EMB_DIM, EMB_DIM), dtype=jnp.float32) * (1.0 / np.sqrt(EMB_DIM))
    return {"emb_features": emb_features, "W_self": W_self, "W_neigh": W_neigh,
            "start_idx": start_idx, "walk_idx": walk_idx}


def reference(emb_features, W_self, W_neigh, start_idx, walk_idx):
    # Gather random-walk neighborhood embeddings from the memory table (Storage.emb_features)
    neigh = jnp.take(emb_features, walk_idx, axis=0)          # [B, L, d]
    agg = neigh.mean(axis=1)                                   # GraphSAGE mean aggregator
    old_embs = jnp.take(emb_features, start_idx, axis=0)       # [B, d]
    h = old_embs @ W_self + agg @ W_neigh                      # GraphSAGE combine
    new_embs = jax.nn.relu(h)
    new_embs = new_embs / (jnp.linalg.norm(new_embs, axis=1, keepdims=True) + 1e-8)
    # Storage.update: scatter-overwrite detached new embeddings into the memory table
    mem_updated = emb_features.at[start_idx].set(jax.lax.stop_gradient(new_embs))
    # pairwise distance (gains) between new and old embeddings
    distances = jnp.sqrt(jnp.sum((new_embs - old_embs) ** 2, axis=1) + 1e-12)
    return (new_embs, old_embs, mem_updated, distances)

if __name__ == "__main__":
    import jax
    _d = setup_inputs()
    print(jax.jit(kernel)(*tuple(_d.values())))

</pallas_src>

<mosaic_0001>
#map = affine_map<(d0, d1) -> (0, 0)>
module attributes {stable_mosaic.version = 14 : i64} {
  func.func @_scatter_body(%arg0: i32, %arg1: i32, %arg2: memref<1000000x64xf32, #tpu.memory_space<hbm>>, %arg3: memref<128x128xi32, #tpu.memory_space<hbm>>, %arg4: memref<16384x64xf32, #tpu.memory_space<hbm>>, %arg5: memref<1000000x64xf32, #tpu.memory_space<hbm>>, %arg6: memref<8x128xi32, #tpu.memory_space<vmem>>, %arg7: memref<512x64xf32, #tpu.memory_space<vmem>>) attributes {dimension_semantics = [#tpu.dimension_semantics<core_parallel>, #tpu.dimension_semantics<subcore_parallel>], iteration_bounds = array<i64: 2, 16>, scalar_prefetch = 0 : i64, scratch_operands = 2 : i64, tpu.core_type = #tpu.core_type<sc_vector_subcore>, window_params = [{transform_indices = #map}, {transform_indices = #map}, {transform_indices = #map}, {transform_indices = #map}]} {
    %mul3A = arith.constant 2 : i32
    %mul3A_0 = arith.muli %arg1, %mul3A : i32
    %add3A = arith.addi %mul3A_0, %arg0 : i32
    %mul3A_1 = arith.constant 512 : i32
    %mul3A_2 = arith.muli %add3A, %mul3A_1 : i32
    %mul3A_3 = arith.constant 8 : i32
    %mul3A_4 = arith.muli %arg1, %mul3A_3 : i32
    "tpu.region"() ({
      %run_scoped3A = tpu.sem_alloc : memref<!tpu.dma_semaphore, #tpu.memory_space<semaphore_mem>>
      %dma_start3A = arith.constant 0 : i32
      %dma_start3A_21 = tpu.memref_slice %arg3[%mul3A_4, %dma_start3A] : memref<128x128xi32, #tpu.memory_space<hbm>> -> memref<8x128xi32, #tpu.memory_space<hbm>>
      %dma_start3A_22 = arith.constant 0 : i32
      %dma_start3A_23 = tpu.memref_slice %arg3[%mul3A_4, %dma_start3A_22] : memref<128x128xi32, #tpu.memory_space<hbm>> -> memref<8x128xi32, #tpu.memory_space<hbm>>
      tpu.enqueue_dma source(%dma_start3A_23 : memref<8x128xi32, #tpu.memory_space<hbm>>) target(%arg6 : memref<8x128xi32, #tpu.memory_space<vmem>>) target_semaphore(%run_scoped3A : memref<!tpu.dma_semaphore, #tpu.memory_space<semaphore_mem>>)
      %dma_wait3A = arith.constant 0 : i32
      %dma_wait3A_24 = tpu.memref_slice %arg3[%mul3A_4, %dma_wait3A] : memref<128x128xi32, #tpu.memory_space<hbm>> -> memref<8x128xi32, #tpu.memory_space<hbm>>
      %dma_wait3A_25 = arith.constant 0 : i32
      %dma_wait3A_26 = tpu.memref_slice %arg3[%mul3A_4, %dma_wait3A_25] : memref<128x128xi32, #tpu.memory_space<hbm>> -> memref<8x128xi32, #tpu.memory_space<hbm>>
      tpu.wait_dma2 semaphore(%run_scoped3A : memref<!tpu.dma_semaphore, #tpu.memory_space<semaphore_mem>>) src(%dma_wait3A_26 : memref<8x128xi32, #tpu.memory_space<hbm>>) dst(%arg6 : memref<8x128xi32, #tpu.memory_space<vmem>>)
      tpu.yield
    }) : () -> ()
    "tpu.region"() ({
      %run_scoped3A = tpu.sem_alloc : memref<!tpu.dma_semaphore, #tpu.memory_space<semaphore_mem>>
      %dma_start3A = arith.constant 0 : i32
      %dma_start3A_21 = tpu.memref_slice %arg4[%mul3A_2, %dma_start3A] : memref<16384x64xf32, #tpu.memory_space<hbm>> -> memref<512x64xf32, #tpu.memory_space<hbm>>
      %dma_start3A_22 = arith.constant 0 : i32
      %dma_start3A_23 = tpu.memref_slice %arg4[%mul3A_2, %dma_start3A_22] : memref<16384x64xf32, #tpu.memory_space<hbm>> -> memref<512x64xf32, #tpu.memory_space<hbm>>
      tpu.enqueue_dma source(%dma_start3A_23 : memref<512x64xf32, #tpu.memory_space<hbm>>) target(%arg7 : memref<512x64xf32, #tpu.memory_space<vmem>>) target_semaphore(%run_scoped3A : memref<!tpu.dma_semaphore, #tpu.memory_space<semaphore_mem>>)
      %dma_wait3A = arith.constant 0 : i32
      %dma_wait3A_24 = tpu.memref_slice %arg4[%mul3A_2, %dma_wait3A] : memref<16384x64xf32, #tpu.memory_space<hbm>> -> memref<512x64xf32, #tpu.memory_space<hbm>>
      %dma_wait3A_25 = arith.constant 0 : i32
      %dma_wait3A_26 = tpu.memref_slice %arg4[%mul3A_2, %dma_wait3A_25] : memref<16384x64xf32, #tpu.memory_space<hbm>> -> memref<512x64xf32, #tpu.memory_space<hbm>>
      tpu.wait_dma2 semaphore(%run_scoped3A : memref<!tpu.dma_semaphore, #tpu.memory_space<semaphore_mem>>) src(%dma_wait3A_26 : memref<512x64xf32, #tpu.memory_space<hbm>>) dst(%arg7 : memref<512x64xf32, #tpu.memory_space<vmem>>)
      tpu.yield
    }) : () -> ()
    %mul3A_5 = arith.constant 4 : i32
    %mul3A_6 = arith.muli %arg0, %mul3A_5 : i32
    %add3A_7 = arith.constant 0 : i32
    %add3A_8 = arith.addi %mul3A_6, %add3A_7 : i32
    "tpu.region"() ({
      %run_scoped3A = tpu.sem_alloc : memref<!tpu.dma_semaphore, #tpu.memory_space<semaphore_mem>>
      %dma_start3A = arith.constant 0 : i32
      %dma_start3A_21 = arith.constant 0 : i32
      %dma_start3A_22 = tpu.memref_slice %arg7[%dma_start3A, %dma_start3A_21] : memref<512x64xf32, #tpu.memory_space<vmem>> -> memref<128x64xf32, #tpu.memory_space<vmem>>
      %dma_start3A_23 = arith.constant 0 : i32
      %dma_start3A_24 = tpu.memref_slice %arg6[%add3A_8, %dma_start3A_23] : memref<8x128xi32, #tpu.memory_space<vmem>> -> memref<1x128xi32, #tpu.memory_space<vmem>>
      %dma_start3A_25 = tpu.memref_squeeze %dma_start3A_24 : memref<1x128xi32, #tpu.memory_space<vmem>> -> memref<128xi32, #tpu.memory_space<vmem>>
      %dma_start3A_26 = arith.constant 0 : i32
      %dma_start3A_27 = arith.constant 0 : i32
      %dma_start3A_28 = tpu.memref_slice %arg5[%dma_start3A_26, %dma_start3A_27] : memref<1000000x64xf32, #tpu.memory_space<hbm>> -> memref<1000000x64xf32, #tpu.memory_space<hbm>>
      tpu.enqueue_indirect_dma source(%dma_start3A_22 : memref<128x64xf32, #tpu.memory_space<vmem>>) target(%dma_start3A_28 : memref<1000000x64xf32, #tpu.memory_space<hbm>>) offsets(%dma_start3A_25 : memref<128xi32, #tpu.memory_space<vmem>>) semaphore(%run_scoped3A : memref<!tpu.dma_semaphore, #tpu.memory_space<semaphore_mem>>)
      %dma_wait3A = arith.constant 0 : i32
      %dma_wait3A_29 = arith.constant 0 : i32
      %dma_wait3A_30 = tpu.memref_slice %arg7[%dma_wait3A, %dma_wait3A_29] : memref<512x64xf32, #tpu.memory_space<vmem>> -> memref<128x64xf32, #tpu.memory_space<vmem>>
      %dma_wait3A_31 = arith.constant 0 : i32
      %dma_wait3A_32 = tpu.memref_slice %arg6[%add3A_8, %dma_wait3A_31] : memref<8x128xi32, #tpu.memory_space<vmem>> -> memref<1x128xi32, #tpu.memory_space<vmem>>
      %dma_wait3A_33 = tpu.memref_squeeze %dma_wait3A_32 : memref<1x128xi32, #tpu.memory_space<vmem>> -> memref<128xi32, #tpu.memory_space<vmem>>
      %dma_wait3A_34 = arith.constant 0 : i32
      %dma_wait3A_35 = arith.constant 0 : i32
      %dma_wait3A_36 = tpu.memref_slice %arg5[%dma_wait3A_34, %dma_wait3A_35] : memref<1000000x64xf32, #tpu.memory_space<hbm>> -> memref<1000000x64xf32, #tpu.memory_space<hbm>>
      tpu.wait_indirect_dma semaphore(%run_scoped3A : memref<!tpu.dma_semaphore, #tpu.memory_space<semaphore_mem>>) src(%dma_wait3A_30 : memref<128x64xf32, #tpu.memory_space<vmem>>) dst(%dma_wait3A_36 : memref<1000000x64xf32, #tpu.memory_space<hbm>>)
      tpu.yield
    }) : () -> ()
    %mul3A_9 = arith.constant 4 : i32
    %mul3A_10 = arith.muli %arg0, %mul3A_9 : i32
    %add3A_11 = arith.constant 1 : i32
    %add3A_12 = arith.addi %mul3A_10, %add3A_11 : i32
    "tpu.region"() ({
      %run_scoped3A = tpu.sem_alloc : memref<!tpu.dma_semaphore, #tpu.memory_space<semaphore_mem>>
      %dma_start3A = arith.constant 128 : i32
      %dma_start3A_21 = arith.constant 0 : i32
      %dma_start3A_22 = tpu.memref_slice %arg7[%dma_start3A, %dma_start3A_21] : memref<512x64xf32, #tpu.memory_space<vmem>> -> memref<128x64xf32, #tpu.memory_space<vmem>>
      %dma_start3A_23 = arith.constant 0 : i32
      %dma_start3A_24 = tpu.memref_slice %arg6[%add3A_12, %dma_start3A_23] : memref<8x128xi32, #tpu.memory_space<vmem>> -> memref<1x128xi32, #tpu.memory_space<vmem>>
      %dma_start3A_25 = tpu.memref_squeeze %dma_start3A_24 : memref<1x128xi32, #tpu.memory_space<vmem>> -> memref<128xi32, #tpu.memory_space<vmem>>
      %dma_start3A_26 = arith.constant 0 : i32
      %dma_start3A_27 = arith.constant 0 : i32
      %dma_start3A_28 = tpu.memref_slice %arg5[%dma_start3A_26, %dma_start3A_27] : memref<1000000x64xf32, #tpu.memory_space<hbm>> -> memref<1000000x64xf32, #tpu.memory_space<hbm>>
      tpu.enqueue_indirect_dma source(%dma_start3A_22 : memref<128x64xf32, #tpu.memory_space<vmem>>) target(%dma_start3A_28 : memref<1000000x64xf32, #tpu.memory_space<hbm>>) offsets(%dma_start3A_25 : memref<128xi32, #tpu.memory_space<vmem>>) semaphore(%run_scoped3A : memref<!tpu.dma_semaphore, #tpu.memory_space<semaphore_mem>>)
      %dma_wait3A = arith.constant 128 : i32
      %dma_wait3A_29 = arith.constant 0 : i32
      %dma_wait3A_30 = tpu.memref_slice %arg7[%dma_wait3A, %dma_wait3A_29] : memref<512x64xf32, #tpu.memory_space<vmem>> -> memref<128x64xf32, #tpu.memory_space<vmem>>
      %dma_wait3A_31 = arith.constant 0 : i32
      %dma_wait3A_32 = tpu.memref_slice %arg6[%add3A_12, %dma_wait3A_31] : memref<8x128xi32, #tpu.memory_space<vmem>> -> memref<1x128xi32, #tpu.memory_space<vmem>>
      %dma_wait3A_33 = tpu.memref_squeeze %dma_wait3A_32 : memref<1x128xi32, #tpu.memory_space<vmem>> -> memref<128xi32, #tpu.memory_space<vmem>>
      %dma_wait3A_34 = arith.constant 0 : i32
      %dma_wait3A_35 = arith.constant 0 : i32
      %dma_wait3A_36 = tpu.memref_slice %arg5[%dma_wait3A_34, %dma_wait3A_35] : memref<1000000x64xf32, #tpu.memory_space<hbm>> -> memref<1000000x64xf32, #tpu.memory_space<hbm>>
      tpu.wait_indirect_dma semaphore(%run_scoped3A : memref<!tpu.dma_semaphore, #tpu.memory_space<semaphore_mem>>) src(%dma_wait3A_30 : memref<128x64xf32, #tpu.memory_space<vmem>>) dst(%dma_wait3A_36 : memref<1000000x64xf32, #tpu.memory_space<hbm>>)
      tpu.yield
    }) : () -> ()
    %mul3A_13 = arith.constant 4 : i32
    %mul3A_14 = arith.muli %arg0, %mul3A_13 : i32
    %add3A_15 = arith.constant 2 : i32
    %add3A_16 = arith.addi %mul3A_14, %add3A_15 : i32
    "tpu.region"() ({
      %run_scoped3A = tpu.sem_alloc : memref<!tpu.dma_semaphore, #tpu.memory_space<semaphore_mem>>
      %dma_start3A = arith.constant 256 : i32
      %dma_start3A_21 = arith.constant 0 : i32
      %dma_start3A_22 = tpu.memref_slice %arg7[%dma_start3A, %dma_start3A_21] : memref<512x64xf32, #tpu.memory_space<vmem>> -> memref<128x64xf32, #tpu.memory_space<vmem>>
      %dma_start3A_23 = arith.constant 0 : i32
      %dma_start3A_24 = tpu.memref_slice %arg6[%add3A_16, %dma_start3A_23] : memref<8x128xi32, #tpu.memory_space<vmem>> -> memref<1x128xi32, #tpu.memory_space<vmem>>
      %dma_start3A_25 = tpu.memref_squeeze %dma_start3A_24 : memref<1x128xi32, #tpu.memory_space<vmem>> -> memref<128xi32, #tpu.memory_space<vmem>>
      %dma_start3A_26 = arith.constant 0 : i32
      %dma_start3A_27 = arith.constant 0 : i32
      %dma_start3A_28 = tpu.memref_slice %arg5[%dma_start3A_26, %dma_start3A_27] : memref<1000000x64xf32, #tpu.memory_space<hbm>> -> memref<1000000x64xf32, #tpu.memory_space<hbm>>
      tpu.enqueue_indirect_dma source(%dma_start3A_22 : memref<128x64xf32, #tpu.memory_space<vmem>>) target(%dma_start3A_28 : memref<1000000x64xf32, #tpu.memory_space<hbm>>) offsets(%dma_start3A_25 : memref<128xi32, #tpu.memory_space<vmem>>) semaphore(%run_scoped3A : memref<!tpu.dma_semaphore, #tpu.memory_space<semaphore_mem>>)
      %dma_wait3A = arith.constant 256 : i32
      %dma_wait3A_29 = arith.constant 0 : i32
      %dma_wait3A_30 = tpu.memref_slice %arg7[%dma_wait3A, %dma_wait3A_29] : memref<512x64xf32, #tpu.memory_space<vmem>> -> memref<128x64xf32, #tpu.memory_space<vmem>>
      %dma_wait3A_31 = arith.constant 0 : i32
      %dma_wait3A_32 = tpu.memref_slice %arg6[%add3A_16, %dma_wait3A_31] : memref<8x128xi32, #tpu.memory_space<vmem>> -> memref<1x128xi32, #tpu.memory_space<vmem>>
      %dma_wait3A_33 = tpu.memref_squeeze %dma_wait3A_32 : memref<1x128xi32, #tpu.memory_space<vmem>> -> memref<128xi32, #tpu.memory_space<vmem>>
      %dma_wait3A_34 = arith.constant 0 : i32
      %dma_wait3A_35 = arith.constant 0 : i32
      %dma_wait3A_36 = tpu.memref_slice %arg5[%dma_wait3A_34, %dma_wait3A_35] : memref<1000000x64xf32, #tpu.memory_space<hbm>> -> memref<1000000x64xf32, #tpu.memory_space<hbm>>
      tpu.wait_indirect_dma semaphore(%run_scoped3A : memref<!tpu.dma_semaphore, #tpu.memory_space<semaphore_mem>>) src(%dma_wait3A_30 : memref<128x64xf32, #tpu.memory_space<vmem>>) dst(%dma_wait3A_36 : memref<1000000x64xf32, #tpu.memory_space<hbm>>)
      tpu.yield
    }) : () -> ()
    %mul3A_17 = arith.constant 4 : i32
    %mul3A_18 = arith.muli %arg0, %mul3A_17 : i32
    %add3A_19 = arith.constant 3 : i32
    %add3A_20 = arith.addi %mul3A_18, %add3A_19 : i32
    "tpu.region"() ({
      %run_scoped3A = tpu.sem_alloc : memref<!tpu.dma_semaphore, #tpu.memory_space<semaphore_mem>>
      %dma_start3A = arith.constant 384 : i32
      %dma_start3A_21 = arith.constant 0 : i32
      %dma_start3A_22 = tpu.memref_slice %arg7[%dma_start3A, %dma_start3A_21] : memref<512x64xf32, #tpu.memory_space<vmem>> -> memref<128x64xf32, #tpu.memory_space<vmem>>
      %dma_start3A_23 = arith.constant 0 : i32
      %dma_start3A_24 = tpu.memref_slice %arg6[%add3A_20, %dma_start3A_23] : memref<8x128xi32, #tpu.memory_space<vmem>> -> memref<1x128xi32, #tpu.memory_space<vmem>>
      %dma_start3A_25 = tpu.memref_squeeze %dma_start3A_24 : memref<1x128xi32, #tpu.memory_space<vmem>> -> memref<128xi32, #tpu.memory_space<vmem>>
      %dma_start3A_26 = arith.constant 0 : i32
      %dma_start3A_27 = arith.constant 0 : i32
      %dma_start3A_28 = tpu.memref_slice %arg5[%dma_start3A_26, %dma_start3A_27] : memref<1000000x64xf32, #tpu.memory_space<hbm>> -> memref<1000000x64xf32, #tpu.memory_space<hbm>>
      tpu.enqueue_indirect_dma source(%dma_start3A_22 : memref<128x64xf32, #tpu.memory_space<vmem>>) target(%dma_start3A_28 : memref<1000000x64xf32, #tpu.memory_space<hbm>>) offsets(%dma_start3A_25 : memref<128xi32, #tpu.memory_space<vmem>>) semaphore(%run_scoped3A : memref<!tpu.dma_semaphore, #tpu.memory_space<semaphore_mem>>)
      %dma_wait3A = arith.constant 384 : i32
      %dma_wait3A_29 = arith.constant 0 : i32
      %dma_wait3A_30 = tpu.memref_slice %arg7[%dma_wait3A, %dma_wait3A_29] : memref<512x64xf32, #tpu.memory_space<vmem>> -> memref<128x64xf32, #tpu.memory_space<vmem>>
      %dma_wait3A_31 = arith.constant 0 : i32
      %dma_wait3A_32 = tpu.memref_slice %arg6[%add3A_20, %dma_wait3A_31] : memref<8x128xi32, #tpu.memory_space<vmem>> -> memref<1x128xi32, #tpu.memory_space<vmem>>
      %dma_wait3A_33 = tpu.memref_squeeze %dma_wait3A_32 : memref<1x128xi32, #tpu.memory_space<vmem>> -> memref<128xi32, #tpu.memory_space<vmem>>
      %dma_wait3A_34 = arith.constant 0 : i32
      %dma_wait3A_35 = arith.constant 0 : i32
      %dma_wait3A_36 = tpu.memref_slice %arg5[%dma_wait3A_34, %dma_wait3A_35] : memref<1000000x64xf32, #tpu.memory_space<hbm>> -> memref<1000000x64xf32, #tpu.memory_space<hbm>>
      tpu.wait_indirect_dma semaphore(%run_scoped3A : memref<!tpu.dma_semaphore, #tpu.memory_space<semaphore_mem>>) src(%dma_wait3A_30 : memref<128x64xf32, #tpu.memory_space<vmem>>) dst(%dma_wait3A_36 : memref<1000000x64xf32, #tpu.memory_space<hbm>>)
      tpu.yield
    }) : () -> ()
    return
  }
}

#map = affine_map<(d0, d1) -> (0, 0)>
module attributes {stable_mosaic.version = 14 : i64} {
  func.func @_gather_agg(%arg0: i32, %arg1: i32, %arg2: memref<1000000x64xf32, #tpu.memory_space<hbm>>, %arg3: memref<128x128xi32, #tpu.memory_space<hbm>>, %arg4: memref<2560x128xi32, #tpu.memory_space<hbm>>, %arg5: memref<16384x64xf32, #tpu.memory_space<hbm>>, %arg6: memref<16384x64xf32, #tpu.memory_space<hbm>>, %arg7: memref<8x128xi32, #tpu.memory_space<vmem>>, %arg8: memref<80x128xi32, #tpu.memory_space<vmem>>, %arg9: memref<640x64xf32, #tpu.memory_space<vmem>>, %arg10: memref<640x64xf32, #tpu.memory_space<vmem>>, %arg11: memref<32x64xf32, #tpu.memory_space<vmem>>, %arg12: memref<!tpu.dma_semaphore, #tpu.memory_space<semaphore_mem>>, %arg13: memref<!tpu.dma_semaphore, #tpu.memory_space<semaphore_mem>>) attributes {dimension_semantics = [#tpu.dimension_semantics<core_parallel>, #tpu.dimension_semantics<subcore_parallel>], iteration_bounds = array<i64: 2, 16>, scalar_prefetch = 0 : i64, scratch_operands = 7 : i64, tpu.core_type = #tpu.core_type<sc_vector_subcore>, window_params = [{transform_indices = #map}, {transform_indices = #map}, {transform_indices = #map}, {transform_indices = #map}, {transform_indices = #map}]} {
    %mul3A = arith.constant 2 : i32
    %mul3A_0 = arith.muli %arg1, %mul3A : i32
    %add3A = arith.addi %mul3A_0, %arg0 : i32
    %mul3A_1 = arith.constant 512 : i32
    %mul3A_2 = arith.muli %add3A, %mul3A_1 : i32
    %mul3A_3 = arith.constant 8 : i32
    %mul3A_4 = arith.muli %arg1, %mul3A_3 : i32
    "tpu.region"() ({
      %run_scoped3A = tpu.sem_alloc : memref<!tpu.dma_semaphore, #tpu.memory_space<semaphore_mem>>
      %dma_start3A_174 = arith.constant 0 : i32
      %dma_start3A_175 = tpu.memref_slice %arg3[%mul3A_4, %dma_start3A_174] : memref<128x128xi32, #tpu.memory_space<hbm>> -> memref<8x128xi32, #tpu.memory_space<hbm>>
      %dma_start3A_176 = arith.constant 0 : i32
      %dma_start3A_177 = tpu.memref_slice %arg3[%mul3A_4, %dma_start3A_176] : memref<128x128xi32, #tpu.memory_space<hbm>> -> memref<8x128xi32, #tpu.memory_space<hbm>>
      tpu.enqueue_dma source(%dma_start3A_177 : memref<8x128xi32, #tpu.memory_space<hbm>>) target(%arg7 : memref<8x128xi32, #tpu.memory_space<vmem>>) target_semaphore(%run_scoped3A : memref<!tpu.dma_semaphore, #tpu.memory_space<semaphore_mem>>)
      %dma_wait3A_178 = arith.constant 0 : i32
      %dma_wait3A_179 = tpu.memref_slice %arg3[%mul3A_4, %dma_wait3A_178] : memref<128x128xi32, #tpu.memory_space<hbm>> -> memref<8x128xi32, #tpu.memory_space<hbm>>
      %dma_wait3A_180 = arith.constant 0 : i32
      %dma_wait3A_181 = tpu.memref_slice %arg3[%mul3A_4, %dma_wait3A_180] : memref<128x128xi32, #tpu.memory_space<hbm>> -> memref<8x128xi32, #tpu.memory_space<hbm>>
      tpu.wait_dma2 semaphore(%run_scoped3A : memref<!tpu.dma_semaphore, #tpu.memory_space<semaphore_mem>>) src(%dma_wait3A_181 : memref<8x128xi32, #tpu.memory_space<hbm>>) dst(%arg7 : memref<8x128xi32, #tpu.memory_space<vmem>>)
      tpu.yield
    }) : () -> ()
    %mul3A_5 = arith.constant 80 : i32
    %mul3A_6 = arith.muli %add3A, %mul3A_5 : i32
    "tpu.region"() ({
      %run_scoped3A = tpu.sem_alloc : memref<!tpu.dma_semaphore, #tpu.memory_space<semaphore_mem>>
      %dma_start3A_174 = arith.constant 0 : i32
      %dma_start3A_175 = tpu.memref_slice %arg4[%mul3A_6, %dma_start3A_174] : memref<2560x128xi32, #tpu.memory_space<hbm>> -> memref<80x128xi32, #tpu.memory_space<hbm>>
      %dma_start3A_176 = arith.constant 0 : i32
      %dma_start3A_177 = tpu.memref_slice %arg4[%mul3A_6, %dma_start3A_176] : memref<2560x128xi32, #tpu.memory_space<hbm>> -> memref<80x128xi32, #tpu.memory_space<hbm>>
      tpu.enqueue_dma source(%dma_start3A_177 : memref<80x128xi32, #tpu.memory_space<hbm>>) target(%arg8 : memref<80x128xi32, #tpu.memory_space<vmem>>) target_semaphore(%run_scoped3A : memref<!tpu.dma_semaphore, #tpu.memory_space<semaphore_mem>>)
      %dma_wait3A_178 = arith.constant 0 : i32
      %dma_wait3A_179 = tpu.memref_slice %arg4[%mul3A_6, %dma_wait3A_178] : memref<2560x128xi32, #tpu.memory_space<hbm>> -> memref<80x128xi32, #tpu.memory_space<hbm>>
      %dma_wait3A_180 = arith.constant 0 : i32
      %dma_wait3A_181 = tpu.memref_slice %arg4[%mul3A_6, %dma_wait3A_180] : memref<2560x128xi32, #tpu.memory_space<hbm>> -> memref<80x128xi32, #tpu.memory_space<hbm>>
      tpu.wait_dma2 semaphore(%run_scoped3A : memref<!tpu.dma_semaphore, #tpu.memory_space<semaphore_mem>>) src(%dma_wait3A_181 : memref<80x128xi32, #tpu.memory_space<hbm>>) dst(%arg8 : memref<80x128xi32, #tpu.memory_space<vmem>>)
      tpu.yield
    }) : () -> ()
    %mul3A_7 = arith.constant 4 : i32
    %mul3A_8 = arith.muli %arg0, %mul3A_7 : i32
    %add3A_9 = arith.constant 0 : i32
    %add3A_10 = arith.addi %mul3A_8, %add3A_9 : i32
    %dma_start3A = arith.constant 0 : i32
    %dma_start3A_11 = arith.constant 0 : i32
    %dma_start3A_12 = tpu.memref_slice %arg9[%dma_start3A, %dma_start3A_11] : memref<640x64xf32, #tpu.memory_space<vmem>> -> memref<128x64xf32, #tpu.memory_space<vmem>>
    %dma_start3A_13 = arith.constant 0 : i32
    %dma_start3A_14 = tpu.memref_slice %arg7[%add3A_10, %dma_start3A_13] : memref<8x128xi32, #tpu.memory_space<vmem>> -> memref<1x128xi32, #tpu.memory_space<vmem>>
    %dma_start3A_15 = tpu.memref_squeeze %dma_start3A_14 : memref<1x128xi32, #tpu.memory_space<vmem>> -> memref<128xi32, #tpu.memory_space<vmem>>
    %dma_start3A_16 = arith.constant 0 : i32
    %dma_start3A_17 = arith.constant 0 : i32
    %dma_start3A_18 = tpu.memref_slice %arg2[%dma_start3A_16, %dma_start3A_17] : memref<1000000x64xf32, #tpu.memory_space<hbm>> -> memref<1000000x64xf32, #tpu.memory_space<hbm>>
    tpu.enqueue_indirect_dma source(%dma_start3A_18 : memref<1000000x64xf32, #tpu.memory_space<hbm>>) target(%dma_start3A_12 : memref<128x64xf32, #tpu.memory_space<vmem>>) offsets(%dma_start3A_15 : memref<128xi32, #tpu.memory_space<vmem>>) semaphore(%arg12 : memref<!tpu.dma_semaphore, #tpu.memory_space<semaphore_mem>>)
    %mul3A_19 = arith.constant 4 : i32
    %mul3A_20 = arith.muli %arg0, %mul3A_19 : i32
    %add3A_21 = arith.constant 1 : i32
    %add3A_22 = arith.addi %mul3A_20, %add3A_21 : i32
    %dma_start3A_23 = arith.constant 128 : i32
    %dma_start3A_24 = arith.constant 0 : i32
    %dma_start3A_25 = tpu.memref_slice %arg9[%dma_start3A_23, %dma_start3A_24] : memref<640x64xf32, #tpu.memory_space<vmem>> -> memref<128x64xf32, #tpu.memory_space<vmem>>
    %dma_start3A_26 = arith.constant 0 : i32
    %dma_start3A_27 = tpu.memref_slice %arg7[%add3A_22, %dma_start3A_26] : memref<8x128xi32, #tpu.memory_space<vmem>> -> memref<1x128xi32, #tpu.memory_space<vmem>>
    %dma_start3A_28 = tpu.memref_squeeze %dma_start3A_27 : memref<1x128xi32, #tpu.memory_space<vmem>> -> memref<128xi32, #tpu.memory_space<vmem>>
    %dma_start3A_29 = arith.constant 0 : i32
    %dma_start3A_30 = arith.constant 0 : i32
    %dma_start3A_31 = tpu.memref_slice %arg2[%dma_start3A_29, %dma_start3A_30] : memref<1000000x64xf32, #tpu.memory_space<hbm>> -> memref<1000000x64xf32, #tpu.memory_space<hbm>>
    tpu.enqueue_indirect_dma source(%dma_start3A_31 : memref<1000000x64xf32, #tpu.memory_space<hbm>>) target(%dma_start3A_25 : memref<128x64xf32, #tpu.memory_space<vmem>>) offsets(%dma_start3A_28 : memref<128xi32, #tpu.memory_space<vmem>>) semaphore(%arg12 : memref<!tpu.dma_semaphore, #tpu.memory_space<semaphore_mem>>)
    %mul3A_32 = arith.constant 4 : i32
    %mul3A_33 = arith.muli %arg0, %mul3A_32 : i32
    %add3A_34 = arith.constant 2 : i32
    %add3A_35 = arith.addi %mul3A_33, %add3A_34 : i32
    %dma_start3A_36 = arith.constant 256 : i32
    %dma_start3A_37 = arith.constant 0 : i32
    %dma_start3A_38 = tpu.memref_slice %arg9[%dma_start3A_36, %dma_start3A_37] : memref<640x64xf32, #tpu.memory_space<vmem>> -> memref<128x64xf32, #tpu.memory_space<vmem>>
    %dma_start3A_39 = arith.constant 0 : i32
    %dma_start3A_40 = tpu.memref_slice %arg7[%add3A_35, %dma_start3A_39] : memref<8x128xi32, #tpu.memory_space<vmem>> -> memref<1x128xi32, #tpu.memory_space<vmem>>
    %dma_start3A_41 = tpu.memref_squeeze %dma_start3A_40 : memref<1x128xi32, #tpu.memory_space<vmem>> -> memref<128xi32, #tpu.memory_space<vmem>>
    %dma_start3A_42 = arith.constant 0 : i32
    %dma_start3A_43 = arith.constant 0 : i32
    %dma_start3A_44 = tpu.memref_slice %arg2[%dma_start3A_42, %dma_start3A_43] : memref<1000000x64xf32, #tpu.memory_space<hbm>> -> memref<1000000x64xf32, #tpu.memory_space<hbm>>
    tpu.enqueue_indirect_dma source(%dma_start3A_44 : memref<1000000x64xf32, #tpu.memory_space<hbm>>) target(%dma_start3A_38 : memref<128x64xf32, #tpu.memory_space<vmem>>) offsets(%dma_start3A_41 : memref<128xi32, #tpu.memory_space<vmem>>) semaphore(%arg12 : memref<!tpu.dma_semaphore, #tpu.memory_space<semaphore_mem>>)
    %mul3A_45 = arith.constant 4 : i32
    %mul3A_46 = arith.muli %arg0, %mul3A_45 : i32
    %add3A_47 = arith.constant 3 : i32
    %add3A_48 = arith.addi %mul3A_46, %add3A_47 : i32
    %dma_start3A_49 = arith.constant 384 : i32
    %dma_start3A_50 = arith.constant 0 : i32
    %dma_start3A_51 = tpu.memref_slice %arg9[%dma_start3A_49, %dma_start3A_50] : memref<640x64xf32, #tpu.memory_space<vmem>> -> memref<128x64xf32, #tpu.memory_space<vmem>>
    %dma_start3A_52 = arith.constant 0 : i32
    %dma_start3A_53 = tpu.memref_slice %arg7[%add3A_48, %dma_start3A_52] : memref<8x128xi32, #tpu.memory_space<vmem>> -> memref<1x128xi32, #tpu.memory_space<vmem>>
    %dma_start3A_54 = tpu.memref_squeeze %dma_start3A_53 : memref<1x128xi32, #tpu.memory_space<vmem>> -> memref<128xi32, #tpu.memory_space<vmem>>
    %dma_start3A_55 = arith.constant 0 : i32
    %dma_start3A_56 = arith.constant 0 : i32
    %dma_start3A_57 = tpu.memref_slice %arg2[%dma_start3A_55, %dma_start3A_56] : memref<1000000x64xf32, #tpu.memory_space<hbm>> -> memref<1000000x64xf32, #tpu.memory_space<hbm>>
    tpu.enqueue_indirect_dma source(%dma_start3A_57 : memref<1000000x64xf32, #tpu.memory_space<hbm>>) target(%dma_start3A_51 : memref<128x64xf32, #tpu.memory_space<vmem>>) offsets(%dma_start3A_54 : memref<128xi32, #tpu.memory_space<vmem>>) semaphore(%arg12 : memref<!tpu.dma_semaphore, #tpu.memory_space<semaphore_mem>>)
    %dma_start3A_58 = arith.constant 0 : i32
    %dma_start3A_59 = arith.constant 0 : i32
    %dma_start3A_60 = arith.constant 0 : i32
    %dma_start3A_61 = tpu.memref_slice %arg10[%dma_start3A_59, %dma_start3A_60] : memref<640x64xf32, #tpu.memory_space<vmem>> -> memref<128x64xf32, #tpu.memory_space<vmem>>
    %dma_start3A_62 = arith.constant 0 : i32
    %dma_start3A_63 = tpu.memref_slice %arg8[%dma_start3A_58, %dma_start3A_62] : memref<80x128xi32, #tpu.memory_space<vmem>> -> memref<1x128xi32, #tpu.memory_space<vmem>>
    %dma_start3A_64 = tpu.memref_squeeze %dma_start3A_63 : memref<1x128xi32, #tpu.memory_space<vmem>> -> memref<128xi32, #tpu.memory_space<vmem>>
    %dma_start3A_65 = arith.constant 0 : i32
    %dma_start3A_66 = arith.constant 0 : i32
    %dma_start3A_67 = tpu.memref_slice %arg2[%dma_start3A_65, %dma_start3A_66] : memref<1000000x64xf32, #tpu.memory_space<hbm>> -> memref<1000000x64xf32, #tpu.memory_space<hbm>>
    tpu.enqueue_indirect_dma source(%dma_start3A_67 : memref<1000000x64xf32, #tpu.memory_space<hbm>>) target(%dma_start3A_61 : memref<128x64xf32, #tpu.memory_space<vmem>>) offsets(%dma_start3A_64 : memref<128xi32, #tpu.memory_space<vmem>>) semaphore(%arg13 : memref<!tpu.dma_semaphore, #tpu.memory_space<semaphore_mem>>)
    %dma_start3A_68 = arith.constant 1 : i32
    %dma_start3A_69 = arith.constant 128 : i32
    %dma_start3A_70 = arith.constant 0 : i32
    %dma_start3A_71 = tpu.memref_slice %arg10[%dma_start3A_69, %dma_start3A_70] : memref<640x64xf32, #tpu.memory_space<vmem>> -> memref<128x64xf32, #tpu.memory_space<vmem>>
    %dma_start3A_72 = arith.constant 0 : i32
    %dma_start3A_73 = tpu.memref_slice %arg8[%dma_start3A_68, %dma_start3A_72] : memref<80x128xi32, #tpu.memory_space<vmem>> -> memref<1x128xi32, #tpu.memory_space<vmem>>
    %dma_start3A_74 = tpu.memref_squeeze %dma_start3A_73 : memref<1x128xi32, #tpu.memory_space<vmem>> -> memref<128xi32, #tpu.memory_space<vmem>>
    %dma_start3A_75 = arith.constant 0 : i32
    %dma_start3A_76 = arith.constant 0 : i32
    %dma_start3A_77 = tpu.memref_slice %arg2[%dma_start3A_75, %dma_start3A_76] : memref<1000000x64xf32, #tpu.memory_space<hbm>> -> memref<1000000x64xf32, #tpu.memory_space<hbm>>
    tpu.enqueue_indirect_dma source(%dma_start3A_77 : memref<1000000x64xf32, #tpu.memory_space<hbm>>) target(%dma_start3A_71 : memref<128x64xf32, #tpu.memory_space<vmem>>) offsets(%dma_start3A_74 : memref<128xi32, #tpu.memory_space<vmem>>) semaphore(%arg13 : memref<!tpu.dma_semaphore, #tpu.memory_space<semaphore_mem>>)
    %dma_start3A_78 = arith.constant 2 : i32
    %dma_start3A_79 = arith.constant 256 : i32
    %dma_start3A_80 = arith.constant 0 : i32
    %dma_start3A_81 = tpu.memref_slice %arg10[%dma_start3A_79, %dma_start3A_80] : memref<640x64xf32, #tpu.memory_space<vmem>> -> memref<128x64xf32, #tpu.memory_space<vmem>>
    %dma_start3A_82 = arith.constant 0 : i32
    %dma_start3A_83 = tpu.memref_slice %arg8[%dma_start3A_78, %dma_start3A_82] : memref<80x128xi32, #tpu.memory_space<vmem>> -> memref<1x128xi32, #tpu.memory_space<vmem>>
    %dma_start3A_84 = tpu.memref_squeeze %dma_start3A_83 : memref<1x128xi32, #tpu.memory_space<vmem>> -> memref<128xi32, #tpu.memory_space<vmem>>
    %dma_start3A_85 = arith.constant 0 : i32
    %dma_start3A_86 = arith.constant 0 : i32
    %dma_start3A_87 = tpu.memref_slice %arg2[%dma_start3A_85, %dma_start3A_86] : memref<1000000x64xf32, #tpu.memory_space<hbm>> -> memref<1000000x64xf32, #tpu.memory_space<hbm>>
    tpu.enqueue_indirect_dma source(%dma_start3A_87 : memref<1000000x64xf32, #tpu.memory_space<hbm>>) target(%dma_start3A_81 : memref<128x64xf32, #tpu.memory_space<vmem>>) offsets(%dma_start3A_84 : memref<128xi32, #tpu.memory_space<vmem>>) semaphore(%arg13 : memref<!tpu.dma_semaphore, #tpu.memory_space<semaphore_mem>>)
    %dma_start3A_88 = arith.constant 3 : i32
    %dma_start3A_89 = arith.constant 384 : i32
    %dma_start3A_90 = arith.constant 0 : i32
    %dma_start3A_91 = tpu.memref_slice %arg10[%dma_start3A_89, %dma_start3A_90] : memref<640x64xf32, #tpu.memory_space<vmem>> -> memref<128x64xf32, #tpu.memory_space<vmem>>
    %dma_start3A_92 = arith.constant 0 : i32
    %dma_start3A_93 = tpu.memref_slice %arg8[%dma_start3A_88, %dma_start3A_92] : memref<80x128xi32, #tpu.memory_space<vmem>> -> memref<1x128xi32, #tpu.memory_space<vmem>>
    %dma_start3A_94 = tpu.memref_squeeze %dma_start3A_93 : memref<1x128xi32, #tpu.memory_space<vmem>> -> memref<128xi32, #tpu.memory_space<vmem>>
    %dma_start3A_95 = arith.constant 0 : i32
    %dma_start3A_96 = arith.constant 0 : i32
    %dma_start3A_97 = tpu.memref_slice %arg2[%dma_start3A_95, %dma_start3A_96] : memref<1000000x64xf32, #tpu.memory_space<hbm>> -> memref<1000000x64xf32, #tpu.memory_space<hbm>>
    tpu.enqueue_indirect_dma source(%dma_start3A_97 : memref<1000000x64xf32, #tpu.memory_space<hbm>>) target(%dma_start3A_91 : memref<128x64xf32, #tpu.memory_space<vmem>>) offsets(%dma_start3A_94 : memref<128xi32, #tpu.memory_space<vmem>>) semaphore(%arg13 : memref<!tpu.dma_semaphore, #tpu.memory_space<semaphore_mem>>)
    %dma_start3A_98 = arith.constant 4 : i32
    %dma_start3A_99 = arith.constant 512 : i32
    %dma_start3A_100 = arith.constant 0 : i32
    %dma_start3A_101 = tpu.memref_slice %arg10[%dma_start3A_99, %dma_start3A_100] : memref<640x64xf32, #tpu.memory_space<vmem>> -> memref<128x64xf32, #tpu.memory_space<vmem>>
    %dma_start3A_102 = arith.constant 0 : i32
    %dma_start3A_103 = tpu.memref_slice %arg8[%dma_start3A_98, %dma_start3A_102] : memref<80x128xi32, #tpu.memory_space<vmem>> -> memref<1x128xi32, #tpu.memory_space<vmem>>
    %dma_start3A_104 = tpu.memref_squeeze %dma_start3A_103 : memref<1x128xi32, #tpu.memory_space<vmem>> -> memref<128xi32, #tpu.memory_space<vmem>>
    %dma_start3A_105 = arith.constant 0 : i32
    %dma_start3A_106 = arith.constant 0 : i32
    %dma_start3A_107 = tpu.memref_slice %arg2[%dma_start3A_105, %dma_start3A_106] : memref<1000000x64xf32, #tpu.memory_space<hbm>> -> memref<1000000x64xf32, #tpu.memory_space<hbm>>
    tpu.enqueue_indirect_dma source(%dma_start3A_107 : memref<1000000x64xf32, #tpu.memory_space<hbm>>) target(%dma_start3A_101 : memref<128x64xf32, #tpu.memory_space<vmem>>) offsets(%dma_start3A_104 : memref<128xi32, #tpu.memory_space<vmem>>) semaphore(%arg13 : memref<!tpu.dma_semaphore, #tpu.memory_space<semaphore_mem>>)
    %dma_wait3A = arith.constant 0 : i32
    %dma_wait3A_108 = arith.constant 0 : i32
    %dma_wait3A_109 = tpu.memref_slice %arg9[%dma_wait3A, %dma_wait3A_108] : memref<640x64xf32, #tpu.memory_space<vmem>> -> memref<512x64xf32, #tpu.memory_space<vmem>>
    %dma_wait3A_110 = arith.constant 0 : i32
    %dma_wait3A_111 = arith.constant 0 : i32
    %dma_wait3A_112 = tpu.memref_slice %arg2[%dma_wait3A_110, %dma_wait3A_111] : memref<1000000x64xf32, #tpu.memory_space<hbm>> -> memref<512x64xf32, #tpu.memory_space<hbm>>
    %dma_wait3A_113 = arith.constant 0 : i32
    %dma_wait3A_114 = arith.constant 0 : i32
    %dma_wait3A_115 = tpu.memref_slice %arg9[%dma_wait3A_113, %dma_wait3A_114] : memref<640x64xf32, #tpu.memory_space<vmem>> -> memref<512x64xf32, #tpu.memory_space<vmem>>
    %dma_wait3A_116 = arith.constant 0 : i32
    %dma_wait3A_117 = arith.constant 0 : i32
    %dma_wait3A_118 = tpu.memref_slice %arg2[%dma_wait3A_116, %dma_wait3A_117] : memref<1000000x64xf32, #tpu.memory_space<hbm>> -> memref<512x64xf32, #tpu.memory_space<hbm>>
    tpu.wait_dma2 semaphore(%arg12 : memref<!tpu.dma_semaphore, #tpu.memory_space<semaphore_mem>>) src(%dma_wait3A_118 : memref<512x64xf32, #tpu.memory_space<hbm>>) dst(%dma_wait3A_115 : memref<512x64xf32, #tpu.memory_space<vmem>>)
    "tpu.region"() ({
      %run_scoped3A = tpu.sem_alloc : memref<!tpu.dma_semaphore, #tpu.memory_space<semaphore_mem>>
      %dma_start3A_174 = arith.constant 0 : i32
      %dma_start3A_175 = arith.constant 0 : i32
      %dma_start3A_176 = tpu.memref_slice %arg9[%dma_start3A_174, %dma_start3A_175] : memref<640x64xf32, #tpu.memory_space<vmem>> -> memref<512x64xf32, #tpu.memory_space<vmem>>
      %dma_start3A_177 = arith.constant 0 : i32
      %dma_start3A_178 = tpu.memref_slice %arg5[%mul3A_2, %dma_start3A_177] : memref<16384x64xf32, #tpu.memory_space<hbm>> -> memref<512x64xf32, #tpu.memory_space<hbm>>
      %dma_start3A_179 = arith.constant 0 : i32
      %dma_start3A_180 = tpu.memref_slice %arg5[%mul3A_2, %dma_start3A_179] : memref<16384x64xf32, #tpu.memory_space<hbm>> -> memref<512x64xf32, #tpu.memory_space<hbm>>
      %dma_start3A_181 = arith.constant 0 : i32
      %dma_start3A_182 = arith.constant 0 : i32
      %dma_start3A_183 = tpu.memref_slice %arg9[%dma_start3A_181, %dma_start3A_182] : memref<640x64xf32, #tpu.memory_space<vmem>> -> memref<512x64xf32, #tpu.memory_space<vmem>>
      tpu.enqueue_dma source(%dma_start3A_183 : memref<512x64xf32, #tpu.memory_space<vmem>>) target(%dma_start3A_180 : memref<512x64xf32, #tpu.memory_space<hbm>>) target_semaphore(%run_scoped3A : memref<!tpu.dma_semaphore, #tpu.memory_space<semaphore_mem>>)
      %dma_wait3A_184 = arith.constant 0 : i32
      %dma_wait3A_185 = arith.constant 0 : i32
      %dma_wait3A_186 = tpu.memref_slice %arg9[%dma_wait3A_184, %dma_wait3A_185] : memref<640x64xf32, #tpu.memory_space<vmem>> -> memref<512x64xf32, #tpu.memory_space<vmem>>
      %dma_wait3A_187 = arith.constant 0 : i32
      %dma_wait3A_188 = tpu.memref_slice %arg5[%mul3A_2, %dma_wait3A_187] : memref<16384x64xf32, #tpu.memory_space<hbm>> -> memref<512x64xf32, #tpu.memory_space<hbm>>
      %dma_wait3A_189 = arith.constant 0 : i32
      %dma_wait3A_190 = tpu.memref_slice %arg5[%mul3A_2, %dma_wait3A_189] : memref<16384x64xf32, #tpu.memory_space<hbm>> -> memref<512x64xf32, #tpu.memory_space<hbm>>
      %dma_wait3A_191 = arith.constant 0 : i32
      %dma_wait3A_192 = arith.constant 0 : i32
      %dma_wait3A_193 = tpu.memref_slice %arg9[%dma_wait3A_191, %dma_wait3A_192] : memref<640x64xf32, #tpu.memory_space<vmem>> -> memref<512x64xf32, #tpu.memory_space<vmem>>
      tpu.wait_dma2 semaphore(%run_scoped3A : memref<!tpu.dma_semaphore, #tpu.memory_space<semaphore_mem>>) src(%dma_wait3A_193 : memref<512x64xf32, #tpu.memory_space<vmem>>) dst(%dma_wait3A_190 : memref<512x64xf32, #tpu.memory_space<hbm>>)
      tpu.yield
    }) : () -> ()
    %dma_start3A_119 = arith.constant 5 : i32
    %dma_start3A_120 = arith.constant 0 : i32
    %dma_start3A_121 = arith.constant 0 : i32
    %dma_start3A_122 = tpu.memref_slice %arg9[%dma_start3A_120, %dma_start3A_121] : memref<640x64xf32, #tpu.memory_space<vmem>> -> memref<128x64xf32, #tpu.memory_space<vmem>>
    %dma_start3A_123 = arith.constant 0 : i32
    %dma_start3A_124 = tpu.memref_slice %arg8[%dma_start3A_119, %dma_start3A_123] : memref<80x128xi32, #tpu.memory_space<vmem>> -> memref<1x128xi32, #tpu.memory_space<vmem>>
    %dma_start3A_125 = tpu.memref_squeeze %dma_start3A_124 : memref<1x128xi32, #tpu.memory_space<vmem>> -> memref<128xi32, #tpu.memory_space<vmem>>
    %dma_start3A_126 = arith.constant 0 : i32
    %dma_start3A_127 = arith.constant 0 : i32
    %dma_start3A_128 = tpu.memref_slice %arg2[%dma_start3A_126, %dma_start3A_127] : memref<1000000x64xf32, #tpu.memory_space<hbm>> -> memref<1000000x64xf32, #tpu.memory_space<hbm>>
    tpu.enqueue_indirect_dma source(%dma_start3A_128 : memref<1000000x64xf32, #tpu.memory_space<hbm>>) target(%dma_start3A_122 : memref<128x64xf32, #tpu.memory_space<vmem>>) offsets(%dma_start3A_125 : memref<128xi32, #tpu.memory_space<vmem>>) semaphore(%arg12 : memref<!tpu.dma_semaphore, #tpu.memory_space<semaphore_mem>>)
    %dma_start3A_129 = arith.constant 6 : i32
    %dma_start3A_130 = arith.constant 128 : i32
    %dma_start3A_131 = arith.constant 0 : i32
    %dma_start3A_132 = tpu.memref_slice %arg9[%dma_start3A_130, %dma_start3A_131] : memref<640x64xf32, #tpu.memory_space<vmem>> -> memref<128x64xf32, #tpu.memory_space<vmem>>
    %dma_start3A_133 = arith.constant 0 : i32
    %dma_start3A_134 = tpu.memref_slice %arg8[%dma_start3A_129, %dma_start3A_133] : memref<80x128xi32, #tpu.memory_space<vmem>> -> memref<1x128xi32, #tpu.memory_space<vmem>>
    %dma_start3A_135 = tpu.memref_squeeze %dma_start3A_134 : memref<1x128xi32, #tpu.memory_space<vmem>> -> memref<128xi32, #tpu.memory_space<vmem>>
    %dma_start3A_136 = arith.constant 0 : i32
    %dma_start3A_137 = arith.constant 0 : i32
    %dma_start3A_138 = tpu.memref_slice %arg2[%dma_start3A_136, %dma_start3A_137] : memref<1000000x64xf32, #tpu.memory_space<hbm>> -> memref<1000000x64xf32, #tpu.memory_space<hbm>>
    tpu.enqueue_indirect_dma source(%dma_start3A_138 : memref<1000000x64xf32, #tpu.memory_space<hbm>>) target(%dma_start3A_132 : memref<128x64xf32, #tpu.memory_space<vmem>>) offsets(%dma_start3A_135 : memref<128xi32, #tpu.memory_space<vmem>>) semaphore(%arg12 : memref<!tpu.dma_semaphore, #tpu.memory_space<semaphore_mem>>)
    %dma_start3A_139 = arith.constant 7 : i32
    %dma_start3A_140 = arith.constant 256 : i32
    %dma_start3A_141 = arith.constant 0 : i32
    %dma_start3A_142 = tpu.memref_slice %arg9[%dma_start3A_140, %dma_start3A_141] : memref<640x64xf32, #tpu.memory_space<vmem>> -> memref<128x64xf32, #tpu.memory_space<vmem>>
    %dma_start3A_143 = arith.constant 0 : i32
    %dma_start3A_144 = tpu.memref_slice %arg8[%dma_start3A_139, %dma_start3A_143] : memref<80x128xi32, #tpu.memory_space<vmem>> -> memref<1x128xi32, #tpu.memory_space<vmem>>
    %dma_start3A_145 = tpu.memref_squeeze %dma_start3A_144 : memref<1x128xi32, #tpu.memory_space<vmem>> -> memref<128xi32, #tpu.memory_space<vmem>>
    %dma_start3A_146 = arith.constant 0 : i32
    %dma_start3A_147 = arith.constant 0 : i32
    %dma_start3A_148 = tpu.memref_slice %arg2[%dma_start3A_146, %dma_start3A_147] : memref<1000000x64xf32, #tpu.memory_space<hbm>> -> memref<1000000x64xf32, #tpu.memory_space<hbm>>
    tpu.enqueue_indirect_dma source(%dma_start3A_148 : memref<1000000x64xf32, #tpu.memory_space<hbm>>) target(%dma_start3A_142 : memref<128x64xf32, #tpu.memory_space<vmem>>) offsets(%dma_start3A_145 : memref<128xi32, #tpu.memory_space<vmem>>) semaphore(%arg12 : memref<!tpu.dma_semaphore, #tpu.memory_space<semaphore_mem>>)
    %dma_start3A_149 = arith.constant 8 : i32
    %dma_start3A_150 = arith.constant 384 : i32
    %dma_start3A_151 = arith.constant 0 : i32
    %dma_start3A_152 = tpu.memref_slice %arg9[%dma_start3A_150, %dma_start3A_151] : memref<640x64xf32, #tpu.memory_space<vmem>> -> memref<128x64xf32, #tpu.memory_space<vmem>>
    %dma_start3A_153 = arith.constant 0 : i32
    %dma_start3A_154 = tpu.memref_slice %arg8[%dma_start3A_149, %dma_start3A_153] : memref<80x128xi32, #tpu.memory_space<vmem>> -> memref<1x128xi32, #tpu.memory_space<vmem>>
    %dma_start3A_155 = tpu.memref_squeeze %dma_start3A_154 : memref<1x128xi32, #tpu.memory_space<vmem>> -> memref<128xi32, #tpu.memory_space<vmem>>
    %dma_start3A_156 = arith.constant 0 : i32
    %dma_start3A_157 = arith.constant 0 : i32
    %dma_start3A_158 = tpu.memref_slice %arg2[%dma_start3A_156, %dma_start3A_157] : memref<1000000x64xf32, #tpu.memory_space<hbm>> -> memref<1000000x64xf32, #tpu.memory_space<hbm>>
    tpu.enqueue_indirect_dma source(%dma_start3A_158 : memref<1000000x64xf32, #tpu.memory_space<hbm>>) target(%dma_start3A_152 : memref<128x64xf32, #tpu.memory_space<vmem>>) offsets(%dma_start3A_155 : memref<128xi32, #tpu.memory_space<vmem>>) semaphore(%arg12 : memref<!tpu.dma_semaphore, #tpu.memory_space<semaphore_mem>>)
    %dma_start3A_159 = arith.constant 9 : i32
    %dma_start3A_160 = arith.constant 512 : i32
    %dma_start3A_161 = arith.constant 0 : i32
    %dma_start3A_162 = tpu.memref_slice %arg9[%dma_start3A_160, %dma_start3A_161] : memref<640x64xf32, #tpu.memory_space<vmem>> -> memref<128x64xf32, #tpu.memory_space<vmem>>
    %dma_start3A_163 = arith.constant 0 : i32
    %dma_start3A_164 = tpu.memref_slice %arg8[%dma_start3A_159, %dma_start3A_163] : memref<80x128xi32, #tpu.memory_space<vmem>> -> memref<1x128xi32, #tpu.memory_space<vmem>>
    %dma_start3A_165 = tpu.memref_squeeze %dma_start3A_164 : memref<1x128xi32, #tpu.memory_space<vmem>> -> memref<128xi32, #tpu.memory_space<vmem>>
    %dma_start3A_166 = arith.constant 0 : i32
    %dma_start3A_167 = arith.constant 0 : i32
    %dma_start3A_168 = tpu.memref_slice %arg2[%dma_start3A_166, %dma_start3A_167] : memref<1000000x64xf32, #tpu.memory_space<hbm>> -> memref<1000000x64xf32, #tpu.memory_space<hbm>>
    tpu.enqueue_indirect_dma source(%dma_start3A_168 : memref<1000000x64xf32, #tpu.memory_space<hbm>>) target(%dma_start3A_162 : memref<128x64xf32, #tpu.memory_space<vmem>>) offsets(%dma_start3A_165 : memref<128xi32, #tpu.memory_space<vmem>>) semaphore(%arg12 : memref<!tpu.dma_semaphore, #tpu.memory_space<semaphore_mem>>)
    %scan3A = arith.constant 0 : i32
    %scan3A_169 = arith.constant 0 : i32
    %scan3A_170 = arith.constant 8 : i32
    %scan3A_171 = arith.addi %scan3A_169, %scan3A_170 : i32
    %scan3A_172 = arith.constant 1 : i32
    scf.for %scan3A_174 = %scan3A_169 to %scan3A_171 step %scan3A_172  : i32 {
      %mul3A_175 = arith.constant 2 : i32
      %mul3A_176 = arith.muli %mul3A_175, %scan3A_174 : i32
      %dma_wait3A_177 = arith.constant 0 : i32
      %dma_wait3A_178 = arith.constant 0 : i32
      %dma_wait3A_179 = tpu.memref_slice %arg2[%dma_wait3A_177, %dma_wait3A_178] : memref<1000000x64xf32, #tpu.memory_space<hbm>> -> memref<640x64xf32, #tpu.memory_space<hbm>>
      %dma_wait3A_180 = arith.constant 0 : i32
      %dma_wait3A_181 = arith.constant 0 : i32
      %dma_wait3A_182 = tpu.memref_slice %arg2[%dma_wait3A_180, %dma_wait3A_181] : memref<1000000x64xf32, #tpu.memory_space<hbm>> -> memref<640x64xf32, #tpu.memory_space<hbm>>
      tpu.wait_dma2 semaphore(%arg13 : memref<!tpu.dma_semaphore, #tpu.memory_space<semaphore_mem>>) src(%dma_wait3A_182 : memref<640x64xf32, #tpu.memory_space<hbm>>) dst(%arg10 : memref<640x64xf32, #tpu.memory_space<vmem>>)
      %scan3A_183 = arith.constant 0 : i32
      %scan3A_184 = arith.constant 0 : i32
      %scan3A_185 = arith.constant 32 : i32
      %scan3A_186 = arith.addi %scan3A_184, %scan3A_185 : i32
      %scan3A_187 = arith.constant 1 : i32
      scf.for %scan3A_216 = %scan3A_184 to %scan3A_186 step %scan3A_187  : i32 {
        %mul3A_217 = arith.constant 20 : i32
        %mul3A_218 = arith.muli %scan3A_216, %mul3A_217 : i32
        %get3A = arith.index_cast %mul3A_218 : i32 to index
        %get3A_219 = arith.constant 0 : index
        %get3A_220 = tpu.vector_load %arg10[%get3A, %get3A_219] {strides = array<i32>} : memref<640x64xf32, #tpu.memory_space<vmem>>, vector<1x16xf32>,
        %get3A_221 = vector.shape_cast %get3A_220 : vector<1x16xf32> to vector<16xf32>
        %add3A_222 = arith.constant 1 : i32
        %add3A_223 = arith.addi %mul3A_218, %add3A_222 : i32
        %get3A_224 = arith.index_cast %add3A_223 : i32 to index
        %get3A_225 = arith.constant 0 : index
        %get3A_226 = tpu.vector_load %arg10[%get3A_224, %get3A_225] {strides = array<i32>} : memref<640x64xf32, #tpu.memory_space<vmem>>, vector<1x16xf32>,
        %get3A_227 = vector.shape_cast %get3A_226 : vector<1x16xf32> to vector<16xf32>
        %add3A_228 = arith.addf %get3A_221, %get3A_227 : vector<16xf32>
        %add3A_229 = arith.constant 2 : i32
        %add3A_230 = arith.addi %mul3A_218, %add3A_229 : i32
        %get3A_231 = arith.index_cast %add3A_230 : i32 to index
        %get3A_232 = arith.constant 0 : index
        %get3A_233 = tpu.vector_load %arg10[%get3A_231, %get3A_232] {strides = array<i32>} : memref<640x64xf32, #tpu.memory_space<vmem>>, vector<1x16xf32>,
        %get3A_234 = vector.shape_cast %get3A_233 : vector<1x16xf32> to vector<16xf32>
        %add3A_235 = arith.addf %add3A_228, %get3A_234 : vector<16xf32>
        %add3A_236 = arith.constant 3 : i32
        %add3A_237 = arith.addi %mul3A_218, %add3A_236 : i32
        %get3A_238 = arith.index_cast %add3A_237 : i32 to index
        %get3A_239 = arith.constant 0 : index
        %get3A_240 = tpu.vector_load %arg10[%get3A_238, %get3A_239] {strides = array<i32>} : memref<640x64xf32, #tpu.memory_space<vmem>>, vector<1x16xf32>,
        %get3A_241 = vector.shape_cast %get3A_240 : vector<1x16xf32> to vector<16xf32>
        %add3A_242 = arith.addf %add3A_235, %get3A_241 : vector<16xf32>
        %add3A_243 = arith.constant 4 : i32
        %add3A_244 = arith.addi %mul3A_218, %add3A_243 : i32
        %get3A_245 = arith.index_cast %add3A_244 : i32 to index
        %get3A_246 = arith.constant 0 : index
        %get3A_247 = tpu.vector_load %arg10[%get3A_245, %get3A_246] {strides = array<i32>} : memref<640x64xf32, #tpu.memory_space<vmem>>, vector<1x16xf32>,
        %get3A_248 = vector.shape_cast %get3A_247 : vector<1x16xf32> to vector<16xf32>
        %add3A_249 = arith.addf %add3A_242, %get3A_248 : vector<16xf32>
        %add3A_250 = arith.constant 5 : i32
        %add3A_251 = arith.addi %mul3A_218, %add3A_250 : i32
        %get3A_252 = arith.index_cast %add3A_251 : i32 to index
        %get3A_253 = arith.constant 0 : index
        %get3A_254 = tpu.vector_load %arg10[%get3A_252, %get3A_253] {strides = array<i32>} : memref<640x64xf32, #tpu.memory_space<vmem>>, vector<1x16xf32>,
        %get3A_255 = vector.shape_cast %get3A_254 : vector<1x16xf32> to vector<16xf32>
        %add3A_256 = arith.addf %add3A_249, %get3A_255 : vector<16xf32>
        %add3A_257 = arith.constant 6 : i32
        %add3A_258 = arith.addi %mul3A_218, %add3A_257 : i32
        %get3A_259 = arith.index_cast %add3A_258 : i32 to index
        %get3A_260 = arith.constant 0 : index
        %get3A_261 = tpu.vector_load %arg10[%get3A_259, %get3A_260] {strides = array<i32>} : memref<640x64xf32, #tpu.memory_space<vmem>>, vector<1x16xf32>,
        %get3A_262 = vector.shape_cast %get3A_261 : vector<1x16xf32> to vector<16xf32>
        %add3A_263 = arith.addf %add3A_256, %get3A_262 : vector<16xf32>
        %add3A_264 = arith.constant 7 : i32
        %add3A_265 = arith.addi %mul3A_218, %add3A_264 : i32
        %get3A_266 = arith.index_cast %add3A_265 : i32 to index
        %get3A_267 = arith.constant 0 : index
        %get3A_268 = tpu.vector_load %arg10[%get3A_266, %get3A_267] {strides = array<i32>} : memref<640x64xf32, #tpu.memory_space<vmem>>, vector<1x16xf32>,
        %get3A_269 = vector.shape_cast %get3A_268 : vector<1x16xf32> to vector<16xf32>
        %add3A_270 = arith.addf %add3A_263, %get3A_269 : vector<16xf32>
        %add3A_271 = arith.constant 8 : i32
        %add3A_272 = arith.addi %mul3A_218, %add3A_271 : i32
        %get3A_273 = arith.index_cast %add3A_272 : i32 to index
        %get3A_274 = arith.constant 0 : index
        %get3A_275 = tpu.vector_load %arg10[%get3A_273, %get3A_274] {strides = array<i32>} : memref<640x64xf32, #tpu.memory_space<vmem>>, vector<1x16xf32>,
        %get3A_276 = vector.shape_cast %get3A_275 : vector<1x16xf32> to vector<16xf32>
        %add3A_277 = arith.addf %add3A_270, %get3A_276 : vector<16xf32>
        %add3A_278 = arith.constant 9 : i32
        %add3A_279 = arith.addi %mul3A_218, %add3A_278 : i32
        %get3A_280 = arith.index_cast %add3A_279 : i32 to index
        %get3A_281 = arith.constant 0 : index
        %get3A_282 = tpu.vector_load %arg10[%get3A_280, %get3A_281] {strides = array<i32>} : memref<640x64xf32, #tpu.memory_space<vmem>>, vector<1x16xf32>,
        %get3A_283 = vector.shape_cast %get3A_282 : vector<1x16xf32> to vector<16xf32>
        %add3A_284 = arith.addf %add3A_277, %get3A_283 : vector<16xf32>
        %add3A_285 = arith.constant 10 : i32
        %add3A_286 = arith.addi %mul3A_218, %add3A_285 : i32
        %get3A_287 = arith.index_cast %add3A_286 : i32 to index
        %get3A_288 = arith.constant 0 : index
        %get3A_289 = tpu.vector_load %arg10[%get3A_287, %get3A_288] {strides = array<i32>} : memref<640x64xf32, #tpu.memory_space<vmem>>, vector<1x16xf32>,
        %get3A_290 = vector.shape_cast %get3A_289 : vector<1x16xf32> to vector<16xf32>
        %add3A_291 = arith.addf %add3A_284, %get3A_290 : vector<16xf32>
        %add3A_292 = arith.constant 11 : i32
        %add3A_293 = arith.addi %mul3A_218, %add3A_292 : i32
        %get3A_294 = arith.index_cast %add3A_293 : i32 to index
        %get3A_295 = arith.constant 0 : index
        %get3A_296 = tpu.vector_load %arg10[%get3A_294, %get3A_295] {strides = array<i32>} : memref<640x64xf32, #tpu.memory_space<vmem>>, vector<1x16xf32>,
        %get3A_297 = vector.shape_cast %get3A_296 : vector<1x16xf32> to vector<16xf32>
        %add3A_298 = arith.addf %add3A_291, %get3A_297 : vector<16xf32>
        %add3A_299 = arith.constant 12 : i32
        %add3A_300 = arith.addi %mul3A_218, %add3A_299 : i32
        %get3A_301 = arith.index_cast %add3A_300 : i32 to index
        %get3A_302 = arith.constant 0 : index
        %get3A_303 = tpu.vector_load %arg10[%get3A_301, %get3A_302] {strides = array<i32>} : memref<640x64xf32, #tpu.memory_space<vmem>>, vector<1x16xf32>,
        %get3A_304 = vector.shape_cast %get3A_303 : vector<1x16xf32> to vector<16xf32>
        %add3A_305 = arith.addf %add3A_298, %get3A_304 : vector<16xf32>
        %add3A_306 = arith.constant 13 : i32
        %add3A_307 = arith.addi %mul3A_218, %add3A_306 : i32
        %get3A_308 = arith.index_cast %add3A_307 : i32 to index
        %get3A_309 = arith.constant 0 : index
        %get3A_310 = tpu.vector_load %arg10[%get3A_308, %get3A_309] {strides = array<i32>} : memref<640x64xf32, #tpu.memory_space<vmem>>, vector<1x16xf32>,
        %get3A_311 = vector.shape_cast %get3A_310 : vector<1x16xf32> to vector<16xf32>
        %add3A_312 = arith.addf %add3A_305, %get3A_311 : vector<16xf32>
        %add3A_313 = arith.constant 14 : i32
        %add3A_314 = arith.addi %mul3A_218, %add3A_313 : i32
        %get3A_315 = arith.index_cast %add3A_314 : i32 to index
        %get3A_316 = arith.constant 0 : index
        %get3A_317 = tpu.vector_load %arg10[%get3A_315, %get3A_316] {strides = array<i32>} : memref<640x64xf32, #tpu.memory_space<vmem>>, vector<1x16xf32>,
        %get3A_318 = vector.shape_cast %get3A_317 : vector<1x16xf32> to vector<16xf32>
        %add3A_319 = arith.addf %add3A_312, %get3A_318 : vector<16xf32>
        %add3A_320 = arith.constant 15 : i32
        %add3A_321 = arith.addi %mul3A_218, %add3A_320 : i32
        %get3A_322 = arith.index_cast %add3A_321 : i32 to index
        %get3A_323 = arith.constant 0 : index
        %get3A_324 = tpu.vector_load %arg10[%get3A_322, %get3A_323] {strides = array<i32>} : memref<640x64xf32, #tpu.memory_space<vmem>>, vector<1x16xf32>,
        %get3A_325 = vector.shape_cast %get3A_324 : vector<1x16xf32> to vector<16xf32>
        %add3A_326 = arith.addf %add3A_319, %get3A_325 : vector<16xf32>
        %add3A_327 = arith.constant 16 : i32
        %add3A_328 = arith.addi %mul3A_218, %add3A_327 : i32
        %get3A_329 = arith.index_cast %add3A_328 : i32 to index
        %get3A_330 = arith.constant 0 : index
        %get3A_331 = tpu.vector_load %arg10[%get3A_329, %get3A_330] {strides = array<i32>} : memref<640x64xf32, #tpu.memory_space<vmem>>, vector<1x16xf32>,
        %get3A_332 = vector.shape_cast %get3A_331 : vector<1x16xf32> to vector<16xf32>
        %add3A_333 = arith.addf %add3A_326, %get3A_332 : vector<16xf32>
        %add3A_334 = arith.constant 17 : i32
        %add3A_335 = arith.addi %mul3A_218, %add3A_334 : i32
        %get3A_336 = arith.index_cast %add3A_335 : i32 to index
        %get3A_337 = arith.constant 0 : index
        %get3A_338 = tpu.vector_load %arg10[%get3A_336, %get3A_337] {strides = array<i32>} : memref<640x64xf32, #tpu.memory_space<vmem>>, vector<1x16xf32>,
        %get3A_339 = vector.shape_cast %get3A_338 : vector<1x16xf32> to vector<16xf32>
        %add3A_340 = arith.addf %add3A_333, %get3A_339 : vector<16xf32>
        %add3A_341 = arith.constant 18 : i32
        %add3A_342 = arith.addi %mul3A_218, %add3A_341 : i32
        %get3A_343 = arith.index_cast %add3A_342 : i32 to index
        %get3A_344 = arith.constant 0 : index
        %get3A_345 = tpu.vector_load %arg10[%get3A_343, %get3A_344] {strides = array<i32>} : memref<640x64xf32, #tpu.memory_space<vmem>>, vector<1x16xf32>,
        %get3A_346 = vector.shape_cast %get3A_345 : vector<1x16xf32> to vector<16xf32>
        %add3A_347 = arith.addf %add3A_340, %get3A_346 : vector<16xf32>
        %add3A_348 = arith.constant 19 : i32
        %add3A_349 = arith.addi %mul3A_218, %add3A_348 : i32
        %get3A_350 = arith.index_cast %add3A_349 : i32 to index
        %get3A_351 = arith.constant 0 : index
        %get3A_352 = tpu.vector_load %arg10[%get3A_350, %get3A_351] {strides = array<i32>} : memref<640x64xf32, #tpu.memory_space<vmem>>, vector<1x16xf32>,
        %get3A_353 = vector.shape_cast %get3A_352 : vector<1x16xf32> to vector<16xf32>
        %add3A_354 = arith.addf %add3A_347, %get3A_353 : vector<16xf32>
        %mul3A_355 = arith.constant 5.000000e-02 : f32
        %mul3A_356 = vector.broadcast %mul3A_355 : f32 to vector<16xf32>
        %mul3A_357 = arith.mulf %add3A_354, %mul3A_356 : vector<16xf32>
        %swap3A = arith.index_cast %scan3A_216 : i32 to index
        %swap3A_358 = arith.constant 0 : index
        %swap3A_359 = tpu.vector_load %arg11[%swap3A, %swap3A_358] {strides = array<i32>} : memref<32x64xf32, #tpu.memory_space<vmem>>, vector<1x16xf32>,
        %swap3A_360 = vector.shape_cast %swap3A_359 : vector<1x16xf32> to vector<16xf32>
        %swap3A_361 = vector.shape_cast %mul3A_357 : vector<16xf32> to vector<1x16xf32>
        tpu.vector_store %arg11[%swap3A, %swap3A_358], %swap3A_361 {strides = array<i32>} : memref<32x64xf32, #tpu.memory_space<vmem>>, vector<1x16xf32>,
        %get3A_362 = arith.index_cast %mul3A_218 : i32 to index
        %get3A_363 = arith.constant 16 : index
        %get3A_364 = tpu.vector_load %arg10[%get3A_362, %get3A_363] {strides = array<i32>} : memref<640x64xf32, #tpu.memory_space<vmem>>, vector<1x16xf32>,
        %get3A_365 = vector.shape_cast %get3A_364 : vector<1x16xf32> to vector<16xf32>
        %add3A_366 = arith.constant 1 : i32
        %add3A_367 = arith.addi %mul3A_218, %add3A_366 : i32
        %get3A_368 = arith.index_cast %add3A_367 : i32 to index
        %get3A_369 = arith.constant 16 : index
        %get3A_370 = tpu.vector_load %arg10[%get3A_368, %get3A_369] {strides = array<i32>} : memref<640x64xf32, #tpu.memory_space<vmem>>, vector<1x16xf32>,
        %get3A_371 = vector.shape_cast %get3A_370 : vector<1x16xf32> to vector<16xf32>
        %add3A_372 = arith.addf %get3A_365, %get3A_371 : vector<16xf32>
        %add3A_373 = arith.constant 2 : i32
        %add3A_374 = arith.addi %mul3A_218, %add3A_373 : i32
        %get3A_375 = arith.index_cast %add3A_374 : i32 to index
        %get3A_376 = arith.constant 16 : index
        %get3A_377 = tpu.vector_load %arg10[%get3A_375, %get3A_376] {strides = array<i32>} : memref<640x64xf32, #tpu.memory_space<vmem>>, vector<1x16xf32>,
        %get3A_378 = vector.shape_cast %get3A_377 : vector<1x16xf32> to vector<16xf32>
        %add3A_379 = arith.addf %add3A_372, %get3A_378 : vector<16xf32>
        %add3A_380 = arith.constant 3 : i32
        %add3A_381 = arith.addi %mul3A_218, %add3A_380 : i32
        %get3A_382 = arith.index_cast %add3A_381 : i32 to index
        %get3A_383 = arith.constant 16 : index
        %get3A_384 = tpu.vector_load %arg10[%get3A_382, %get3A_383] {strides = array<i32>} : memref<640x64xf32, #tpu.memory_space<vmem>>, vector<1x16xf32>,
        %get3A_385 = vector.shape_cast %get3A_384 : vector<1x16xf32> to vector<16xf32>
        %add3A_386 = arith.addf %add3A_379, %get3A_385 : vector<16xf32>
        %add3A_387 = arith.constant 4 : i32
        %add3A_388 = arith.addi %mul3A_218, %add3A_387 : i32
        %get3A_389 = arith.index_cast %add3A_388 : i32 to index
        %get3A_390 = arith.constant 16 : index
        %get3A_391 = tpu.vector_load %arg10[%get3A_389, %get3A_390] {strides = array<i32>} : memref<640x64xf32, #tpu.memory_space<vmem>>, vector<1x16xf32>,
        %get3A_392 = vector.shape_cast %get3A_391 : vector<1x16xf32> to vector<16xf32>
        %add3A_393 = arith.addf %add3A_386, %get3A_392 : vector<16xf32>
        %add3A_394 = arith.constant 5 : i32
        %add3A_395 = arith.addi %mul3A_218, %add3A_394 : i32
        %get3A_396 = arith.index_cast %add3A_395 : i32 to index
        %get3A_397 = arith.constant 16 : index
        %get3A_398 = tpu.vector_load %arg10[%get3A_396, %get3A_397] {strides = array<i32>} : memref<640x64xf32, #tpu.memory_space<vmem>>, vector<1x16xf32>,
        %get3A_399 = vector.shape_cast %get3A_398 : vector<1x16xf32> to vector<16xf32>
        %add3A_400 = arith.addf %add3A_393, %get3A_399 : vector<16xf32>
        %add3A_401 = arith.constant 6 : i32
        %add3A_402 = arith.addi %mul3A_218, %add3A_401 : i32
        %get3A_403 = arith.index_cast %add3A_402 : i32 to index
        %get3A_404 = arith.constant 16 : index
        %get3A_405 = tpu.vector_load %arg10[%get3A_403, %get3A_404] {strides = array<i32>} : memref<640x64xf32, #tpu.memory_space<vmem>>, vector<1x16xf32>,
        %get3A_406 = vector.shape_cast %get3A_405 : vector<1x16xf32> to vector<16xf32>
        %add3A_407 = arith.addf %add3A_400, %get3A_406 : vector<16xf32>
        %add3A_408 = arith.constant 7 : i32
        %add3A_409 = arith.addi %mul3A_218, %add3A_408 : i32
        %get3A_410 = arith.index_cast %add3A_409 : i32 to index
        %get3A_411 = arith.constant 16 : index
        %get3A_412 = tpu.vector_load %arg10[%get3A_410, %get3A_411] {strides = array<i32>} : memref<640x64xf32, #tpu.memory_space<vmem>>, vector<1x16xf32>,
        %get3A_413 = vector.shape_cast %get3A_412 : vector<1x16xf32> to vector<16xf32>
        %add3A_414 = arith.addf %add3A_407, %get3A_413 : vector<16xf32>
        %add3A_415 = arith.constant 8 : i32
        %add3A_416 = arith.addi %mul3A_218, %add3A_415 : i32
        %get3A_417 = arith.index_cast %add3A_416 : i32 to index
        %get3A_418 = arith.constant 16 : index
        %get3A_419 = tpu.vector_load %arg10[%get3A_417, %get3A_418] {strides = array<i32>} : memref<640x64xf32, #tpu.memory_space<vmem>>, vector<1x16xf32>,
        %get3A_420 = vector.shape_cast %get3A_419 : vector<1x16xf32> to vector<16xf32>
        %add3A_421 = arith.addf %add3A_414, %get3A_420 : vector<16xf32>
        %add3A_422 = arith.constant 9 : i32
        %add3A_423 = arith.addi %mul3A_218, %add3A_422 : i32
        %get3A_424 = arith.index_cast %add3A_423 : i32 to index
        %get3A_425 = arith.constant 16 : index
        %get3A_426 = tpu.vector_load %arg10[%get3A_424, %get3A_425] {strides = array<i32>} : memref<640x64xf32, #tpu.memory_space<vmem>>, vector<1x16xf32>,
        %get3A_427 = vector.shape_cast %get3A_426 : vector<1x16xf32> to vector<16xf32>
        %add3A_428 = arith.addf %add3A_421, %get3A_427 : vector<16xf32>
        %add3A_429 = arith.constant 10 : i32
        %add3A_430 = arith.addi %mul3A_218, %add3A_429 : i32
        %get3A_431 = arith.index_cast %add3A_430 : i32 to index
        %get3A_432 = arith.constant 16 : index
        %get3A_433 = tpu.vector_load %arg10[%get3A_431, %get3A_432] {strides = array<i32>} : memref<640x64xf32, #tpu.memory_space<vmem>>, vector<1x16xf32>,
        %get3A_434 = vector.shape_cast %get3A_433 : vector<1x16xf32> to vector<16xf32>
        %add3A_435 = arith.addf %add3A_428, %get3A_434 : vector<16xf32>
        %add3A_436 = arith.constant 11 : i32
        %add3A_437 = arith.addi %mul3A_218, %add3A_436 : i32
        %get3A_438 = arith.index_cast %add3A_437 : i32 to index
        %get3A_439 = arith.constant 16 : index
        %get3A_440 = tpu.vector_load %arg10[%get3A_438, %get3A_439] {strides = array<i32>} : memref<640x64xf32, #tpu.memory_space<vmem>>, vector<1x16xf32>,
        %get3A_441 = vector.shape_cast %get3A_440 : vector<1x16xf32> to vector<16xf32>
        %add3A_442 = arith.addf %add3A_435, %get3A_441 : vector<16xf32>
        %add3A_443 = arith.constant 12 : i32
        %add3A_444 = arith.addi %mul3A_218, %add3A_443 : i32
        %get3A_445 = arith.index_cast %add3A_444 : i32 to index
        %get3A_446 = arith.constant 16 : index
        %get3A_447 = tpu.vector_load %arg10[%get3A_445, %get3A_446] {strides = array<i32>} : memref<640x64xf32, #tpu.memory_space<vmem>>, vector<1x16xf32>,
        %get3A_448 = vector.shape_cast %get3A_447 : vector<1x16xf32> to vector<16xf32>
        %add3A_449 = arith.addf %add3A_442, %get3A_448 : vector<16xf32>
        %add3A_450 = arith.constant 13 : i32
        %add3A_451 = arith.addi %mul3A_218, %add3A_450 : i32
        %get3A_452 = arith.index_cast %add3A_451 : i32 to index
        %get3A_453 = arith.constant 16 : index
        %get3A_454 = tpu.vector_load %arg10[%get3A_452, %get3A_453] {strides = array<i32>} : memref<640x64xf32, #tpu.memory_space<vmem>>, vector<1x16xf32>,
        %get3A_455 = vector.shape_cast %get3A_454 : vector<1x16xf32> to vector<16xf32>
        %add3A_456 = arith.addf %add3A_449, %get3A_455 : vector<16xf32>
        %add3A_457 = arith.constant 14 : i32
        %add3A_458 = arith.addi %mul3A_218, %add3A_457 : i32
        %get3A_459 = arith.index_cast %add3A_458 : i32 to index
        %get3A_460 = arith.constant 16 : index
        %get3A_461 = tpu.vector_load %arg10[%get3A_459, %get3A_460] {strides = array<i32>} : memref<640x64xf32, #tpu.memory_space<vmem>>, vector<1x16xf32>,
        %get3A_462 = vector.shape_cast %get3A_461 : vector<1x16xf32> to vector<16xf32>
        %add3A_463 = arith.addf %add3A_456, %get3A_462 : vector<16xf32>
        %add3A_464 = arith.constant 15 : i32
        %add3A_465 = arith.addi %mul3A_218, %add3A_464 : i32
        %get3A_466 = arith.index_cast %add3A_465 : i32 to index
        %get3A_467 = arith.constant 16 : index
        %get3A_468 = tpu.vector_load %arg10[%get3A_466, %get3A_467] {strides = array<i32>} : memref<640x64xf32, #tpu.memory_space<vmem>>, vector<1x16xf32>,
        %get3A_469 = vector.shape_cast %get3A_468 : vector<1x16xf32> to vector<16xf32>
        %add3A_470 = arith.addf %add3A_463, %get3A_469 : vector<16xf32>
        %add3A_471 = arith.constant 16 : i32
        %add3A_472 = arith.addi %mul3A_218, %add3A_471 : i32
        %get3A_473 = arith.index_cast %add3A_472 : i32 to index
        %get3A_474 = arith.constant 16 : index
        %get3A_475 = tpu.vector_load %arg10[%get3A_473, %get3A_474] {strides = array<i32>} : memref<640x64xf32, #tpu.memory_space<vmem>>, vector<1x16xf32>,
        %get3A_476 = vector.shape_cast %get3A_475 : vector<1x16xf32> to vector<16xf32>
        %add3A_477 = arith.addf %add3A_470, %get3A_476 : vector<16xf32>
        %add3A_478 = arith.constant 17 : i32
        %add3A_479 = arith.addi %mul3A_218, %add3A_478 : i32
        %get3A_480 = arith.index_cast %add3A_479 : i32 to index
        %get3A_481 = arith.constant 16 : index
        %get3A_482 = tpu.vector_load %arg10[%get3A_480, %get3A_481] {strides = array<i32>} : memref<640x64xf32, #tpu.memory_space<vmem>>, vector<1x16xf32>,
        %get3A_483 = vector.shape_cast %get3A_482 : vector<1x16xf32> to vector<16xf32>
        %add3A_484 = arith.addf %add3A_477, %get3A_483 : vector<16xf32>
        %add3A_485 = arith.constant 18 : i32
        %add3A_486 = arith.addi %mul3A_218, %add3A_485 : i32
        %get3A_487 = arith.index_cast %add3A_486 : i32 to index
        %get3A_488 = arith.constant 16 : index
        %get3A_489 = tpu.vector_load %arg10[%get3A_487, %get3A_488] {strides = array<i32>} : memref<640x64xf32, #tpu.memory_space<vmem>>, vector<1x16xf32>,
        %get3A_490 = vector.shape_cast %get3A_489 : vector<1x16xf32> to vector<16xf32>
        %add3A_491 = arith.addf %add3A_484, %get3A_490 : vector<16xf32>
        %add3A_492 = arith.constant 19 : i32
        %add3A_493 = arith.addi %mul3A_218, %add3A_492 : i32
        %get3A_494 = arith.index_cast %add3A_493 : i32 to index
        %get3A_495 = arith.constant 16 : index
        %get3A_496 = tpu.vector_load %arg10[%get3A_494, %get3A_495] {strides = array<i32>} : memref<640x64xf32, #tpu.memory_space<vmem>>, vector<1x16xf32>,
        %get3A_497 = vector.shape_cast %get3A_496 : vector<1x16xf32> to vector<16xf32>
        %add3A_498 = arith.addf %add3A_491, %get3A_497 : vector<16xf32>
        %mul3A_499 = arith.constant 5.000000e-02 : f32
        %mul3A_500 = vector.broadcast %mul3A_499 : f32 to vector<16xf32>
        %mul3A_501 = arith.mulf %add3A_498, %mul3A_500 : vector<16xf32>
        %swap3A_502 = arith.index_cast %scan3A_216 : i32 to index
        %swap3A_503 = arith.constant 16 : index
        %swap3A_504 = tpu.vector_load %arg11[%swap3A_502, %swap3A_503] {strides = array<i32>} : memref<32x64xf32, #tpu.memory_space<vmem>>, vector<1x16xf32>,
        %swap3A_505 = vector.shape_cast %swap3A_504 : vector<1x16xf32> to vector<16xf32>
        %swap3A_506 = vector.shape_cast %mul3A_501 : vector<16xf32> to vector<1x16xf32>
        tpu.vector_store %arg11[%swap3A_502, %swap3A_503], %swap3A_506 {strides = array<i32>} : memref<32x64xf32, #tpu.memory_space<vmem>>, vector<1x16xf32>,
        %get3A_507 = arith.index_cast %mul3A_218 : i32 to index
        %get3A_508 = arith.constant 32 : index
        %get3A_509 = tpu.vector_load %arg10[%get3A_507, %get3A_508] {strides = array<i32>} : memref<640x64xf32, #tpu.memory_space<vmem>>, vector<1x16xf32>,
        %get3A_510 = vector.shape_cast %get3A_509 : vector<1x16xf32> to vector<16xf32>
        %add3A_511 = arith.constant 1 : i32
        %add3A_512 = arith.addi %mul3A_218, %add3A_511 : i32
        %get3A_513 = arith.index_cast %add3A_512 : i32 to index
        %get3A_514 = arith.constant 32 : index
        %get3A_515 = tpu.vector_load %arg10[%get3A_513, %get3A_514] {strides = array<i32>} : memref<640x64xf32, #tpu.memory_space<vmem>>, vector<1x16xf32>,
        %get3A_516 = vector.shape_cast %get3A_515 : vector<1x16xf32> to vector<16xf32>
        %add3A_517 = arith.addf %get3A_510, %get3A_516 : vector<16xf32>
        %add3A_518 = arith.constant 2 : i32
        %add3A_519 = arith.addi %mul3A_218, %add3A_518 : i32
        %get3A_520 = arith.index_cast %add3A_519 : i32 to index
        %get3A_521 = arith.constant 32 : index
        %get3A_522 = tpu.vector_load %arg10[%get3A_520, %get3A_521] {strides = array<i32>} : memref<640x64xf32, #tpu.memory_space<vmem>>, vector<1x16xf32>,
        %get3A_523 = vector.shape_cast %get3A_522 : vector<1x16xf32> to vector<16xf32>
        %add3A_524 = arith.addf %add3A_517, %get3A_523 : vector<16xf32>
        %add3A_525 = arith.constant 3 : i32
        %add3A_526 = arith.addi %mul3A_218, %add3A_525 : i32
        %get3A_527 = arith.index_cast %add3A_526 : i32 to index
        %get3A_528 = arith.constant 32 : index
        %get3A_529 = tpu.vector_load %arg10[%get3A_527, %get3A_528] {strides = array<i32>} : memref<640x64xf32, #tpu.memory_space<vmem>>, vector<1x16xf32>,
        %get3A_530 = vector.shape_cast %get3A_529 : vector<1x16xf32> to vector<16xf32>
        %add3A_531 = arith.addf %add3A_524, %get3A_530 : vector<16xf32>
        %add3A_532 = arith.constant 4 : i32
        %add3A_533 = arith.addi %mul3A_218, %add3A_532 : i32
        %get3A_534 = arith.index_cast %add3A_533 : i32 to index
        %get3A_535 = arith.constant 32 : index
        %get3A_536 = tpu.vector_load %arg10[%get3A_534, %get3A_535] {strides = array<i32>} : memref<640x64xf32, #tpu.memory_space<vmem>>, vector<1x16xf32>,
        %get3A_537 = vector.shape_cast %get3A_536 : vector<1x16xf32> to vector<16xf32>
        %add3A_538 = arith.addf %add3A_531, %get3A_537 : vector<16xf32>
        %add3A_539 = arith.constant 5 : i32
        %add3A_540 = arith.addi %mul3A_218, %add3A_539 : i32
        %get3A_541 = arith.index_cast %add3A_540 : i32 to index
        %get3A_542 = arith.constant 32 : index
        %get3A_543 = tpu.vector_load %arg10[%get3A_541, %get3A_542] {strides = array<i32>} : memref<640x64xf32, #tpu.memory_space<vmem>>, vector<1x16xf32>,
        %get3A_544 = vector.shape_cast %get3A_543 : vector<1x16xf32> to vector<16xf32>
        %add3A_545 = arith.addf %add3A_538, %get3A_544 : vector<16xf32>
        %add3A_546 = arith.constant 6 : i32
        %add3A_547 = arith.addi %mul3A_218, %add3A_546 : i32
        %get3A_548 = arith.index_cast %add3A_547 : i32 to index
        %get3A_549 = arith.constant 32 : index
        %get3A_550 = tpu.vector_load %arg10[%get3A_548, %get3A_549] {strides = array<i32>} : memref<640x64xf32, #tpu.memory_space<vmem>>, vector<1x16xf32>,
        %get3A_551 = vector.shape_cast %get3A_550 : vector<1x16xf32> to vector<16xf32>
        %add3A_552 = arith.addf %add3A_545, %get3A_551 : vector<16xf32>
        %add3A_553 = arith.constant 7 : i32
        %add3A_554 = arith.addi %mul3A_218, %add3A_553 : i32
        %get3A_555 = arith.index_cast %add3A_554 : i32 to index
        %get3A_556 = arith.constant 32 : index
        %get3A_557 = tpu.vector_load %arg10[%get3A_555, %get3A_556] {strides = array<i32>} : memref<640x64xf32, #tpu.memory_space<vmem>>, vector<1x16xf32>,
        %get3A_558 = vector.shape_cast %get3A_557 : vector<1x16xf32> to vector<16xf32>
        %add3A_559 = arith.addf %add3A_552, %get3A_558 : vector<16xf32>
        %add3A_560 = arith.constant 8 : i32
        %add3A_561 = arith.addi %mul3A_218, %add3A_560 : i32
        %get3A_562 = arith.index_cast %add3A_561 : i32 to index
        %get3A_563 = arith.constant 32 : index
        %get3A_564 = tpu.vector_load %arg10[%get3A_562, %get3A_563] {strides = array<i32>} : memref<640x64xf32, #tpu.memory_space<vmem>>, vector<1x16xf32>,
        %get3A_565 = vector.shape_cast %get3A_564 : vector<1x16xf32> to vector<16xf32>
        %add3A_566 = arith.addf %add3A_559, %get3A_565 : vector<16xf32>
        %add3A_567 = arith.constant 9 : i32
        %add3A_568 = arith.addi %mul3A_218, %add3A_567 : i32
        %get3A_569 = arith.index_cast %add3A_568 : i32 to index
        %get3A_570 = arith.constant 32 : index
        %get3A_571 = tpu.vector_load %arg10[%get3A_569, %get3A_570] {strides = array<i32>} : memref<640x64xf32, #tpu.memory_space<vmem>>, vector<1x16xf32>,
        %get3A_572 = vector.shape_cast %get3A_571 : vector<1x16xf32> to vector<16xf32>
        %add3A_573 = arith.addf %add3A_566, %get3A_572 : vector<16xf32>
        %add3A_574 = arith.constant 10 : i32
        %add3A_575 = arith.addi %mul3A_218, %add3A_574 : i32
        %get3A_576 = arith.index_cast %add3A_575 : i32 to index
        %get3A_577 = arith.constant 32 : index
        %get3A_578 = tpu.vector_load %arg10[%get3A_576, %get3A_577] {strides = array<i32>} : memref<640x64xf32, #tpu.memory_space<vmem>>, vector<1x16xf32>,
        %get3A_579 = vector.shape_cast %get3A_578 : vector<1x16xf32> to vector<16xf32>
        %add3A_580 = arith.addf %add3A_573, %get3A_579 : vector<16xf32>
        %add3A_581 = arith.constant 11 : i32
        %add3A_582 = arith.addi %mul3A_218, %add3A_581 : i32
        %get3A_583 = arith.index_cast %add3A_582 : i32 to index
        %get3A_584 = arith.constant 32 : index
        %get3A_585 = tpu.vector_load %arg10[%get3A_583, %get3A_584] {strides = array<i32>} : memref<640x64xf32, #tpu.memory_space<vmem>>, vector<1x16xf32>,
        %get3A_586 = vector.shape_cast %get3A_585 : vector<1x16xf32> to vector<16xf32>
        %add3A_587 = arith.addf %add3A_580, %get3A_586 : vector<16xf32>
        %add3A_588 = arith.constant 12 : i32
        %add3A_589 = arith.addi %mul3A_218, %add3A_588 : i32
        %get3A_590 = arith.index_cast %add3A_589 : i32 to index
        %get3A_591 = arith.constant 32 : index
        %get3A_592 = tpu.vector_load %arg10[%get3A_590, %get3A_591] {strides = array<i32>} : memref<640x64xf32, #tpu.memory_space<vmem>>, vector<1x16xf32>,
        %get3A_593 = vector.shape_cast %get3A_592 : vector<1x16xf32> to vector<16xf32>
        %add3A_594 = arith.addf %add3A_587, %get3A_593 : vector<16xf32>
        %add3A_595 = arith.constant 13 : i32
        %add3A_596 = arith.addi %mul3A_218, %add3A_595 : i32
        %get3A_597 = arith.index_cast %add3A_596 : i32 to index
        %get3A_598 = arith.constant 32 : index
        %get3A_599 = tpu.vector_load %arg10[%get3A_597, %get3A_598] {strides = array<i32>} : memref<640x64xf32, #tpu.memory_space<vmem>>, vector<1x16xf32>,
        %get3A_600 = vector.shape_cast %get3A_599 : vector<1x16xf32> to vector<16xf32>
        %add3A_601 = arith.addf %add3A_594, %get3A_600 : vector<16xf32>
        %add3A_602 = arith.constant 14 : i32
        %add3A_603 = arith.addi %mul3A_218, %add3A_602 : i32
        %get3A_604 = arith.index_cast %add3A_603 : i32 to index
        %get3A_605 = arith.constant 32 : index
        %get3A_606 = tpu.vector_load %arg10[%get3A_604, %get3A_605] {strides = array<i32>} : memref<640x64xf32, #tpu.memory_space<vmem>>, vector<1x16xf32>,
        %get3A_607 = vector.shape_cast %get3A_606 : vector<1x16xf32> to vector<16xf32>
        %add3A_608 = arith.addf %add3A_601, %get3A_607 : vector<16xf32>
        %add3A_609 = arith.constant 15 : i32
        %add3A_610 = arith.addi %mul3A_218, %add3A_609 : i32
        %get3A_611 = arith.index_cast %add3A_610 : i32 to index
        %get3A_612 = arith.constant 32 : index
        %get3A_613 = tpu.vector_load %arg10[%get3A_611, %get3A_612] {strides = array<i32>} : memref<640x64xf32, #tpu.memory_space<vmem>>, vector<1x16xf32>,
        %get3A_614 = vector.shape_cast %get3A_613 : vector<1x16xf32> to vector<16xf32>
        %add3A_615 = arith.addf %add3A_608, %get3A_614 : vector<16xf32>
        %add3A_616 = arith.constant 16 : i32
        %add3A_617 = arith.addi %mul3A_218, %add3A_616 : i32
        %get3A_618 = arith.index_cast %add3A_617 : i32 to index
        %get3A_619 = arith.constant 32 : index
        %get3A_620 = tpu.vector_load %arg10[%get3A_618, %get3A_619] {strides = array<i32>} : memref<640x64xf32, #tpu.memory_space<vmem>>, vector<1x16xf32>,
        %get3A_621 = vector.shape_cast %get3A_620 : vector<1x16xf32> to vector<16xf32>
        %add3A_622 = arith.addf %add3A_615, %get3A_621 : vector<16xf32>
        %add3A_623 = arith.constant 17 : i32
        %add3A_624 = arith.addi %mul3A_218, %add3A_623 : i32
        %get3A_625 = arith.index_cast %add3A_624 : i32 to index
        %get3A_626 = arith.constant 32 : index
        %get3A_627 = tpu.vector_load %arg10[%get3A_625, %get3A_626] {strides = array<i32>} : memref<640x64xf32, #tpu.memory_space<vmem>>, vector<1x16xf32>,
        %get3A_628 = vector.shape_cast %get3A_627 : vector<1x16xf32> to vector<16xf32>
        %add3A_629 = arith.addf %add3A_622, %get3A_628 : vector<16xf32>
        %add3A_630 = arith.constant 18 : i32
        %add3A_631 = arith.addi %mul3A_218, %add3A_630 : i32
        %get3A_632 = arith.index_cast %add3A_631 : i32 to index
        %get3A_633 = arith.constant 32 : index
        %get3A_634 = tpu.vector_load %arg10[%get3A_632, %get3A_633] {strides = array<i32>} : memref<640x64xf32, #tpu.memory_space<vmem>>, vector<1x16xf32>,
        %get3A_635 = vector.shape_cast %get3A_634 : vector<1x16xf32> to vector<16xf32>
        %add3A_636 = arith.addf %add3A_629, %get3A_635 : vector<16xf32>
        %add3A_637 = arith.constant 19 : i32
        %add3A_638 = arith.addi %mul3A_218, %add3A_637 : i32
        %get3A_639 = arith.index_cast %add3A_638 : i32 to index
        %get3A_640 = arith.constant 32 : index
        %get3A_641 = tpu.vector_load %arg10[%get3A_639, %get3A_640] {strides = array<i32>} : memref<640x64xf32, #tpu.memory_space<vmem>>, vector<1x16xf32>,
        %get3A_642 = vector.shape_cast %get3A_641 : vector<1x16xf32> to vector<16xf32>
        %add3A_643 = arith.addf %add3A_636, %get3A_642 : vector<16xf32>
        %mul3A_644 = arith.constant 5.000000e-02 : f32
        %mul3A_645 = vector.broadcast %mul3A_644 : f32 to vector<16xf32>
        %mul3A_646 = arith.mulf %add3A_643, %mul3A_645 : vector<16xf32>
        %swap3A_647 = arith.index_cast %scan3A_216 : i32 to index
        %swap3A_648 = arith.constant 32 : index
        %swap3A_649 = tpu.vector_load %arg11[%swap3A_647, %swap3A_648] {strides = array<i32>} : memref<32x64xf32, #tpu.memory_space<vmem>>, vector<1x16xf32>,
        %swap3A_650 = vector.shape_cast %swap3A_649 : vector<1x16xf32> to vector<16xf32>
        %swap3A_651 = vector.shape_cast %mul3A_646 : vector<16xf32> to vector<1x16xf32>
        tpu.vector_store %arg11[%swap3A_647, %swap3A_648], %swap3A_651 {strides = array<i32>} : memref<32x64xf32, #tpu.memory_space<vmem>>, vector<1x16xf32>,
        %get3A_652 = arith.index_cast %mul3A_218 : i32 to index
        %get3A_653 = arith.constant 48 : index
        %get3A_654 = tpu.vector_load %arg10[%get3A_652, %get3A_653] {strides = array<i32>} : memref<640x64xf32, #tpu.memory_space<vmem>>, vector<1x16xf32>,
        %get3A_655 = vector.shape_cast %get3A_654 : vector<1x16xf32> to vector<16xf32>
        %add3A_656 = arith.constant 1 : i32
        %add3A_657 = arith.addi %mul3A_218, %add3A_656 : i32
        %get3A_658 = arith.index_cast %add3A_657 : i32 to index
        %get3A_659 = arith.constant 48 : index
        %get3A_660 = tpu.vector_load %arg10[%get3A_658, %get3A_659] {strides = array<i32>} : memref<640x64xf32, #tpu.memory_space<vmem>>, vector<1x16xf32>,
        %get3A_661 = vector.shape_cast %get3A_660 : vector<1x16xf32> to vector<16xf32>
        %add3A_662 = arith.addf %get3A_655, %get3A_661 : vector<16xf32>
        %add3A_663 = arith.constant 2 : i32
        %add3A_664 = arith.addi %mul3A_218, %add3A_663 : i32
        %get3A_665 = arith.index_cast %add3A_664 : i32 to index
        %get3A_666 = arith.constant 48 : index
        %get3A_667 = tpu.vector_load %arg10[%get3A_665, %get3A_666] {strides = array<i32>} : memref<640x64xf32, #tpu.memory_space<vmem>>, vector<1x16xf32>,
        %get3A_668 = vector.shape_cast %get3A_667 : vector<1x16xf32> to vector<16xf32>
        %add3A_669 = arith.addf %add3A_662, %get3A_668 : vector<16xf32>
        %add3A_670 = arith.constant 3 : i32
        %add3A_671 = arith.addi %mul3A_218, %add3A_670 : i32
        %get3A_672 = arith.index_cast %add3A_671 : i32 to index
        %get3A_673 = arith.constant 48 : index
        %get3A_674 = tpu.vector_load %arg10[%get3A_672, %get3A_673] {strides = array<i32>} : memref<640x64xf32, #tpu.memory_space<vmem>>, vector<1x16xf32>,
        %get3A_675 = vector.shape_cast %get3A_674 : vector<1x16xf32> to vector<16xf32>
        %add3A_676 = arith.addf %add3A_669, %get3A_675 : vector<16xf32>
        %add3A_677 = arith.constant 4 : i32
        %add3A_678 = arith.addi %mul3A_218, %add3A_677 : i32
        %get3A_679 = arith.index_cast %add3A_678 : i32 to index
        %get3A_680 = arith.constant 48 : index
        %get3A_681 = tpu.vector_load %arg10[%get3A_679, %get3A_680] {strides = array<i32>} : memref<640x64xf32, #tpu.memory_space<vmem>>, vector<1x16xf32>,
        %get3A_682 = vector.shape_cast %get3A_681 : vector<1x16xf32> to vector<16xf32>
        %add3A_683 = arith.addf %add3A_676, %get3A_682 : vector<16xf32>
        %add3A_684 = arith.constant 5 : i32
        %add3A_685 = arith.addi %mul3A_218, %add3A_684 : i32
        %get3A_686 = arith.index_cast %add3A_685 : i32 to index
        %get3A_687 = arith.constant 48 : index
        %get3A_688 = tpu.vector_load %arg10[%get3A_686, %get3A_687] {strides = array<i32>} : memref<640x64xf32, #tpu.memory_space<vmem>>, vector<1x16xf32>,
        %get3A_689 = vector.shape_cast %get3A_688 : vector<1x16xf32> to vector<16xf32>
        %add3A_690 = arith.addf %add3A_683, %get3A_689 : vector<16xf32>
        %add3A_691 = arith.constant 6 : i32
        %add3A_692 = arith.addi %mul3A_218, %add3A_691 : i32
        %get3A_693 = arith.index_cast %add3A_692 : i32 to index
        %get3A_694 = arith.constant 48 : index
        %get3A_695 = tpu.vector_load %arg10[%get3A_693, %get3A_694] {strides = array<i32>} : memref<640x64xf32, #tpu.memory_space<vmem>>, vector<1x16xf32>,
        %get3A_696 = vector.shape_cast %get3A_695 : vector<1x16xf32> to vector<16xf32>
        %add3A_697 = arith.addf %add3A_690, %get3A_696 : vector<16xf32>
        %add3A_698 = arith.constant 7 : i32
        %add3A_699 = arith.addi %mul3A_218, %add3A_698 : i32
        %get3A_700 = arith.index_cast %add3A_699 : i32 to index
        %get3A_701 = arith.constant 48 : index
        %get3A_702 = tpu.vector_load %arg10[%get3A_700, %get3A_701] {strides = array<i32>} : memref<640x64xf32, #tpu.memory_space<vmem>>, vector<1x16xf32>,
        %get3A_703 = vector.shape_cast %get3A_702 : vector<1x16xf32> to vector<16xf32>
        %add3A_704 = arith.addf %add3A_697, %get3A_703 : vector<16xf32>
        %add3A_705 = arith.constant 8 : i32
        %add3A_706 = arith.addi %mul3A_218, %add3A_705 : i32
        %get3A_707 = arith.index_cast %add3A_706 : i32 to index
        %get3A_708 = arith.constant 48 : index
        %get3A_709 = tpu.vector_load %arg10[%get3A_707, %get3A_708] {strides = array<i32>} : memref<640x64xf32, #tpu.memory_space<vmem>>, vector<1x16xf32>,
        %get3A_710 = vector.shape_cast %get3A_709 : vector<1x16xf32> to vector<16xf32>
        %add3A_711 = arith.addf %add3A_704, %get3A_710 : vector<16xf32>
        %add3A_712 = arith.constant 9 : i32
        %add3A_713 = arith.addi %mul3A_218, %add3A_712 : i32
        %get3A_714 = arith.index_cast %add3A_713 : i32 to index
        %get3A_715 = arith.constant 48 : index
        %get3A_716 = tpu.vector_load %arg10[%get3A_714, %get3A_715] {strides = array<i32>} : memref<640x64xf32, #tpu.memory_space<vmem>>, vector<1x16xf32>,
        %get3A_717 = vector.shape_cast %get3A_716 : vector<1x16xf32> to vector<16xf32>
        %add3A_718 = arith.addf %add3A_711, %get3A_717 : vector<16xf32>
        %add3A_719 = arith.constant 10 : i32
        %add3A_720 = arith.addi %mul3A_218, %add3A_719 : i32
        %get3A_721 = arith.index_cast %add3A_720 : i32 to index
        %get3A_722 = arith.constant 48 : index
        %get3A_723 = tpu.vector_load %arg10[%get3A_721, %get3A_722] {strides = array<i32>} : memref<640x64xf32, #tpu.memory_space<vmem>>, vector<1x16xf32>,
        %get3A_724 = vector.shape_cast %get3A_723 : vector<1x16xf32> to vector<16xf32>
        %add3A_725 = arith.addf %add3A_718, %get3A_724 : vector<16xf32>
        %add3A_726 = arith.constant 11 : i32
        %add3A_727 = arith.addi %mul3A_218, %add3A_726 : i32
        %get3A_728 = arith.index_cast %add3A_727 : i32 to index
        %get3A_729 = arith.constant 48 : index
        %get3A_730 = tpu.vector_load %arg10[%get3A_728, %get3A_729] {strides = array<i32>} : memref<640x64xf32, #tpu.memory_space<vmem>>, vector<1x16xf32>,
        %get3A_731 = vector.shape_cast %get3A_730 : vector<1x16xf32> to vector<16xf32>
        %add3A_732 = arith.addf %add3A_725, %get3A_731 : vector<16xf32>
        %add3A_733 = arith.constant 12 : i32
        %add3A_734 = arith.addi %mul3A_218, %add3A_733 : i32
        %get3A_735 = arith.index_cast %add3A_734 : i32 to index
        %get3A_736 = arith.constant 48 : index
        %get3A_737 = tpu.vector_load %arg10[%get3A_735, %get3A_736] {strides = array<i32>} : memref<640x64xf32, #tpu.memory_space<vmem>>, vector<1x16xf32>,
        %get3A_738 = vector.shape_cast %get3A_737 : vector<1x16xf32> to vector<16xf32>
        %add3A_739 = arith.addf %add3A_732, %get3A_738 : vector<16xf32>
        %add3A_740 = arith.constant 13 : i32
        %add3A_741 = arith.addi %mul3A_218, %add3A_740 : i32
        %get3A_742 = arith.index_cast %add3A_741 : i32 to index
        %get3A_743 = arith.constant 48 : index
        %get3A_744 = tpu.vector_load %arg10[%get3A_742, %get3A_743] {strides = array<i32>} : memref<640x64xf32, #tpu.memory_space<vmem>>, vector<1x16xf32>,
        %get3A_745 = vector.shape_cast %get3A_744 : vector<1x16xf32> to vector<16xf32>
        %add3A_746 = arith.addf %add3A_739, %get3A_745 : vector<16xf32>
        %add3A_747 = arith.constant 14 : i32
        %add3A_748 = arith.addi %mul3A_218, %add3A_747 : i32
        %get3A_749 = arith.index_cast %add3A_748 : i32 to index
        %get3A_750 = arith.constant 48 : index
        %get3A_751 = tpu.vector_load %arg10[%get3A_749, %get3A_750] {strides = array<i32>} : memref<640x64xf32, #tpu.memory_space<vmem>>, vector<1x16xf32>,
        %get3A_752 = vector.shape_cast %get3A_751 : vector<1x16xf32> to vector<16xf32>
        %add3A_753 = arith.addf %add3A_746, %get3A_752 : vector<16xf32>
        %add3A_754 = arith.constant 15 : i32
        %add3A_755 = arith.addi %mul3A_218, %add3A_754 : i32
        %get3A_756 = arith.index_cast %add3A_755 : i32 to index
        %get3A_757 = arith.constant 48 : index
        %get3A_758 = tpu.vector_load %arg10[%get3A_756, %get3A_757] {strides = array<i32>} : memref<640x64xf32, #tpu.memory_space<vmem>>, vector<1x16xf32>,
        %get3A_759 = vector.shape_cast %get3A_758 : vector<1x16xf32> to vector<16xf32>
        %add3A_760 = arith.addf %add3A_753, %get3A_759 : vector<16xf32>
        %add3A_761 = arith.constant 16 : i32
        %add3A_762 = arith.addi %mul3A_218, %add3A_761 : i32
        %get3A_763 = arith.index_cast %add3A_762 : i32 to index
        %get3A_764 = arith.constant 48 : index
        %get3A_765 = tpu.vector_load %arg10[%get3A_763, %get3A_764] {strides = array<i32>} : memref<640x64xf32, #tpu.memory_space<vmem>>, vector<1x16xf32>,
        %get3A_766 = vector.shape_cast %get3A_765 : vector<1x16xf32> to vector<16xf32>
        %add3A_767 = arith.addf %add3A_760, %get3A_766 : vector<16xf32>
        %add3A_768 = arith.constant 17 : i32
        %add3A_769 = arith.addi %mul3A_218, %add3A_768 : i32
        %get3A_770 = arith.index_cast %add3A_769 : i32 to index
        %get3A_771 = arith.constant 48 : index
        %get3A_772 = tpu.vector_load %arg10[%get3A_770, %get3A_771] {strides = array<i32>} : memref<640x64xf32, #tpu.memory_space<vmem>>, vector<1x16xf32>,
        %get3A_773 = vector.shape_cast %get3A_772 : vector<1x16xf32> to vector<16xf32>
        %add3A_774 = arith.addf %add3A_767, %get3A_773 : vector<16xf32>
        %add3A_775 = arith.constant 18 : i32
        %add3A_776 = arith.addi %mul3A_218, %add3A_775 : i32
        %get3A_777 = arith.index_cast %add3A_776 : i32 to index
        %get3A_778 = arith.constant 48 : index
        %get3A_779 = tpu.vector_load %arg10[%get3A_777, %get3A_778] {strides = array<i32>} : memref<640x64xf32, #tpu.memory_space<vmem>>, vector<1x16xf32>,
        %get3A_780 = vector.shape_cast %get3A_779 : vector<1x16xf32> to vector<16xf32>
        %add3A_781 = arith.addf %add3A_774, %get3A_780 : vector<16xf32>
        %add3A_782 = arith.constant 19 : i32
        %add3A_783 = arith.addi %mul3A_218, %add3A_782 : i32
        %get3A_784 = arith.index_cast %add3A_783 : i32 to index
        %get3A_785 = arith.constant 48 : index
        %get3A_786 = tpu.vector_load %arg10[%get3A_784, %get3A_785] {strides = array<i32>} : memref<640x64xf32, #tpu.memory_space<vmem>>, vector<1x16xf32>,
        %get3A_787 = vector.shape_cast %get3A_786 : vector<1x16xf32> to vector<16xf32>
        %add3A_788 = arith.addf %add3A_781, %get3A_787 : vector<16xf32>
        %mul3A_789 = arith.constant 5.000000e-02 : f32
        %mul3A_790 = vector.broadcast %mul3A_789 : f32 to vector<16xf32>
        %mul3A_791 = arith.mulf %add3A_788, %mul3A_790 : vector<16xf32>
        %swap3A_792 = arith.index_cast %scan3A_216 : i32 to index
        %swap3A_793 = arith.constant 48 : index
        %swap3A_794 = tpu.vector_load %arg11[%swap3A_792, %swap3A_793] {strides = array<i32>} : memref<32x64xf32, #tpu.memory_space<vmem>>, vector<1x16xf32>,
        %swap3A_795 = vector.shape_cast %swap3A_794 : vector<1x16xf32> to vector<16xf32>
        %swap3A_796 = vector.shape_cast %mul3A_791 : vector<16xf32> to vector<1x16xf32>
        tpu.vector_store %arg11[%swap3A_792, %swap3A_793], %swap3A_796 {strides = array<i32>} : memref<32x64xf32, #tpu.memory_space<vmem>>, vector<1x16xf32>,
      }
      %scan3A_188 = arith.constant 32 : i32
      %mul3A_189 = arith.constant 32 : i32
      %mul3A_190 = arith.muli %mul3A_176, %mul3A_189 : i32
      %add3A_191 = arith.addi %mul3A_2, %mul3A_190 : i32
      "tpu.region"() ({
        %run_scoped3A = tpu.sem_alloc : memref<!tpu.dma_semaphore, #tpu.memory_space<semaphore_mem>>
        %dma_start3A_216 = arith.constant 0 : i32
        %dma_start3A_217 = tpu.memref_slice %arg6[%add3A_191, %dma_start3A_216] : memref<16384x64xf32, #tpu.memory_space<hbm>> -> memref<32x64xf32, #tpu.memory_space<hbm>>
        %dma_start3A_218 = arith.constant 0 : i32
        %dma_start3A_219 = tpu.memref_slice %arg6[%add3A_191, %dma_start3A_218] : memref<16384x64xf32, #tpu.memory_space<hbm>> -> memref<32x64xf32, #tpu.memory_space<hbm>>
        tpu.enqueue_dma source(%arg11 : memref<32x64xf32, #tpu.memory_space<vmem>>) target(%dma_start3A_219 : memref<32x64xf32, #tpu.memory_space<hbm>>) target_semaphore(%run_scoped3A : memref<!tpu.dma_semaphore, #tpu.memory_space<semaphore_mem>>)
        %dma_wait3A_220 = arith.constant 0 : i32
        %dma_wait3A_221 = tpu.memref_slice %arg6[%add3A_191, %dma_wait3A_220] : memref<16384x64xf32, #tpu.memory_space<hbm>> -> memref<32x64xf32, #tpu.memory_space<hbm>>
        %dma_wait3A_222 = arith.constant 0 : i32
        %dma_wait3A_223 = tpu.memref_slice %arg6[%add3A_191, %dma_wait3A_222] : memref<16384x64xf32, #tpu.memory_space<hbm>> -> memref<32x64xf32, #tpu.memory_space<hbm>>
        tpu.wait_dma2 semaphore(%run_scoped3A : memref<!tpu.dma_semaphore, #tpu.memory_space<semaphore_mem>>) src(%arg11 : memref<32x64xf32, #tpu.memory_space<vmem>>) dst(%dma_wait3A_223 : memref<32x64xf32, #tpu.memory_space<hbm>>)
        tpu.yield
      }) : () -> ()
      %lt3A = arith.constant 7 : i32
      %lt3A_192 = arith.cmpi slt, %scan3A_174, %lt3A : i32
      %convert_element_type3A = arith.extui %lt3A_192 : i1 to i32
      %cond3A = arith.constant 0 : i32
      %cond3A_193 = arith.cmpi ne, %convert_element_type3A, %cond3A : i32
      scf.if %cond3A_193 {
        %add3A_216 = arith.constant 2 : i32
        %add3A_217 = arith.addi %mul3A_176, %add3A_216 : i32
        %mul3A_218 = arith.constant 5 : i32
        %mul3A_219 = arith.muli %add3A_217, %mul3A_218 : i32
        %add3A_220 = arith.constant 0 : i32
        %add3A_221 = arith.addi %mul3A_219, %add3A_220 : i32
        %dma_start3A_222 = arith.constant 0 : i32
        %dma_start3A_223 = arith.constant 0 : i32
        %dma_start3A_224 = tpu.memref_slice %arg10[%dma_start3A_222, %dma_start3A_223] : memref<640x64xf32, #tpu.memory_space<vmem>> -> memref<128x64xf32, #tpu.memory_space<vmem>>
        %dma_start3A_225 = arith.constant 0 : i32
        %dma_start3A_226 = tpu.memref_slice %arg8[%add3A_221, %dma_start3A_225] : memref<80x128xi32, #tpu.memory_space<vmem>> -> memref<1x128xi32, #tpu.memory_space<vmem>>
        %dma_start3A_227 = tpu.memref_squeeze %dma_start3A_226 : memref<1x128xi32, #tpu.memory_space<vmem>> -> memref<128xi32, #tpu.memory_space<vmem>>
        %dma_start3A_228 = arith.constant 0 : i32
        %dma_start3A_229 = arith.constant 0 : i32
        %dma_start3A_230 = tpu.memref_slice %arg2[%dma_start3A_228, %dma_start3A_229] : memref<1000000x64xf32, #tpu.memory_space<hbm>> -> memref<1000000x64xf32, #tpu.memory_space<hbm>>
        tpu.enqueue_indirect_dma source(%dma_start3A_230 : memref<1000000x64xf32, #tpu.memory_space<hbm>>) target(%dma_start3A_224 : memref<128x64xf32, #tpu.memory_space<vmem>>) offsets(%dma_start3A_227 : memref<128xi32, #tpu.memory_space<vmem>>) semaphore(%arg13 : memref<!tpu.dma_semaphore, #tpu.memory_space<semaphore_mem>>)
        %mul3A_231 = arith.constant 5 : i32
        %mul3A_232 = arith.muli %add3A_217, %mul3A_231 : i32
        %add3A_233 = arith.constant 1 : i32
        %add3A_234 = arith.addi %mul3A_232, %add3A_233 : i32
        %dma_start3A_235 = arith.constant 128 : i32
        %dma_start3A_236 = arith.constant 0 : i32
        %dma_start3A_237 = tpu.memref_slice %arg10[%dma_start3A_235, %dma_start3A_236] : memref<640x64xf32, #tpu.memory_space<vmem>> -> memref<128x64xf32, #tpu.memory_space<vmem>>
        %dma_start3A_238 = arith.constant 0 : i32
        %dma_start3A_239 = tpu.memref_slice %arg8[%add3A_234, %dma_start3A_238] : memref<80x128xi32, #tpu.memory_space<vmem>> -> memref<1x128xi32, #tpu.memory_space<vmem>>
        %dma_start3A_240 = tpu.memref_squeeze %dma_start3A_239 : memref<1x128xi32, #tpu.memory_space<vmem>> -> memref<128xi32, #tpu.memory_space<vmem>>
        %dma_start3A_241 = arith.constant 0 : i32
        %dma_start3A_242 = arith.constant 0 : i32
        %dma_start3A_243 = tpu.memref_slice %arg2[%dma_start3A_241, %dma_start3A_242] : memref<1000000x64xf32, #tpu.memory_space<hbm>> -> memref<1000000x64xf32, #tpu.memory_space<hbm>>
        tpu.enqueue_indirect_dma source(%dma_start3A_243 : memref<1000000x64xf32, #tpu.memory_space<hbm>>) target(%dma_start3A_237 : memref<128x64xf32, #tpu.memory_space<vmem>>) offsets(%dma_start3A_240 : memref<128xi32, #tpu.memory_space<vmem>>) semaphore(%arg13 : memref<!tpu.dma_semaphore, #tpu.memory_space<semaphore_mem>>)
        %mul3A_244 = arith.constant 5 : i32
        %mul3A_245 = arith.muli %add3A_217, %mul3A_244 : i32
        %add3A_246 = arith.constant 2 : i32
        %add3A_247 = arith.addi %mul3A_245, %add3A_246 : i32
        %dma_start3A_248 = arith.constant 256 : i32
        %dma_start3A_249 = arith.constant 0 : i32
        %dma_start3A_250 = tpu.memref_slice %arg10[%dma_start3A_248, %dma_start3A_249] : memref<640x64xf32, #tpu.memory_space<vmem>> -> memref<128x64xf32, #tpu.memory_space<vmem>>
        %dma_start3A_251 = arith.constant 0 : i32
        %dma_start3A_252 = tpu.memref_slice %arg8[%add3A_247, %dma_start3A_251] : memref<80x128xi32, #tpu.memory_space<vmem>> -> memref<1x128xi32, #tpu.memory_space<vmem>>
        %dma_start3A_253 = tpu.memref_squeeze %dma_start3A_252 : memref<1x128xi32, #tpu.memory_space<vmem>> -> memref<128xi32, #tpu.memory_space<vmem>>
        %dma_start3A_254 = arith.constant 0 : i32
        %dma_start3A_255 = arith.constant 0 : i32
        %dma_start3A_256 = tpu.memref_slice %arg2[%dma_start3A_254, %dma_start3A_255] : memref<1000000x64xf32, #tpu.memory_space<hbm>> -> memref<1000000x64xf32, #tpu.memory_space<hbm>>
        tpu.enqueue_indirect_dma source(%dma_start3A_256 : memref<1000000x64xf32, #tpu.memory_space<hbm>>) target(%dma_start3A_250 : memref<128x64xf32, #tpu.memory_space<vmem>>) offsets(%dma_start3A_253 : memref<128xi32, #tpu.memory_space<vmem>>) semaphore(%arg13 : memref<!tpu.dma_semaphore, #tpu.memory_space<semaphore_mem>>)
        %mul3A_257 = arith.constant 5 : i32
        %mul3A_258 = arith.muli %add3A_217, %mul3A_257 : i32
        %add3A_259 = arith.constant 3 : i32
        %add3A_260 = arith.addi %mul3A_258, %add3A_259 : i32
        %dma_start3A_261 = arith.constant 384 : i32
        %dma_start3A_262 = arith.constant 0 : i32
        %dma_start3A_263 = tpu.memref_slice %arg10[%dma_start3A_261, %dma_start3A_262] : memref<640x64xf32, #tpu.memory_space<vmem>> -> memref<128x64xf32, #tpu.memory_space<vmem>>
        %dma_start3A_264 = arith.constant 0 : i32
        %dma_start3A_265 = tpu.memref_slice %arg8[%add3A_260, %dma_start3A_264] : memref<80x128xi32, #tpu.memory_space<vmem>> -> memref<1x128xi32, #tpu.memory_space<vmem>>
        %dma_start3A_266 = tpu.memref_squeeze %dma_start3A_265 : memref<1x128xi32, #tpu.memory_space<vmem>> -> memref<128xi32, #tpu.memory_space<vmem>>
        %dma_start3A_267 = arith.constant 0 : i32
        %dma_start3A_268 = arith.constant 0 : i32
        %dma_start3A_269 = tpu.memref_slice %arg2[%dma_start3A_267, %dma_start3A_268] : memref<1000000x64xf32, #tpu.memory_space<hbm>> -> memref<1000000x64xf32, #tpu.memory_space<hbm>>
        tpu.enqueue_indirect_dma source(%dma_start3A_269 : memref<1000000x64xf32, #tpu.memory_space<hbm>>) target(%dma_start3A_263 : memref<128x64xf32, #tpu.memory_space<vmem>>) offsets(%dma_start3A_266 : memref<128xi32, #tpu.memory_space<vmem>>) semaphore(%arg13 : memref<!tpu.dma_semaphore, #tpu.memory_space<semaphore_mem>>)
        %mul3A_270 = arith.constant 5 : i32
        %mul3A_271 = arith.muli %add3A_217, %mul3A_270 : i32
        %add3A_272 = arith.constant 4 : i32
        %add3A_273 = arith.addi %mul3A_271, %add3A_272 : i32
        %dma_start3A_274 = arith.constant 512 : i32
        %dma_start3A_275 = arith.constant 0 : i32
        %dma_start3A_276 = tpu.memref_slice %arg10[%dma_start3A_274, %dma_start3A_275] : memref<640x64xf32, #tpu.memory_space<vmem>> -> memref<128x64xf32, #tpu.memory_space<vmem>>
        %dma_start3A_277 = arith.constant 0 : i32
        %dma_start3A_278 = tpu.memref_slice %arg8[%add3A_273, %dma_start3A_277] : memref<80x128xi32, #tpu.memory_space<vmem>> -> memref<1x128xi32, #tpu.memory_space<vmem>>
        %dma_start3A_279 = tpu.memref_squeeze %dma_start3A_278 : memref<1x128xi32, #tpu.memory_space<vmem>> -> memref<128xi32, #tpu.memory_space<vmem>>
        %dma_start3A_280 = arith.constant 0 : i32
        %dma_start3A_281 = arith.constant 0 : i32
        %dma_start3A_282 = tpu.memref_slice %arg2[%dma_start3A_280, %dma_start3A_281] : memref<1000000x64xf32, #tpu.memory_space<hbm>> -> memref<1000000x64xf32, #tpu.memory_space<hbm>>
        tpu.enqueue_indirect_dma source(%dma_start3A_282 : memref<1000000x64xf32, #tpu.memory_space<hbm>>) target(%dma_start3A_276 : memref<128x64xf32, #tpu.memory_space<vmem>>) offsets(%dma_start3A_279 : memref<128xi32, #tpu.memory_space<vmem>>) semaphore(%arg13 : memref<!tpu.dma_semaphore, #tpu.memory_space<semaphore_mem>>)
      } else {
      }
      %dma_wait3A_194 = arith.constant 0 : i32
      %dma_wait3A_195 = arith.constant 0 : i32
      %dma_wait3A_196 = tpu.memref_slice %arg2[%dma_wait3A_194, %dma_wait3A_195] : memref<1000000x64xf32, #tpu.memory_space<hbm>> -> memref<640x64xf32, #tpu.memory_space<hbm>>
      %dma_wait3A_197 = arith.constant 0 : i32
      %dma_wait3A_198 = arith.constant 0 : i32
      %dma_wait3A_199 = tpu.memref_slice %arg2[%dma_wait3A_197, %dma_wait3A_198] : memref<1000000x64xf32, #tpu.memory_space<hbm>> -> memref<640x64xf32, #tpu.memory_space<hbm>>
      tpu.wait_dma2 semaphore(%arg12 : memref<!tpu.dma_semaphore, #tpu.memory_space<semaphore_mem>>) src(%dma_wait3A_199 : memref<640x64xf32, #tpu.memory_space<hbm>>) dst(%arg9 : memref<640x64xf32, #tpu.memory_space<vmem>>)
      %add3A_200 = arith.constant 1 : i32
      %add3A_201 = arith.addi %mul3A_176, %add3A_200 : i32
      %scan3A_202 = arith.constant 0 : i32
      %scan3A_203 = arith.constant 0 : i32
      %scan3A_204 = arith.constant 32 : i32
      %scan3A_205 = arith.addi %scan3A_203, %scan3A_204 : i32
      %scan3A_206 = arith.constant 1 : i32
      scf.for %scan3A_216 = %scan3A_203 to %scan3A_205 step %scan3A_206  : i32 {
        %mul3A_217 = arith.constant 20 : i32
        %mul3A_218 = arith.muli %scan3A_216, %mul3A_217 : i32
        %get3A = arith.index_cast %mul3A_218 : i32 to index
        %get3A_219 = arith.constant 0 : index
        %get3A_220 = tpu.vector_load %arg9[%get3A, %get3A_219] {strides = array<i32>} : memref<640x64xf32, #tpu.memory_space<vmem>>, vector<1x16xf32>,
        %get3A_221 = vector.shape_cast %get3A_220 : vector<1x16xf32> to vector<16xf32>
        %add3A_222 = arith.constant 1 : i32
        %add3A_223 = arith.addi %mul3A_218, %add3A_222 : i32
        %get3A_224 = arith.index_cast %add3A_223 : i32 to index
        %get3A_225 = arith.constant 0 : index
        %get3A_226 = tpu.vector_load %arg9[%get3A_224, %get3A_225] {strides = array<i32>} : memref<640x64xf32, #tpu.memory_space<vmem>>, vector<1x16xf32>,
        %get3A_227 = vector.shape_cast %get3A_226 : vector<1x16xf32> to vector<16xf32>
        %add3A_228 = arith.addf %get3A_221, %get3A_227 : vector<16xf32>
        %add3A_229 = arith.constant 2 : i32
        %add3A_230 = arith.addi %mul3A_218, %add3A_229 : i32
        %get3A_231 = arith.index_cast %add3A_230 : i32 to index
        %get3A_232 = arith.constant 0 : index
        %get3A_233 = tpu.vector_load %arg9[%get3A_231, %get3A_232] {strides = array<i32>} : memref<640x64xf32, #tpu.memory_space<vmem>>, vector<1x16xf32>,
        %get3A_234 = vector.shape_cast %get3A_233 : vector<1x16xf32> to vector<16xf32>
        %add3A_235 = arith.addf %add3A_228, %get3A_234 : vector<16xf32>
        %add3A_236 = arith.constant 3 : i32
        %add3A_237 = arith.addi %mul3A_218, %add3A_236 : i32
        %get3A_238 = arith.index_cast %add3A_237 : i32 to index
        %get3A_239 = arith.constant 0 : index
        %get3A_240 = tpu.vector_load %arg9[%get3A_238, %get3A_239] {strides = array<i32>} : memref<640x64xf32, #tpu.memory_space<vmem>>, vector<1x16xf32>,
        %get3A_241 = vector.shape_cast %get3A_240 : vector<1x16xf32> to vector<16xf32>
        %add3A_242 = arith.addf %add3A_235, %get3A_241 : vector<16xf32>
        %add3A_243 = arith.constant 4 : i32
        %add3A_244 = arith.addi %mul3A_218, %add3A_243 : i32
        %get3A_245 = arith.index_cast %add3A_244 : i32 to index
        %get3A_246 = arith.constant 0 : index
        %get3A_247 = tpu.vector_load %arg9[%get3A_245, %get3A_246] {strides = array<i32>} : memref<640x64xf32, #tpu.memory_space<vmem>>, vector<1x16xf32>,
        %get3A_248 = vector.shape_cast %get3A_247 : vector<1x16xf32> to vector<16xf32>
        %add3A_249 = arith.addf %add3A_242, %get3A_248 : vector<16xf32>
        %add3A_250 = arith.constant 5 : i32
        %add3A_251 = arith.addi %mul3A_218, %add3A_250 : i32
        %get3A_252 = arith.index_cast %add3A_251 : i32 to index
        %get3A_253 = arith.constant 0 : index
        %get3A_254 = tpu.vector_load %arg9[%get3A_252, %get3A_253] {strides = array<i32>} : memref<640x64xf32, #tpu.memory_space<vmem>>, vector<1x16xf32>,
        %get3A_255 = vector.shape_cast %get3A_254 : vector<1x16xf32> to vector<16xf32>
        %add3A_256 = arith.addf %add3A_249, %get3A_255 : vector<16xf32>
        %add3A_257 = arith.constant 6 : i32
        %add3A_258 = arith.addi %mul3A_218, %add3A_257 : i32
        %get3A_259 = arith.index_cast %add3A_258 : i32 to index
        %get3A_260 = arith.constant 0 : index
        %get3A_261 = tpu.vector_load %arg9[%get3A_259, %get3A_260] {strides = array<i32>} : memref<640x64xf32, #tpu.memory_space<vmem>>, vector<1x16xf32>,
        %get3A_262 = vector.shape_cast %get3A_261 : vector<1x16xf32> to vector<16xf32>
        %add3A_263 = arith.addf %add3A_256, %get3A_262 : vector<16xf32>
        %add3A_264 = arith.constant 7 : i32
        %add3A_265 = arith.addi %mul3A_218, %add3A_264 : i32
        %get3A_266 = arith.index_cast %add3A_265 : i32 to index
        %get3A_267 = arith.constant 0 : index
        %get3A_268 = tpu.vector_load %arg9[%get3A_266, %get3A_267] {strides = array<i32>} : memref<640x64xf32, #tpu.memory_space<vmem>>, vector<1x16xf32>,
        %get3A_269 = vector.shape_cast %get3A_268 : vector<1x16xf32> to vector<16xf32>
        %add3A_270 = arith.addf %add3A_263, %get3A_269 : vector<16xf32>
        %add3A_271 = arith.constant 8 : i32
        %add3A_272 = arith.addi %mul3A_218, %add3A_271 : i32
        %get3A_273 = arith.index_cast %add3A_272 : i32 to index
        %get3A_274 = arith.constant 0 : index
        %get3A_275 = tpu.vector_load %arg9[%get3A_273, %get3A_274] {strides = array<i32>} : memref<640x64xf32, #tpu.memory_space<vmem>>, vector<1x16xf32>,
        %get3A_276 = vector.shape_cast %get3A_275 : vector<1x16xf32> to vector<16xf32>
        %add3A_277 = arith.addf %add3A_270, %get3A_276 : vector<16xf32>
        %add3A_278 = arith.constant 9 : i32
        %add3A_279 = arith.addi %mul3A_218, %add3A_278 : i32
        %get3A_280 = arith.index_cast %add3A_279 : i32 to index
        %get3A_281 = arith.constant 0 : index
        %get3A_282 = tpu.vector_load %arg9[%get3A_280, %get3A_281] {strides = array<i32>} : memref<640x64xf32, #tpu.memory_space<vmem>>, vector<1x16xf32>,
        %get3A_283 = vector.shape_cast %get3A_282 : vector<1x16xf32> to vector<16xf32>
        %add3A_284 = arith.addf %add3A_277, %get3A_283 : vector<16xf32>
        %add3A_285 = arith.constant 10 : i32
        %add3A_286 = arith.addi %mul3A_218, %add3A_285 : i32
        %get3A_287 = arith.index_cast %add3A_286 : i32 to index
        %get3A_288 = arith.constant 0 : index
        %get3A_289 = tpu.vector_load %arg9[%get3A_287, %get3A_288] {strides = array<i32>} : memref<640x64xf32, #tpu.memory_space<vmem>>, vector<1x16xf32>,
        %get3A_290 = vector.shape_cast %get3A_289 : vector<1x16xf32> to vector<16xf32>
        %add3A_291 = arith.addf %add3A_284, %get3A_290 : vector<16xf32>
        %add3A_292 = arith.constant 11 : i32
        %add3A_293 = arith.addi %mul3A_218, %add3A_292 : i32
        %get3A_294 = arith.index_cast %add3A_293 : i32 to index
        %get3A_295 = arith.constant 0 : index
        %get3A_296 = tpu.vector_load %arg9[%get3A_294, %get3A_295] {strides = array<i32>} : memref<640x64xf32, #tpu.memory_space<vmem>>, vector<1x16xf32>,
        %get3A_297 = vector.shape_cast %get3A_296 : vector<1x16xf32> to vector<16xf32>
        %add3A_298 = arith.addf %add3A_291, %get3A_297 : vector<16xf32>
        %add3A_299 = arith.constant 12 : i32
        %add3A_300 = arith.addi %mul3A_218, %add3A_299 : i32
        %get3A_301 = arith.index_cast %add3A_300 : i32 to index
        %get3A_302 = arith.constant 0 : index
        %get3A_303 = tpu.vector_load %arg9[%get3A_301, %get3A_302] {strides = array<i32>} : memref<640x64xf32, #tpu.memory_space<vmem>>, vector<1x16xf32>,
        %get3A_304 = vector.shape_cast %get3A_303 : vector<1x16xf32> to vector<16xf32>
        %add3A_305 = arith.addf %add3A_298, %get3A_304 : vector<16xf32>
        %add3A_306 = arith.constant 13 : i32
        %add3A_307 = arith.addi %mul3A_218, %add3A_306 : i32
        %get3A_308 = arith.index_cast %add3A_307 : i32 to index
        %get3A_309 = arith.constant 0 : index
        %get3A_310 = tpu.vector_load %arg9[%get3A_308, %get3A_309] {strides = array<i32>} : memref<640x64xf32, #tpu.memory_space<vmem>>, vector<1x16xf32>,
        %get3A_311 = vector.shape_cast %get3A_310 : vector<1x16xf32> to vector<16xf32>
        %add3A_312 = arith.addf %add3A_305, %get3A_311 : vector<16xf32>
        %add3A_313 = arith.constant 14 : i32
        %add3A_314 = arith.addi %mul3A_218, %add3A_313 : i32
        %get3A_315 = arith.index_cast %add3A_314 : i32 to index
        %get3A_316 = arith.constant 0 : index
        %get3A_317 = tpu.vector_load %arg9[%get3A_315, %get3A_316] {strides = array<i32>} : memref<640x64xf32, #tpu.memory_space<vmem>>, vector<1x16xf32>,
        %get3A_318 = vector.shape_cast %get3A_317 : vector<1x16xf32> to vector<16xf32>
        %add3A_319 = arith.addf %add3A_312, %get3A_318 : vector<16xf32>
        %add3A_320 = arith.constant 15 : i32
        %add3A_321 = arith.addi %mul3A_218, %add3A_320 : i32
        %get3A_322 = arith.index_cast %add3A_321 : i32 to index
        %get3A_323 = arith.constant 0 : index
        %get3A_324 = tpu.vector_load %arg9[%get3A_322, %get3A_323] {strides = array<i32>} : memref<640x64xf32, #tpu.memory_space<vmem>>, vector<1x16xf32>,
        %get3A_325 = vector.shape_cast %get3A_324 : vector<1x16xf32> to vector<16xf32>
        %add3A_326 = arith.addf %add3A_319, %get3A_325 : vector<16xf32>
        %add3A_327 = arith.constant 16 : i32
        %add3A_328 = arith.addi %mul3A_218, %add3A_327 : i32
        %get3A_329 = arith.index_cast %add3A_328 : i32 to index
        %get3A_330 = arith.constant 0 : index
        %get3A_331 = tpu.vector_load %arg9[%get3A_329, %get3A_330] {strides = array<i32>} : memref<640x64xf32, #tpu.memory_space<vmem>>, vector<1x16xf32>,
        %get3A_332 = vector.shape_cast %get3A_331 : vector<1x16xf32> to vector<16xf32>
        %add3A_333 = arith.addf %add3A_326, %get3A_332 : vector<16xf32>
        %add3A_334 = arith.constant 17 : i32
        %add3A_335 = arith.addi %mul3A_218, %add3A_334 : i32
        %get3A_336 = arith.index_cast %add3A_335 : i32 to index
        %get3A_337 = arith.constant 0 : index
        %get3A_338 = tpu.vector_load %arg9[%get3A_336, %get3A_337] {strides = array<i32>} : memref<640x64xf32, #tpu.memory_space<vmem>>, vector<1x16xf32>,
        %get3A_339 = vector.shape_cast %get3A_338 : vector<1x16xf32> to vector<16xf32>
        %add3A_340 = arith.addf %add3A_333, %get3A_339 : vector<16xf32>
        %add3A_341 = arith.constant 18 : i32
        %add3A_342 = arith.addi %mul3A_218, %add3A_341 : i32
        %get3A_343 = arith.index_cast %add3A_342 : i32 to index
        %get3A_344 = arith.constant 0 : index
        %get3A_345 = tpu.vector_load %arg9[%get3A_343, %get3A_344] {strides = array<i32>} : memref<640x64xf32, #tpu.memory_space<vmem>>, vector<1x16xf32>,
        %get3A_346 = vector.shape_cast %get3A_345 : vector<1x16xf32> to vector<16xf32>
        %add3A_347 = arith.addf %add3A_340, %get3A_346 : vector<16xf32>
        %add3A_348 = arith.constant 19 : i32
        %add3A_349 = arith.addi %mul3A_218, %add3A_348 : i32
        %get3A_350 = arith.index_cast %add3A_349 : i32 to index
        %get3A_351 = arith.constant 0 : index
        %get3A_352 = tpu.vector_load %arg9[%get3A_350, %get3A_351] {strides = array<i32>} : memref<640x64xf32, #tpu.memory_space<vmem>>, vector<1x16xf32>,
        %get3A_353 = vector.shape_cast %get3A_352 : vector<1x16xf32> to vector<16xf32>
        %add3A_354 = arith.addf %add3A_347, %get3A_353 : vector<16xf32>
        %mul3A_355 = arith.constant 5.000000e-02 : f32
        %mul3A_356 = vector.broadcast %mul3A_355 : f32 to vector<16xf32>
        %mul3A_357 = arith.mulf %add3A_354, %mul3A_356 : vector<16xf32>
        %swap3A = arith.index_cast %scan3A_216 : i32 to index
        %swap3A_358 = arith.constant 0 : index
        %swap3A_359 = tpu.vector_load %arg11[%swap3A, %swap3A_358] {strides = array<i32>} : memref<32x64xf32, #tpu.memory_space<vmem>>, vector<1x16xf32>,
        %swap3A_360 = vector.shape_cast %swap3A_359 : vector<1x16xf32> to vector<16xf32>
        %swap3A_361 = vector.shape_cast %mul3A_357 : vector<16xf32> to vector<1x16xf32>
        tpu.vector_store %arg11[%swap3A, %swap3A_358], %swap3A_361 {strides = array<i32>} : memref<32x64xf32, #tpu.memory_space<vmem>>, vector<1x16xf32>,
        %get3A_362 = arith.index_cast %mul3A_218 : i32 to index
        %get3A_363 = arith.constant 16 : index
        %get3A_364 = tpu.vector_load %arg9[%get3A_362, %get3A_363] {strides = array<i32>} : memref<640x64xf32, #tpu.memory_space<vmem>>, vector<1x16xf32>,
        %get3A_365 = vector.shape_cast %get3A_364 : vector<1x16xf32> to vector<16xf32>
        %add3A_366 = arith.constant 1 : i32
        %add3A_367 = arith.addi %mul3A_218, %add3A_366 : i32
        %get3A_368 = arith.index_cast %add3A_367 : i32 to index
        %get3A_369 = arith.constant 16 : index
        %get3A_370 = tpu.vector_load %arg9[%get3A_368, %get3A_369] {strides = array<i32>} : memref<640x64xf32, #tpu.memory_space<vmem>>, vector<1x16xf32>,
        %get3A_371 = vector.shape_cast %get3A_370 : vector<1x16xf32> to vector<16xf32>
        %add3A_372 = arith.addf %get3A_365, %get3A_371 : vector<16xf32>
        %add3A_373 = arith.constant 2 : i32
        %add3A_374 = arith.addi %mul3A_218, %add3A_373 : i32
        %get3A_375 = arith.index_cast %add3A_374 : i32 to index
        %get3A_376 = arith.constant 16 : index
        %get3A_377 = tpu.vector_load %arg9[%get3A_375, %get3A_376] {strides = array<i32>} : memref<640x64xf32, #tpu.memory_space<vmem>>, vector<1x16xf32>,
        %get3A_378 = vector.shape_cast %get3A_377 : vector<1x16xf32> to vector<16xf32>
        %add3A_379 = arith.addf %add3A_372, %get3A_378 : vector<16xf32>
        %add3A_380 = arith.constant 3 : i32
        %add3A_381 = arith.addi %mul3A_218, %add3A_380 : i32
        %get3A_382 = arith.index_cast %add3A_381 : i32 to index
        %get3A_383 = arith.constant 16 : index
        %get3A_384 = tpu.vector_load %arg9[%get3A_382, %get3A_383] {strides = array<i32>} : memref<640x64xf32, #tpu.memory_space<vmem>>, vector<1x16xf32>,
        %get3A_385 = vector.shape_cast %get3A_384 : vector<1x16xf32> to vector<16xf32>
        %add3A_386 = arith.addf %add3A_379, %get3A_385 : vector<16xf32>
        %add3A_387 = arith.constant 4 : i32
        %add3A_388 = arith.addi %mul3A_218, %add3A_387 : i32
        %get3A_389 = arith.index_cast %add3A_388 : i32 to index
        %get3A_390 = arith.constant 16 : index
        %get3A_391 = tpu.vector_load %arg9[%get3A_389, %get3A_390] {strides = array<i32>} : memref<640x64xf32, #tpu.memory_space<vmem>>, vector<1x16xf32>,
        %get3A_392 = vector.shape_cast %get3A_391 : vector<1x16xf32> to vector<16xf32>
        %add3A_393 = arith.addf %add3A_386, %get3A_392 : vector<16xf32>
        %add3A_394 = arith.constant 5 : i32
        %add3A_395 = arith.addi %mul3A_218, %add3A_394 : i32
        %get3A_396 = arith.index_cast %add3A_395 : i32 to index
        %get3A_397 = arith.constant 16 : index
        %get3A_398 = tpu.vector_load %arg9[%get3A_396, %get3A_397] {strides = array<i32>} : memref<640x64xf32, #tpu.memory_space<vmem>>, vector<1x16xf32>,
        %get3A_399 = vector.shape_cast %get3A_398 : vector<1x16xf32> to vector<16xf32>
        %add3A_400 = arith.addf %add3A_393, %get3A_399 : vector<16xf32>
        %add3A_401 = arith.constant 6 : i32
        %add3A_402 = arith.addi %mul3A_218, %add3A_401 : i32
        %get3A_403 = arith.index_cast %add3A_402 : i32 to index
        %get3A_404 = arith.constant 16 : index
        %get3A_405 = tpu.vector_load %arg9[%get3A_403, %get3A_404] {strides = array<i32>} : memref<640x64xf32, #tpu.memory_space<vmem>>, vector<1x16xf32>,
        %get3A_406 = vector.shape_cast %get3A_405 : vector<1x16xf32> to vector<16xf32>
        %add3A_407 = arith.addf %add3A_400, %get3A_406 : vector<16xf32>
        %add3A_408 = arith.constant 7 : i32
        %add3A_409 = arith.addi %mul3A_218, %add3A_408 : i32
        %get3A_410 = arith.index_cast %add3A_409 : i32 to index
        %get3A_411 = arith.constant 16 : index
        %get3A_412 = tpu.vector_load %arg9[%get3A_410, %get3A_411] {strides = array<i32>} : memref<640x64xf32, #tpu.memory_space<vmem>>, vector<1x16xf32>,
        %get3A_413 = vector.shape_cast %get3A_412 : vector<1x16xf32> to vector<16xf32>
        %add3A_414 = arith.addf %add3A_407, %get3A_413 : vector<16xf32>
        %add3A_415 = arith.constant 8 : i32
        %add3A_416 = arith.addi %mul3A_218, %add3A_415 : i32
        %get3A_417 = arith.index_cast %add3A_416 : i32 to index
        %get3A_418 = arith.constant 16 : index
        %get3A_419 = tpu.vector_load %arg9[%get3A_417, %get3A_418] {strides = array<i32>} : memref<640x64xf32, #tpu.memory_space<vmem>>, vector<1x16xf32>,
        %get3A_420 = vector.shape_cast %get3A_419 : vector<1x16xf32> to vector<16xf32>
        %add3A_421 = arith.addf %add3A_414, %get3A_420 : vector<16xf32>
        %add3A_422 = arith.constant 9 : i32
        %add3A_423 = arith.addi %mul3A_218, %add3A_422 : i32
        %get3A_424 = arith.index_cast %add3A_423 : i32 to index
        %get3A_425 = arith.constant 16 : index
        %get3A_426 = tpu.vector_load %arg9[%get3A_424, %get3A_425] {strides = array<i32>} : memref<640x64xf32, #tpu.memory_space<vmem>>, vector<1x16xf32>,
        %get3A_427 = vector.shape_cast %get3A_426 : vector<1x16xf32> to vector<16xf32>
        %add3A_428 = arith.addf %add3A_421, %get3A_427 : vector<16xf32>
        %add3A_429 = arith.constant 10 : i32
        %add3A_430 = arith.addi %mul3A_218, %add3A_429 : i32
        %get3A_431 = arith.index_cast %add3A_430 : i32 to index
        %get3A_432 = arith.constant 16 : index
        %get3A_433 = tpu.vector_load %arg9[%get3A_431, %get3A_432] {strides = array<i32>} : memref<640x64xf32, #tpu.memory_space<vmem>>, vector<1x16xf32>,
        %get3A_434 = vector.shape_cast %get3A_433 : vector<1x16xf32> to vector<16xf32>
        %add3A_435 = arith.addf %add3A_428, %get3A_434 : vector<16xf32>
        %add3A_436 = arith.constant 11 : i32
        %add3A_437 = arith.addi %mul3A_218, %add3A_436 : i32
        %get3A_438 = arith.index_cast %add3A_437 : i32 to index
        %get3A_439 = arith.constant 16 : index
        %get3A_440 = tpu.vector_load %arg9[%get3A_438, %get3A_439] {strides = array<i32>} : memref<640x64xf32, #tpu.memory_space<vmem>>, vector<1x16xf32>,
        %get3A_441 = vector.shape_cast %get3A_440 : vector<1x16xf32> to vector<16xf32>
        %add3A_442 = arith.addf %add3A_435, %get3A_441 : vector<16xf32>
        %add3A_443 = arith.constant 12 : i32
        %add3A_444 = arith.addi %mul3A_218, %add3A_443 : i32
        %get3A_445 = arith.index_cast %add3A_444 : i32 to index
        %get3A_446 = arith.constant 16 : index
        %get3A_447 = tpu.vector_load %arg9[%get3A_445, %get3A_446] {strides = array<i32>} : memref<640x64xf32, #tpu.memory_space<vmem>>, vector<1x16xf32>,
        %get3A_448 = vector.shape_cast %get3A_447 : vector<1x16xf32> to vector<16xf32>
        %add3A_449 = arith.addf %add3A_442, %get3A_448 : vector<16xf32>
        %add3A_450 = arith.constant 13 : i32
        %add3A_451 = arith.addi %mul3A_218, %add3A_450 : i32
        %get3A_452 = arith.index_cast %add3A_451 : i32 to index
        %get3A_453 = arith.constant 16 : index
        %get3A_454 = tpu.vector_load %arg9[%get3A_452, %get3A_453] {strides = array<i32>} : memref<640x64xf32, #tpu.memory_space<vmem>>, vector<1x16xf32>,
        %get3A_455 = vector.shape_cast %get3A_454 : vector<1x16xf32> to vector<16xf32>
        %add3A_456 = arith.addf %add3A_449, %get3A_455 : vector<16xf32>
        %add3A_457 = arith.constant 14 : i32
        %add3A_458 = arith.addi %mul3A_218, %add3A_457 : i32
        %get3A_459 = arith.index_cast %add3A_458 : i32 to index
        %get3A_460 = arith.constant 16 : index
        %get3A_461 = tpu.vector_load %arg9[%get3A_459, %get3A_460] {strides = array<i32>} : memref<640x64xf32, #tpu.memory_space<vmem>>, vector<1x16xf32>,
        %get3A_462 = vector.shape_cast %get3A_461 : vector<1x16xf32> to vector<16xf32>
        %add3A_463 = arith.addf %add3A_456, %get3A_462 : vector<16xf32>
        %add3A_464 = arith.constant 15 : i32
        %add3A_465 = arith.addi %mul3A_218, %add3A_464 : i32
        %get3A_466 = arith.index_cast %add3A_465 : i32 to index
        %get3A_467 = arith.constant 16 : index
        %get3A_468 = tpu.vector_load %arg9[%get3A_466, %get3A_467] {strides = array<i32>} : memref<640x64xf32, #tpu.memory_space<vmem>>, vector<1x16xf32>,
        %get3A_469 = vector.shape_cast %get3A_468 : vector<1x16xf32> to vector<16xf32>
        %add3A_470 = arith.addf %add3A_463, %get3A_469 : vector<16xf32>
        %add3A_471 = arith.constant 16 : i32
        %add3A_472 = arith.addi %mul3A_218, %add3A_471 : i32
        %get3A_473 = arith.index_cast %add3A_472 : i32 to index
        %get3A_474 = arith.constant 16 : index
        %get3A_475 = tpu.vector_load %arg9[%get3A_473, %get3A_474] {strides = array<i32>} : memref<640x64xf32, #tpu.memory_space<vmem>>, vector<1x16xf32>,
        %get3A_476 = vector.shape_cast %get3A_475 : vector<1x16xf32> to vector<16xf32>
        %add3A_477 = arith.addf %add3A_470, %get3A_476 : vector<16xf32>
        %add3A_478 = arith.constant 17 : i32
        %add3A_479 = arith.addi %mul3A_218, %add3A_478 : i32
        %get3A_480 = arith.index_cast %add3A_479 : i32 to index
        %get3A_481 = arith.constant 16 : index
        %get3A_482 = tpu.vector_load %arg9[%get3A_480, %get3A_481] {strides = array<i32>} : memref<640x64xf32, #tpu.memory_space<vmem>>, vector<1x16xf32>,
        %get3A_483 = vector.shape_cast %get3A_482 : vector<1x16xf32> to vector<16xf32>
        %add3A_484 = arith.addf %add3A_477, %get3A_483 : vector<16xf32>
        %add3A_485 = arith.constant 18 : i32
        %add3A_486 = arith.addi %mul3A_218, %add3A_485 : i32
        %get3A_487 = arith.index_cast %add3A_486 : i32 to index
        %get3A_488 = arith.constant 16 : index
        %get3A_489 = tpu.vector_load %arg9[%get3A_487, %get3A_488] {strides = array<i32>} : memref<640x64xf32, #tpu.memory_space<vmem>>, vector<1x16xf32>,
        %get3A_490 = vector.shape_cast %get3A_489 : vector<1x16xf32> to vector<16xf32>
        %add3A_491 = arith.addf %add3A_484, %get3A_490 : vector<16xf32>
        %add3A_492 = arith.constant 19 : i32
        %add3A_493 = arith.addi %mul3A_218, %add3A_492 : i32
        %get3A_494 = arith.index_cast %add3A_493 : i32 to index
        %get3A_495 = arith.constant 16 : index
        %get3A_496 = tpu.vector_load %arg9[%get3A_494, %get3A_495] {strides = array<i32>} : memref<640x64xf32, #tpu.memory_space<vmem>>, vector<1x16xf32>,
        %get3A_497 = vector.shape_cast %get3A_496 : vector<1x16xf32> to vector<16xf32>
        %add3A_498 = arith.addf %add3A_491, %get3A_497 : vector<16xf32>
        %mul3A_499 = arith.constant 5.000000e-02 : f32
        %mul3A_500 = vector.broadcast %mul3A_499 : f32 to vector<16xf32>
        %mul3A_501 = arith.mulf %add3A_498, %mul3A_500 : vector<16xf32>
        %swap3A_502 = arith.index_cast %scan3A_216 : i32 to index
        %swap3A_503 = arith.constant 16 : index
        %swap3A_504 = tpu.vector_load %arg11[%swap3A_502, %swap3A_503] {strides = array<i32>} : memref<32x64xf32, #tpu.memory_space<vmem>>, vector<1x16xf32>,
        %swap3A_505 = vector.shape_cast %swap3A_504 : vector<1x16xf32> to vector<16xf32>
        %swap3A_506 = vector.shape_cast %mul3A_501 : vector<16xf32> to vector<1x16xf32>
        tpu.vector_store %arg11[%swap3A_502, %swap3A_503], %swap3A_506 {strides = array<i32>} : memref<32x64xf32, #tpu.memory_space<vmem>>, vector<1x16xf32>,
        %get3A_507 = arith.index_cast %mul3A_218 : i32 to index
        %get3A_508 = arith.constant 32 : index
        %get3A_509 = tpu.vector_load %arg9[%get3A_507, %get3A_508] {strides = array<i32>} : memref<640x64xf32, #tpu.memory_space<vmem>>, vector<1x16xf32>,
        %get3A_510 = vector.shape_cast %get3A_509 : vector<1x16xf32> to vector<16xf32>
        %add3A_511 = arith.constant 1 : i32
        %add3A_512 = arith.addi %mul3A_218, %add3A_511 : i32
        %get3A_513 = arith.index_cast %add3A_512 : i32 to index
        %get3A_514 = arith.constant 32 : index
        %get3A_515 = tpu.vector_load %arg9[%get3A_513, %get3A_514] {strides = array<i32>} : memref<640x64xf32, #tpu.memory_space<vmem>>, vector<1x16xf32>,
        %get3A_516 = vector.shape_cast %get3A_515 : vector<1x16xf32> to vector<16xf32>
        %add3A_517 = arith.addf %get3A_510, %get3A_516 : vector<16xf32>
        %add3A_518 = arith.constant 2 : i32
        %add3A_519 = arith.addi %mul3A_218, %add3A_518 : i32
        %get3A_520 = arith.index_cast %add3A_519 : i32 to index
        %get3A_521 = arith.constant 32 : index
        %get3A_522 = tpu.vector_load %arg9[%get3A_520, %get3A_521] {strides = array<i32>} : memref<640x64xf32, #tpu.memory_space<vmem>>, vector<1x16xf32>,
        %get3A_523 = vector.shape_cast %get3A_522 : vector<1x16xf32> to vector<16xf32>
        %add3A_524 = arith.addf %add3A_517, %get3A_523 : vector<16xf32>
        %add3A_525 = arith.constant 3 : i32
        %add3A_526 = arith.addi %mul3A_218, %add3A_525 : i32
        %get3A_527 = arith.index_cast %add3A_526 : i32 to index
        %get3A_528 = arith.constant 32 : index
        %get3A_529 = tpu.vector_load %arg9[%get3A_527, %get3A_528] {strides = array<i32>} : memref<640x64xf32, #tpu.memory_space<vmem>>, vector<1x16xf32>,
        %get3A_530 = vector.shape_cast %get3A_529 : vector<1x16xf32> to vector<16xf32>
        %add3A_531 = arith.addf %add3A_524, %get3A_530 : vector<16xf32>
        %add3A_532 = arith.constant 4 : i32
        %add3A_533 = arith.addi %mul3A_218, %add3A_532 : i32
        %get3A_534 = arith.index_cast %add3A_533 : i32 to index
        %get3A_535 = arith.constant 32 : index
        %get3A_536 = tpu.vector_load %arg9[%get3A_534, %get3A_535] {strides = array<i32>} : memref<640x64xf32, #tpu.memory_space<vmem>>, vector<1x16xf32>,
        %get3A_537 = vector.shape_cast %get3A_536 : vector<1x16xf32> to vector<16xf32>
        %add3A_538 = arith.addf %add3A_531, %get3A_537 : vector<16xf32>
        %add3A_539 = arith.constant 5 : i32
        %add3A_540 = arith.addi %mul3A_218, %add3A_539 : i32
        %get3A_541 = arith.index_cast %add3A_540 : i32 to index
        %get3A_542 = arith.constant 32 : index
        %get3A_543 = tpu.vector_load %arg9[%get3A_541, %get3A_542] {strides = array<i32>} : memref<640x64xf32, #tpu.memory_space<vmem>>, vector<1x16xf32>,
        %get3A_544 = vector.shape_cast %get3A_543 : vector<1x16xf32> to vector<16xf32>
        %add3A_545 = arith.addf %add3A_538, %get3A_544 : vector<16xf32>
        %add3A_546 = arith.constant 6 : i32
        %add3A_547 = arith.addi %mul3A_218, %add3A_546 : i32
        %get3A_548 = arith.index_cast %add3A_547 : i32 to index
        %get3A_549 = arith.constant 32 : index
        %get3A_550 = tpu.vector_load %arg9[%get3A_548, %get3A_549] {strides = array<i32>} : memref<640x64xf32, #tpu.memory_space<vmem>>, vector<1x16xf32>,
        %get3A_551 = vector.shape_cast %get3A_550 : vector<1x16xf32> to vector<16xf32>
        %add3A_552 = arith.addf %add3A_545, %get3A_551 : vector<16xf32>
        %add3A_553 = arith.constant 7 : i32
        %add3A_554 = arith.addi %mul3A_218, %add3A_553 : i32
        %get3A_555 = arith.index_cast %add3A_554 : i32 to index
        %get3A_556 = arith.constant 32 : index
        %get3A_557 = tpu.vector_load %arg9[%get3A_555, %get3A_556] {strides = array<i32>} : memref<640x64xf32, #tpu.memory_space<vmem>>, vector<1x16xf32>,
        %get3A_558 = vector.shape_cast %get3A_557 : vector<1x16xf32> to vector<16xf32>
        %add3A_559 = arith.addf %add3A_552, %get3A_558 : vector<16xf32>
        %add3A_560 = arith.constant 8 : i32
        %add3A_561 = arith.addi %mul3A_218, %add3A_560 : i32
        %get3A_562 = arith.index_cast %add3A_561 : i32 to index
        %get3A_563 = arith.constant 32 : index
        %get3A_564 = tpu.vector_load %arg9[%get3A_562, %get3A_563] {strides = array<i32>} : memref<640x64xf32, #tpu.memory_space<vmem>>, vector<1x16xf32>,
        %get3A_565 = vector.shape_cast %get3A_564 : vector<1x16xf32> to vector<16xf32>
        %add3A_566 = arith.addf %add3A_559, %get3A_565 : vector<16xf32>
        %add3A_567 = arith.constant 9 : i32
        %add3A_568 = arith.addi %mul3A_218, %add3A_567 : i32
        %get3A_569 = arith.index_cast %add3A_568 : i32 to index
        %get3A_570 = arith.constant 32 : index
        %get3A_571 = tpu.vector_load %arg9[%get3A_569, %get3A_570] {strides = array<i32>} : memref<640x64xf32, #tpu.memory_space<vmem>>, vector<1x16xf32>,
        %get3A_572 = vector.shape_cast %get3A_571 : vector<1x16xf32> to vector<16xf32>
        %add3A_573 = arith.addf %add3A_566, %get3A_572 : vector<16xf32>
        %add3A_574 = arith.constant 10 : i32
        %add3A_575 = arith.addi %mul3A_218, %add3A_574 : i32
        %get3A_576 = arith.index_cast %add3A_575 : i32 to index
        %get3A_577 = arith.constant 32 : index
        %get3A_578 = tpu.vector_load %arg9[%get3A_576, %get3A_577] {strides = array<i32>} : memref<640x64xf32, #tpu.memory_space<vmem>>, vector<1x16xf32>,
        %get3A_579 = vector.shape_cast %get3A_578 : vector<1x16xf32> to vector<16xf32>
        %add3A_580 = arith.addf %add3A_573, %get3A_579 : vector<16xf32>
        %add3A_581 = arith.constant 11 : i32
        %add3A_582 = arith.addi %mul3A_218, %add3A_581 : i32
        %get3A_583 = arith.index_cast %add3A_582 : i32 to index
        %get3A_584 = arith.constant 32 : index
        %get3A_585 = tpu.vector_load %arg9[%get3A_583, %get3A_584] {strides = array<i32>} : memref<640x64xf32, #tpu.memory_space<vmem>>, vector<1x16xf32>,
        %get3A_586 = vector.shape_cast %get3A_585 : vector<1x16xf32> to vector<16xf32>
        %add3A_587 = arith.addf %add3A_580, %get3A_586 : vector<16xf32>
        %add3A_588 = arith.constant 12 : i32
        %add3A_589 = arith.addi %mul3A_218, %add3A_588 : i32
        %get3A_590 = arith.index_cast %add3A_589 : i32 to index
        %get3A_591 = arith.constant 32 : index
        %get3A_592 = tpu.vector_load %arg9[%get3A_590, %get3A_591] {strides = array<i32>} : memref<640x64xf32, #tpu.memory_space<vmem>>, vector<1x16xf32>,
        %get3A_593 = vector.shape_cast %get3A_592 : vector<1x16xf32> to vector<16xf32>
        %add3A_594 = arith.addf %add3A_587, %get3A_593 : vector<16xf32>
        %add3A_595 = arith.constant 13 : i32
        %add3A_596 = arith.addi %mul3A_218, %add3A_595 : i32
        %get3A_597 = arith.index_cast %add3A_596 : i32 to index
        %get3A_598 = arith.constant 32 : index
        %get3A_599 = tpu.vector_load %arg9[%get3A_597, %get3A_598] {strides = array<i32>} : memref<640x64xf32, #tpu.memory_space<vmem>>, vector<1x16xf32>,
        %get3A_600 = vector.shape_cast %get3A_599 : vector<1x16xf32> to vector<16xf32>
        %add3A_601 = arith.addf %add3A_594, %get3A_600 : vector<16xf32>
        %add3A_602 = arith.constant 14 : i32
        %add3A_603 = arith.addi %mul3A_218, %add3A_602 : i32
        %get3A_604 = arith.index_cast %add3A_603 : i32 to index
        %get3A_605 = arith.constant 32 : index
        %get3A_606 = tpu.vector_load %arg9[%get3A_604, %get3A_605] {strides = array<i32>} : memref<640x64xf32, #tpu.memory_space<vmem>>, vector<1x16xf32>,
        %get3A_607 = vector.shape_cast %get3A_606 : vector<1x16xf32> to vector<16xf32>
        %add3A_608 = arith.addf %add3A_601, %get3A_607 : vector<16xf32>
        %add3A_609 = arith.constant 15 : i32
        %add3A_610 = arith.addi %mul3A_218, %add3A_609 : i32
        %get3A_611 = arith.index_cast %add3A_610 : i32 to index
        %get3A_612 = arith.constant 32 : index
        %get3A_613 = tpu.vector_load %arg9[%get3A_611, %get3A_612] {strides = array<i32>} : memref<640x64xf32, #tpu.memory_space<vmem>>, vector<1x16xf32>,
        %get3A_614 = vector.shape_cast %get3A_613 : vector<1x16xf32> to vector<16xf32>
        %add3A_615 = arith.addf %add3A_608, %get3A_614 : vector<16xf32>
        %add3A_616 = arith.constant 16 : i32
        %add3A_617 = arith.addi %mul3A_218, %add3A_616 : i32
        %get3A_618 = arith.index_cast %add3A_617 : i32 to index
        %get3A_619 = arith.constant 32 : index
        %get3A_620 = tpu.vector_load %arg9[%get3A_618, %get3A_619] {strides = array<i32>} : memref<640x64xf32, #tpu.memory_space<vmem>>, vector<1x16xf32>,
        %get3A_621 = vector.shape_cast %get3A_620 : vector<1x16xf32> to vector<16xf32>
        %add3A_622 = arith.addf %add3A_615, %get3A_621 : vector<16xf32>
        %add3A_623 = arith.constant 17 : i32
        %add3A_624 = arith.addi %mul3A_218, %add3A_623 : i32
        %get3A_625 = arith.index_cast %add3A_624 : i32 to index
        %get3A_626 = arith.constant 32 : index
        %get3A_627 = tpu.vector_load %arg9[%get3A_625, %get3A_626] {strides = array<i32>} : memref<640x64xf32, #tpu.memory_space<vmem>>, vector<1x16xf32>,
        %get3A_628 = vector.shape_cast %get3A_627 : vector<1x16xf32> to vector<16xf32>
        %add3A_629 = arith.addf %add3A_622, %get3A_628 : vector<16xf32>
        %add3A_630 = arith.constant 18 : i32
        %add3A_631 = arith.addi %mul3A_218, %add3A_630 : i32
        %get3A_632 = arith.index_cast %add3A_631 : i32 to index
        %get3A_633 = arith.constant 32 : index
        %get3A_634 = tpu.vector_load %arg9[%get3A_632, %get3A_633] {strides = array<i32>} : memref<640x64xf32, #tpu.memory_space<vmem>>, vector<1x16xf32>,
        %get3A_635 = vector.shape_cast %get3A_634 : vector<1x16xf32> to vector<16xf32>
        %add3A_636 = arith.addf %add3A_629, %get3A_635 : vector<16xf32>
        %add3A_637 = arith.constant 19 : i32
        %add3A_638 = arith.addi %mul3A_218, %add3A_637 : i32
        %get3A_639 = arith.index_cast %add3A_638 : i32 to index
        %get3A_640 = arith.constant 32 : index
        %get3A_641 = tpu.vector_load %arg9[%get3A_639, %get3A_640] {strides = array<i32>} : memref<640x64xf32, #tpu.memory_space<vmem>>, vector<1x16xf32>,
        %get3A_642 = vector.shape_cast %get3A_641 : vector<1x16xf32> to vector<16xf32>
        %add3A_643 = arith.addf %add3A_636, %get3A_642 : vector<16xf32>
        %mul3A_644 = arith.constant 5.000000e-02 : f32
        %mul3A_645 = vector.broadcast %mul3A_644 : f32 to vector<16xf32>
        %mul3A_646 = arith.mulf %add3A_643, %mul3A_645 : vector<16xf32>
        %swap3A_647 = arith.index_cast %scan3A_216 : i32 to index
        %swap3A_648 = arith.constant 32 : index
        %swap3A_649 = tpu.vector_load %arg11[%swap3A_647, %swap3A_648] {strides = array<i32>} : memref<32x64xf32, #tpu.memory_space<vmem>>, vector<1x16xf32>,
        %swap3A_650 = vector.shape_cast %swap3A_649 : vector<1x16xf32> to vector<16xf32>
        %swap3A_651 = vector.shape_cast %mul3A_646 : vector<16xf32> to vector<1x16xf32>
        tpu.vector_store %arg11[%swap3A_647, %swap3A_648], %swap3A_651 {strides = array<i32>} : memref<32x64xf32, #tpu.memory_space<vmem>>, vector<1x16xf32>,
        %get3A_652 = arith.index_cast %mul3A_218 : i32 to index
        %get3A_653 = arith.constant 48 : index
        %get3A_654 = tpu.vector_load %arg9[%get3A_652, %get3A_653] {strides = array<i32>} : memref<640x64xf32, #tpu.memory_space<vmem>>, vector<1x16xf32>,
        %get3A_655 = vector.shape_cast %get3A_654 : vector<1x16xf32> to vector<16xf32>
        %add3A_656 = arith.constant 1 : i32
        %add3A_657 = arith.addi %mul3A_218, %add3A_656 : i32
        %get3A_658 = arith.index_cast %add3A_657 : i32 to index
        %get3A_659 = arith.constant 48 : index
        %get3A_660 = tpu.vector_load %arg9[%get3A_658, %get3A_659] {strides = array<i32>} : memref<640x64xf32, #tpu.memory_space<vmem>>, vector<1x16xf32>,
        %get3A_661 = vector.shape_cast %get3A_660 : vector<1x16xf32> to vector<16xf32>
        %add3A_662 = arith.addf %get3A_655, %get3A_661 : vector<16xf32>
        %add3A_663 = arith.constant 2 : i32
        %add3A_664 = arith.addi %mul3A_218, %add3A_663 : i32
        %get3A_665 = arith.index_cast %add3A_664 : i32 to index
        %get3A_666 = arith.constant 48 : index
        %get3A_667 = tpu.vector_load %arg9[%get3A_665, %get3A_666] {strides = array<i32>} : memref<640x64xf32, #tpu.memory_space<vmem>>, vector<1x16xf32>,
        %get3A_668 = vector.shape_cast %get3A_667 : vector<1x16xf32> to vector<16xf32>
        %add3A_669 = arith.addf %add3A_662, %get3A_668 : vector<16xf32>
        %add3A_670 = arith.constant 3 : i32
        %add3A_671 = arith.addi %mul3A_218, %add3A_670 : i32
        %get3A_672 = arith.index_cast %add3A_671 : i32 to index
        %get3A_673 = arith.constant 48 : index
        %get3A_674 = tpu.vector_load %arg9[%get3A_672, %get3A_673] {strides = array<i32>} : memref<640x64xf32, #tpu.memory_space<vmem>>, vector<1x16xf32>,
        %get3A_675 = vector.shape_cast %get3A_674 : vector<1x16xf32> to vector<16xf32>
        %add3A_676 = arith.addf %add3A_669, %get3A_675 : vector<16xf32>
        %add3A_677 = arith.constant 4 : i32
        %add3A_678 = arith.addi %mul3A_218, %add3A_677 : i32
        %get3A_679 = arith.index_cast %add3A_678 : i32 to index
        %get3A_680 = arith.constant 48 : index
        %get3A_681 = tpu.vector_load %arg9[%get3A_679, %get3A_680] {strides = array<i32>} : memref<640x64xf32, #tpu.memory_space<vmem>>, vector<1x16xf32>,
        %get3A_682 = vector.shape_cast %get3A_681 : vector<1x16xf32> to vector<16xf32>
        %add3A_683 = arith.addf %add3A_676, %get3A_682 : vector<16xf32>
        %add3A_684 = arith.constant 5 : i32
        %add3A_685 = arith.addi %mul3A_218, %add3A_684 : i32
        %get3A_686 = arith.index_cast %add3A_685 : i32 to index
        %get3A_687 = arith.constant 48 : index
        %get3A_688 = tpu.vector_load %arg9[%get3A_686, %get3A_687] {strides = array<i32>} : memref<640x64xf32, #tpu.memory_space<vmem>>, vector<1x16xf32>,
        %get3A_689 = vector.shape_cast %get3A_688 : vector<1x16xf32> to vector<16xf32>
        %add3A_690 = arith.addf %add3A_683, %get3A_689 : vector<16xf32>
        %add3A_691 = arith.constant 6 : i32
        %add3A_692 = arith.addi %mul3A_218, %add3A_691 : i32
        %get3A_693 = arith.index_cast %add3A_692 : i32 to index
        %get3A_694 = arith.constant 48 : index
        %get3A_695 = tpu.vector_load %arg9[%get3A_693, %get3A_694] {strides = array<i32>} : memref<640x64xf32, #tpu.memory_space<vmem>>, vector<1x16xf32>,
        %get3A_696 = vector.shape_cast %get3A_695 : vector<1x16xf32> to vector<16xf32>
        %add3A_697 = arith.addf %add3A_690, %get3A_696 : vector<16xf32>
        %add3A_698 = arith.constant 7 : i32
        %add3A_699 = arith.addi %mul3A_218, %add3A_698 : i32
        %get3A_700 = arith.index_cast %add3A_699 : i32 to index
        %get3A_701 = arith.constant 48 : index
        %get3A_702 = tpu.vector_load %arg9[%get3A_700, %get3A_701] {strides = array<i32>} : memref<640x64xf32, #tpu.memory_space<vmem>>, vector<1x16xf32>,
        %get3A_703 = vector.shape_cast %get3A_702 : vector<1x16xf32> to vector<16xf32>
        %add3A_704 = arith.addf %add3A_697, %get3A_703 : vector<16xf32>
        %add3A_705 = arith.constant 8 : i32
        %add3A_706 = arith.addi %mul3A_218, %add3A_705 : i32
        %get3A_707 = arith.index_cast %add3A_706 : i32 to index
        %get3A_708 = arith.constant 48 : index
        %get3A_709 = tpu.vector_load %arg9[%get3A_707, %get3A_708] {strides = array<i32>} : memref<640x64xf32, #tpu.memory_space<vmem>>, vector<1x16xf32>,
        %get3A_710 = vector.shape_cast %get3A_709 : vector<1x16xf32> to vector<16xf32>
        %add3A_711 = arith.addf %add3A_704, %get3A_710 : vector<16xf32>
        %add3A_712 = arith.constant 9 : i32
        %add3A_713 = arith.addi %mul3A_218, %add3A_712 : i32
        %get3A_714 = arith.index_cast %add3A_713 : i32 to index
        %get3A_715 = arith.constant 48 : index
        %get3A_716 = tpu.vector_load %arg9[%get3A_714, %get3A_715] {strides = array<i32>} : memref<640x64xf32, #tpu.memory_space<vmem>>, vector<1x16xf32>,
        %get3A_717 = vector.shape_cast %get3A_716 : vector<1x16xf32> to vector<16xf32>
        %add3A_718 = arith.addf %add3A_711, %get3A_717 : vector<16xf32>
        %add3A_719 = arith.constant 10 : i32
        %add3A_720 = arith.addi %mul3A_218, %add3A_719 : i32
        %get3A_721 = arith.index_cast %add3A_720 : i32 to index
        %get3A_722 = arith.constant 48 : index
        %get3A_723 = tpu.vector_load %arg9[%get3A_721, %get3A_722] {strides = array<i32>} : memref<640x64xf32, #tpu.memory_space<vmem>>, vector<1x16xf32>,
        %get3A_724 = vector.shape_cast %get3A_723 : vector<1x16xf32> to vector<16xf32>
        %add3A_725 = arith.addf %add3A_718, %get3A_724 : vector<16xf32>
        %add3A_726 = arith.constant 11 : i32
        %add3A_727 = arith.addi %mul3A_218, %add3A_726 : i32
        %get3A_728 = arith.index_cast %add3A_727 : i32 to index
        %get3A_729 = arith.constant 48 : index
        %get3A_730 = tpu.vector_load %arg9[%get3A_728, %get3A_729] {strides = array<i32>} : memref<640x64xf32, #tpu.memory_space<vmem>>, vector<1x16xf32>,
        %get3A_731 = vector.shape_cast %get3A_730 : vector<1x16xf32> to vector<16xf32>
        %add3A_732 = arith.addf %add3A_725, %get3A_731 : vector<16xf32>
        %add3A_733 = arith.constant 12 : i32
        %add3A_734 = arith.addi %mul3A_218, %add3A_733 : i32
        %get3A_735 = arith.index_cast %add3A_734 : i32 to index
        %get3A_736 = arith.constant 48 : index
        %get3A_737 = tpu.vector_load %arg9[%get3A_735, %get3A_736] {strides = array<i32>} : memref<640x64xf32, #tpu.memory_space<vmem>>, vector<1x16xf32>,
        %get3A_738 = vector.shape_cast %get3A_737 : vector<1x16xf32> to vector<16xf32>
        %add3A_739 = arith.addf %add3A_732, %get3A_738 : vector<16xf32>
        %add3A_740 = arith.constant 13 : i32
        %add3A_741 = arith.addi %mul3A_218, %add3A_740 : i32
        %get3A_742 = arith.index_cast %add3A_741 : i32 to index
        %get3A_743 = arith.constant 48 : index
        %get3A_744 = tpu.vector_load %arg9[%get3A_742, %get3A_743] {strides = array<i32>} : memref<640x64xf32, #tpu.memory_space<vmem>>, vector<1x16xf32>,
        %get3A_745 = vector.shape_cast %get3A_744 : vector<1x16xf32> to vector<16xf32>
        %add3A_746 = arith.addf %add3A_739, %get3A_745 : vector<16xf32>
        %add3A_747 = arith.constant 14 : i32
        %add3A_748 = arith.addi %mul3A_218, %add3A_747 : i32
        %get3A_749 = arith.index_cast %add3A_748 : i32 to index
        %get3A_750 = arith.constant 48 : index
        %get3A_751 = tpu.vector_load %arg9[%get3A_749, %get3A_750] {strides = array<i32>} : memref<640x64xf32, #tpu.memory_space<vmem>>, vector<1x16xf32>,
        %get3A_752 = vector.shape_cast %get3A_751 : vector<1x16xf32> to vector<16xf32>
        %add3A_753 = arith.addf %add3A_746, %get3A_752 : vector<16xf32>
        %add3A_754 = arith.constant 15 : i32
        %add3A_755 = arith.addi %mul3A_218, %add3A_754 : i32
        %get3A_756 = arith.index_cast %add3A_755 : i32 to index
        %get3A_757 = arith.constant 48 : index
        %get3A_758 = tpu.vector_load %arg9[%get3A_756, %get3A_757] {strides = array<i32>} : memref<640x64xf32, #tpu.memory_space<vmem>>, vector<1x16xf32>,
        %get3A_759 = vector.shape_cast %get3A_758 : vector<1x16xf32> to vector<16xf32>
        %add3A_760 = arith.addf %add3A_753, %get3A_759 : vector<16xf32>
        %add3A_761 = arith.constant 16 : i32
        %add3A_762 = arith.addi %mul3A_218, %add3A_761 : i32
        %get3A_763 = arith.index_cast %add3A_762 : i32 to index
        %get3A_764 = arith.constant 48 : index
        %get3A_765 = tpu.vector_load %arg9[%get3A_763, %get3A_764] {strides = array<i32>} : memref<640x64xf32, #tpu.memory_space<vmem>>, vector<1x16xf32>,
        %get3A_766 = vector.shape_cast %get3A_765 : vector<1x16xf32> to vector<16xf32>
        %add3A_767 = arith.addf %add3A_760, %get3A_766 : vector<16xf32>
        %add3A_768 = arith.constant 17 : i32
        %add3A_769 = arith.addi %mul3A_218, %add3A_768 : i32
        %get3A_770 = arith.index_cast %add3A_769 : i32 to index
        %get3A_771 = arith.constant 48 : index
        %get3A_772 = tpu.vector_load %arg9[%get3A_770, %get3A_771] {strides = array<i32>} : memref<640x64xf32, #tpu.memory_space<vmem>>, vector<1x16xf32>,
        %get3A_773 = vector.shape_cast %get3A_772 : vector<1x16xf32> to vector<16xf32>
        %add3A_774 = arith.addf %add3A_767, %get3A_773 : vector<16xf32>
        %add3A_775 = arith.constant 18 : i32
        %add3A_776 = arith.addi %mul3A_218, %add3A_775 : i32
        %get3A_777 = arith.index_cast %add3A_776 : i32 to index
        %get3A_778 = arith.constant 48 : index
        %get3A_779 = tpu.vector_load %arg9[%get3A_777, %get3A_778] {strides = array<i32>} : memref<640x64xf32, #tpu.memory_space<vmem>>, vector<1x16xf32>,
        %get3A_780 = vector.shape_cast %get3A_779 : vector<1x16xf32> to vector<16xf32>
        %add3A_781 = arith.addf %add3A_774, %get3A_780 : vector<16xf32>
        %add3A_782 = arith.constant 19 : i32
        %add3A_783 = arith.addi %mul3A_218, %add3A_782 : i32
        %get3A_784 = arith.index_cast %add3A_783 : i32 to index
        %get3A_785 = arith.constant 48 : index
        %get3A_786 = tpu.vector_load %arg9[%get3A_784, %get3A_785] {strides = array<i32>} : memref<640x64xf32, #tpu.memory_space<vmem>>, vector<1x16xf32>,
        %get3A_787 = vector.shape_cast %get3A_786 : vector<1x16xf32> to vector<16xf32>
        %add3A_788 = arith.addf %add3A_781, %get3A_787 : vector<16xf32>
        %mul3A_789 = arith.constant 5.000000e-02 : f32
        %mul3A_790 = vector.broadcast %mul3A_789 : f32 to vector<16xf32>
        %mul3A_791 = arith.mulf %add3A_788, %mul3A_790 : vector<16xf32>
        %swap3A_792 = arith.index_cast %scan3A_216 : i32 to index
        %swap3A_793 = arith.constant 48 : index
        %swap3A_794 = tpu.vector_load %arg11[%swap3A_792, %swap3A_793] {strides = array<i32>} : memref<32x64xf32, #tpu.memory_space<vmem>>, vector<1x16xf32>,
        %swap3A_795 = vector.shape_cast %swap3A_794 : vector<1x16xf32> to vector<16xf32>
        %swap3A_796 = vector.shape_cast %mul3A_791 : vector<16xf32> to vector<1x16xf32>
        tpu.vector_store %arg11[%swap3A_792, %swap3A_793], %swap3A_796 {strides = array<i32>} : memref<32x64xf32, #tpu.memory_space<vmem>>, vector<1x16xf32>,
      }
      %scan3A_207 = arith.constant 32 : i32
      %mul3A_208 = arith.constant 32 : i32
      %mul3A_209 = arith.muli %add3A_201, %mul3A_208 : i32
      %add3A_210 = arith.addi %mul3A_2, %mul3A_209 : i32
      "tpu.region"() ({
        %run_scoped3A = tpu.sem_alloc : memref<!tpu.dma_semaphore, #tpu.memory_space<semaphore_mem>>
        %dma_start3A_216 = arith.constant 0 : i32
        %dma_start3A_217 = tpu.memref_slice %arg6[%add3A_210, %dma_start3A_216] : memref<16384x64xf32, #tpu.memory_space<hbm>> -> memref<32x64xf32, #tpu.memory_space<hbm>>
        %dma_start3A_218 = arith.constant 0 : i32
        %dma_start3A_219 = tpu.memref_slice %arg6[%add3A_210, %dma_start3A_218] : memref<16384x64xf32, #tpu.memory_space<hbm>> -> memref<32x64xf32, #tpu.memory_space<hbm>>
        tpu.enqueue_dma source(%arg11 : memref<32x64xf32, #tpu.memory_space<vmem>>) target(%dma_start3A_219 : memref<32x64xf32, #tpu.memory_space<hbm>>) target_semaphore(%run_scoped3A : memref<!tpu.dma_semaphore, #tpu.memory_space<semaphore_mem>>)
        %dma_wait3A_220 = arith.constant 0 : i32
        %dma_wait3A_221 = tpu.memref_slice %arg6[%add3A_210, %dma_wait3A_220] : memref<16384x64xf32, #tpu.memory_space<hbm>> -> memref<32x64xf32, #tpu.memory_space<hbm>>
        %dma_wait3A_222 = arith.constant 0 : i32
        %dma_wait3A_223 = tpu.memref_slice %arg6[%add3A_210, %dma_wait3A_222] : memref<16384x64xf32, #tpu.memory_space<hbm>> -> memref<32x64xf32, #tpu.memory_space<hbm>>
        tpu.wait_dma2 semaphore(%run_scoped3A : memref<!tpu.dma_semaphore, #tpu.memory_space<semaphore_mem>>) src(%arg11 : memref<32x64xf32, #tpu.memory_space<vmem>>) dst(%dma_wait3A_223 : memref<32x64xf32, #tpu.memory_space<hbm>>)
        tpu.yield
      }) : () -> ()
      %lt3A_211 = arith.constant 7 : i32
      %lt3A_212 = arith.cmpi slt, %scan3A_174, %lt3A_211 : i32
      %convert_element_type3A_213 = arith.extui %lt3A_212 : i1 to i32
      %cond3A_214 = arith.constant 0 : i32
      %cond3A_215 = arith.cmpi ne, %convert_element_type3A_213, %cond3A_214 : i32
      scf.if %cond3A_215 {
        %add3A_216 = arith.constant 3 : i32
        %add3A_217 = arith.addi %mul3A_176, %add3A_216 : i32
        %mul3A_218 = arith.constant 5 : i32
        %mul3A_219 = arith.muli %add3A_217, %mul3A_218 : i32
        %add3A_220 = arith.constant 0 : i32
        %add3A_221 = arith.addi %mul3A_219, %add3A_220 : i32
        %dma_start3A_222 = arith.constant 0 : i32
        %dma_start3A_223 = arith.constant 0 : i32
        %dma_start3A_224 = tpu.memref_slice %arg9[%dma_start3A_222, %dma_start3A_223] : memref<640x64xf32, #tpu.memory_space<vmem>> -> memref<128x64xf32, #tpu.memory_space<vmem>>
        %dma_start3A_225 = arith.constant 0 : i32
        %dma_start3A_226 = tpu.memref_slice %arg8[%add3A_221, %dma_start3A_225] : memref<80x128xi32, #tpu.memory_space<vmem>> -> memref<1x128xi32, #tpu.memory_space<vmem>>
        %dma_start3A_227 = tpu.memref_squeeze %dma_start3A_226 : memref<1x128xi32, #tpu.memory_space<vmem>> -> memref<128xi32, #tpu.memory_space<vmem>>
        %dma_start3A_228 = arith.constant 0 : i32
        %dma_start3A_229 = arith.constant 0 : i32
        %dma_start3A_230 = tpu.memref_slice %arg2[%dma_start3A_228, %dma_start3A_229] : memref<1000000x64xf32, #tpu.memory_space<hbm>> -> memref<1000000x64xf32, #tpu.memory_space<hbm>>
        tpu.enqueue_indirect_dma source(%dma_start3A_230 : memref<1000000x64xf32, #tpu.memory_space<hbm>>) target(%dma_start3A_224 : memref<128x64xf32, #tpu.memory_space<vmem>>) offsets(%dma_start3A_227 : memref<128xi32, #tpu.memory_space<vmem>>) semaphore(%arg12 : memref<!tpu.dma_semaphore, #tpu.memory_space<semaphore_mem>>)
        %mul3A_231 = arith.constant 5 : i32
        %mul3A_232 = arith.muli %add3A_217, %mul3A_231 : i32
        %add3A_233 = arith.constant 1 : i32
        %add3A_234 = arith.addi %mul3A_232, %add3A_233 : i32
        %dma_start3A_235 = arith.constant 128 : i32
        %dma_start3A_236 = arith.constant 0 : i32
        %dma_start3A_237 = tpu.memref_slice %arg9[%dma_start3A_235, %dma_start3A_236] : memref<640x64xf32, #tpu.memory_space<vmem>> -> memref<128x64xf32, #tpu.memory_space<vmem>>
        %dma_start3A_238 = arith.constant 0 : i32
        %dma_start3A_239 = tpu.memref_slice %arg8[%add3A_234, %dma_start3A_238] : memref<80x128xi32, #tpu.memory_space<vmem>> -> memref<1x128xi32, #tpu.memory_space<vmem>>
        %dma_start3A_240 = tpu.memref_squeeze %dma_start3A_239 : memref<1x128xi32, #tpu.memory_space<vmem>> -> memref<128xi32, #tpu.memory_space<vmem>>
        %dma_start3A_241 = arith.constant 0 : i32
        %dma_start3A_242 = arith.constant 0 : i32
        %dma_start3A_243 = tpu.memref_slice %arg2[%dma_start3A_241, %dma_start3A_242] : memref<1000000x64xf32, #tpu.memory_space<hbm>> -> memref<1000000x64xf32, #tpu.memory_space<hbm>>
        tpu.enqueue_indirect_dma source(%dma_start3A_243 : memref<1000000x64xf32, #tpu.memory_space<hbm>>) target(%dma_start3A_237 : memref<128x64xf32, #tpu.memory_space<vmem>>) offsets(%dma_start3A_240 : memref<128xi32, #tpu.memory_space<vmem>>) semaphore(%arg12 : memref<!tpu.dma_semaphore, #tpu.memory_space<semaphore_mem>>)
        %mul3A_244 = arith.constant 5 : i32
        %mul3A_245 = arith.muli %add3A_217, %mul3A_244 : i32
        %add3A_246 = arith.constant 2 : i32
        %add3A_247 = arith.addi %mul3A_245, %add3A_246 : i32
        %dma_start3A_248 = arith.constant 256 : i32
        %dma_start3A_249 = arith.constant 0 : i32
        %dma_start3A_250 = tpu.memref_slice %arg9[%dma_start3A_248, %dma_start3A_249] : memref<640x64xf32, #tpu.memory_space<vmem>> -> memref<128x64xf32, #tpu.memory_space<vmem>>
        %dma_start3A_251 = arith.constant 0 : i32
        %dma_start3A_252 = tpu.memref_slice %arg8[%add3A_247, %dma_start3A_251] : memref<80x128xi32, #tpu.memory_space<vmem>> -> memref<1x128xi32, #tpu.memory_space<vmem>>
        %dma_start3A_253 = tpu.memref_squeeze %dma_start3A_252 : memref<1x128xi32, #tpu.memory_space<vmem>> -> memref<128xi32, #tpu.memory_space<vmem>>
        %dma_start3A_254 = arith.constant 0 : i32
        %dma_start3A_255 = arith.constant 0 : i32
        %dma_start3A_256 = tpu.memref_slice %arg2[%dma_start3A_254, %dma_start3A_255] : memref<1000000x64xf32, #tpu.memory_space<hbm>> -> memref<1000000x64xf32, #tpu.memory_space<hbm>>
        tpu.enqueue_indirect_dma source(%dma_start3A_256 : memref<1000000x64xf32, #tpu.memory_space<hbm>>) target(%dma_start3A_250 : memref<128x64xf32, #tpu.memory_space<vmem>>) offsets(%dma_start3A_253 : memref<128xi32, #tpu.memory_space<vmem>>) semaphore(%arg12 : memref<!tpu.dma_semaphore, #tpu.memory_space<semaphore_mem>>)
        %mul3A_257 = arith.constant 5 : i32
        %mul3A_258 = arith.muli %add3A_217, %mul3A_257 : i32
        %add3A_259 = arith.constant 3 : i32
        %add3A_260 = arith.addi %mul3A_258, %add3A_259 : i32
        %dma_start3A_261 = arith.constant 384 : i32
        %dma_start3A_262 = arith.constant 0 : i32
        %dma_start3A_263 = tpu.memref_slice %arg9[%dma_start3A_261, %dma_start3A_262] : memref<640x64xf32, #tpu.memory_space<vmem>> -> memref<128x64xf32, #tpu.memory_space<vmem>>
        %dma_start3A_264 = arith.constant 0 : i32
        %dma_start3A_265 = tpu.memref_slice %arg8[%add3A_260, %dma_start3A_264] : memref<80x128xi32, #tpu.memory_space<vmem>> -> memref<1x128xi32, #tpu.memory_space<vmem>>
        %dma_start3A_266 = tpu.memref_squeeze %dma_start3A_265 : memref<1x128xi32, #tpu.memory_space<vmem>> -> memref<128xi32, #tpu.memory_space<vmem>>
        %dma_start3A_267 = arith.constant 0 : i32
        %dma_start3A_268 = arith.constant 0 : i32
        %dma_start3A_269 = tpu.memref_slice %arg2[%dma_start3A_267, %dma_start3A_268] : memref<1000000x64xf32, #tpu.memory_space<hbm>> -> memref<1000000x64xf32, #tpu.memory_space<hbm>>
        tpu.enqueue_indirect_dma source(%dma_start3A_269 : memref<1000000x64xf32, #tpu.memory_space<hbm>>) target(%dma_start3A_263 : memref<128x64xf32, #tpu.memory_space<vmem>>) offsets(%dma_start3A_266 : memref<128xi32, #tpu.memory_space<vmem>>) semaphore(%arg12 : memref<!tpu.dma_semaphore, #tpu.memory_space<semaphore_mem>>)
        %mul3A_270 = arith.constant 5 : i32
        %mul3A_271 = arith.muli %add3A_217, %mul3A_270 : i32
        %add3A_272 = arith.constant 4 : i32
        %add3A_273 = arith.addi %mul3A_271, %add3A_272 : i32
        %dma_start3A_274 = arith.constant 512 : i32
        %dma_start3A_275 = arith.constant 0 : i32
        %dma_start3A_276 = tpu.memref_slice %arg9[%dma_start3A_274, %dma_start3A_275] : memref<640x64xf32, #tpu.memory_space<vmem>> -> memref<128x64xf32, #tpu.memory_space<vmem>>
        %dma_start3A_277 = arith.constant 0 : i32
        %dma_start3A_278 = tpu.memref_slice %arg8[%add3A_273, %dma_start3A_277] : memref<80x128xi32, #tpu.memory_space<vmem>> -> memref<1x128xi32, #tpu.memory_space<vmem>>
        %dma_start3A_279 = tpu.memref_squeeze %dma_start3A_278 : memref<1x128xi32, #tpu.memory_space<vmem>> -> memref<128xi32, #tpu.memory_space<vmem>>
        %dma_start3A_280 = arith.constant 0 : i32
        %dma_start3A_281 = arith.constant 0 : i32
        %dma_start3A_282 = tpu.memref_slice %arg2[%dma_start3A_280, %dma_start3A_281] : memref<1000000x64xf32, #tpu.memory_space<hbm>> -> memref<1000000x64xf32, #tpu.memory_space<hbm>>
        tpu.enqueue_indirect_dma source(%dma_start3A_282 : memref<1000000x64xf32, #tpu.memory_space<hbm>>) target(%dma_start3A_276 : memref<128x64xf32, #tpu.memory_space<vmem>>) offsets(%dma_start3A_279 : memref<128xi32, #tpu.memory_space<vmem>>) semaphore(%arg12 : memref<!tpu.dma_semaphore, #tpu.memory_space<semaphore_mem>>)
      } else {
      }
    }
    %scan3A_173 = arith.constant 8 : i32
    return
  }
}

module attributes {stable_mosaic.version = 14 : i64} {
  func.func @_combine_body(%arg0: i32, %arg1: memref<1024x64xf32, #tpu.memory_space<vmem>>, %arg2: memref<1024x64xf32, #tpu.memory_space<vmem>>, %arg3: memref<64x64xf32, #tpu.memory_space<vmem>>, %arg4: memref<64x64xf32, #tpu.memory_space<vmem>>, %arg5: memref<1024x64xf32, #tpu.memory_space<vmem>>, %arg6: memref<8x128xf32, #tpu.memory_space<vmem>>) attributes {dimension_semantics = [#tpu.dimension_semantics<arbitrary>], iteration_bounds = array<i64: 16>, scalar_prefetch = 0 : i64, scratch_operands = 0 : i64, tpu.core_type = #tpu.core_type<tc>, window_params = [{transform_indices = @transform_0, window_bounds = array<i64: 1024, 64>}, {transform_indices = @transform_1, window_bounds = array<i64: 1024, 64>}, {pipeline_mode = #tpu.pipeline_mode<synchronous>, transform_indices = @transform_2, window_bounds = array<i64: 64, 64>}, {pipeline_mode = #tpu.pipeline_mode<synchronous>, transform_indices = @transform_3, window_bounds = array<i64: 64, 64>}, {transform_indices = @transform_4, window_bounds = array<i64: 1024, 64>}, {transform_indices = @transform_5, window_bounds = array<i64: 8, 128>}]} {
    %get3A = arith.constant 0 : index
    %get3A_0 = arith.constant 0 : index
    %get3A_1 = vector.load %arg1[%get3A, %get3A_0] : memref<1024x64xf32, #tpu.memory_space<vmem>>, vector<1024x64xf32>
    %get3A_2 = arith.constant 0 : index
    %get3A_3 = arith.constant 0 : index
    %get3A_4 = vector.load %arg2[%get3A_2, %get3A_3] : memref<1024x64xf32, #tpu.memory_space<vmem>>, vector<1024x64xf32>
    %get3A_5 = arith.constant 0 : index
    %get3A_6 = arith.constant 0 : index
    %get3A_7 = vector.load %arg3[%get3A_5, %get3A_6] : memref<64x64xf32, #tpu.memory_space<vmem>>, vector<64x64xf32>
    %dot_general3A = arith.constant dense<0.000000e+00> : vector<1024x64xf32>
    %dot_general3A_8 = tpu.matmul %get3A_1, %get3A_7, %dot_general3A {dimension_numbers = #tpu.dot_dimension_numbers<[1], [0], [0], [1], [0, 0, 1, 1], [], []>, transpose_lhs_hint = false} : vector<1024x64xf32>, vector<64x64xf32>, vector<1024x64xf32> -> vector<1024x64xf32>
    %get3A_9 = arith.constant 0 : index
    %get3A_10 = arith.constant 0 : index
    %get3A_11 = vector.load %arg4[%get3A_9, %get3A_10] : memref<64x64xf32, #tpu.memory_space<vmem>>, vector<64x64xf32>
    %dot_general3A_12 = arith.constant dense<0.000000e+00> : vector<1024x64xf32>
    %dot_general3A_13 = tpu.matmul %get3A_4, %get3A_11, %dot_general3A_12 {dimension_numbers = #tpu.dot_dimension_numbers<[1], [0], [0], [1], [0, 0, 1, 1], [], []>, transpose_lhs_hint = false} : vector<1024x64xf32>, vector<64x64xf32>, vector<1024x64xf32> -> vector<1024x64xf32>
    %add3A = arith.addf %dot_general3A_8, %dot_general3A_13 : vector<1024x64xf32>
    %max3A = arith.constant 0.000000e+00 : f32
    %max3A_14 = vector.broadcast %max3A : f32 to vector<1024x64xf32>
    %max3A_15 = arith.maximumf %add3A, %max3A_14 : vector<1024x64xf32>
    %mul3A = arith.mulf %max3A_15, %max3A_15 : vector<1024x64xf32>
    %reduce_sum3A = arith.constant dense<0.000000e+00> : vector<1024xf32>
    %reduce_sum3A_16 = vector.multi_reduction <add>, %mul3A, %reduce_sum3A [1] : vector<1024x64xf32> to vector<1024xf32>
    %broadcast_in_dim3A = vector.shape_cast %reduce_sum3A_16 : vector<1024xf32> to vector<1024x1xf32>
    %sqrt3A = math.sqrt %broadcast_in_dim3A : vector<1024x1xf32>
    %add3A_17 = arith.constant 9.99999993E-9 : f32
    %add3A_18 = vector.broadcast %add3A_17 : f32 to vector<1024x1xf32>
    %add3A_19 = arith.addf %sqrt3A, %add3A_18 : vector<1024x1xf32>
    %div3A = vector.broadcast %add3A_19 : vector<1024x1xf32> to vector<1024x64xf32>
    %div3A_20 = arith.divf %max3A_15, %div3A : vector<1024x64xf32>
    %swap3A = arith.constant 0 : index
    %swap3A_21 = arith.constant 0 : index
    %swap3A_22 = vector.load %arg5[%swap3A, %swap3A_21] : memref<1024x64xf32, #tpu.memory_space<vmem>>, vector<1024x64xf32>
    tpu.vector_store %arg5[%swap3A, %swap3A_21], %div3A_20 {strides = array<i32>} : memref<1024x64xf32, #tpu.memory_space<vmem>>, vector<1024x64xf32>,
    %sub3A = arith.subf %div3A_20, %get3A_1 : vector<1024x64xf32>
    %integer_pow3A = arith.mulf %sub3A, %sub3A : vector<1024x64xf32>
    %reduce_sum3A_23 = arith.constant dense<0.000000e+00> : vector<1024xf32>
    %reduce_sum3A_24 = vector.multi_reduction <add>, %integer_pow3A, %reduce_sum3A_23 [1] : vector<1024x64xf32> to vector<1024xf32>
    %add3A_25 = arith.constant 9.99999996E-13 : f32
    %add3A_26 = vector.broadcast %add3A_25 : f32 to vector<1024xf32>
    %add3A_27 = arith.addf %reduce_sum3A_24, %add3A_26 : vector<1024xf32>
    %sqrt3A_28 = math.sqrt %add3A_27 : vector<1024xf32>
    %reshape3A = vector.shape_cast %sqrt3A_28 : vector<1024xf32> to vector<8x128xf32>
    %swap3A_29 = arith.constant 0 : index
    %swap3A_30 = arith.constant 0 : index
    %swap3A_31 = vector.load %arg6[%swap3A_29, %swap3A_30] : memref<8x128xf32, #tpu.memory_space<vmem>>, vector<8x128xf32>
    tpu.vector_store %arg6[%swap3A_29, %swap3A_30], %reshape3A {strides = array<i32>} : memref<8x128xf32, #tpu.memory_space<vmem>>, vector<8x128xf32>,
    return
  }
  func.func @transform_0(%arg0: i32) -> (i32, i32) {
    %c0_i32 = arith.constant 0 : i32
    %c0_i32_0 = arith.constant 0 : i32
    return %arg0, %c0_i32 : i32, i32
  }
  func.func @transform_1(%arg0: i32) -> (i32, i32) {
    %c0_i32 = arith.constant 0 : i32
    %c0_i32_0 = arith.constant 0 : i32
    return %arg0, %c0_i32 : i32, i32
  }
  func.func @transform_2(%arg0: i32) -> (i32, i32) {
    %c0_i32 = arith.constant 0 : i32
    %c0_i32_0 = arith.constant 0 : i32
    %c0_i32_1 = arith.constant 0 : i32
    return %c0_i32, %c0_i32_0 : i32, i32
  }
  func.func @transform_3(%arg0: i32) -> (i32, i32) {
    %c0_i32 = arith.constant 0 : i32
    %c0_i32_0 = arith.constant 0 : i32
    %c0_i32_1 = arith.constant 0 : i32
    return %c0_i32, %c0_i32_0 : i32, i32
  }
  func.func @transform_4(%arg0: i32) -> (i32, i32) {
    %c0_i32 = arith.constant 0 : i32
    %c0_i32_0 = arith.constant 0 : i32
    return %arg0, %c0_i32 : i32, i32
  }
  func.func @transform_5(%arg0: i32) -> (i32, i32) {
    %c0_i32 = arith.constant 0 : i32
    %c0_i32_0 = arith.constant 0 : i32
    return %arg0, %c0_i32 : i32, i32
  }
}

</mosaic_0001>

<sc_bundles>
// kernel: kernel.5.cloned.1.call-start
scs
__scs_entry_jumppad:
0x0: {  	(pc) =	sbr.rel $0x88, $3  }
0x1: {  	(tag) =	ssettag $0x0;
	lr =	simm.s32 $0x1  }
0x2: {  	[smem:$0x3F9C] =	sst lr;
	_ =	strace $0xD0000000  }
0x3: {  	_ = 	snop  }
0x4: {  	_ = 	snop  }
0x5: {  	_ = 	snop  }
0x6: {  	_ = 	snop  }
0x7: {  	_ = 	snop  }
__scs_overlays_trampoline_lowered:
0x8: {  	[smem:$0x3FAB] =	sst s0  }
0x9: {  	[smem:$0x3FAC] =	sst s1  }
0xa: {  	[smem:$0x3FAD] =	sst s2  }
0xb: {  	[smem:$0x3FAE] =	sst s3  }
0xc: {  	[smem:$0x3FAF] =	sst s4  }
0xd: {  	[smem:$0x3FB0] =	sst s5  }
0xe: {  	[smem:$0x3FB1] =	sst s6  }
0xf: {  	[smem:$0x3FB2] =	sst s7  }
0x10: {  	[smem:$0x3FB3] =	sst s8  }
0x11: {  	[smem:$0x3FB4] =	sst s9;
	s0 =	simm.s32 @!p0 $0x0  }
0x12: {  	s1 =	sld [smem:$0x3F9A];
	s0 =	simm.s32 @p0 $0x1  }
0x13: {  	[smem:$0x3FB5] =	sst s0;
	s0 =	simm.s32 @!p1 $0x0  }
0x14: {  	s2 =	sld [smem:$0x3F99];
	s0 =	simm.s32 @p1 $0x1  }
0x15: {  	[smem:$0x3FB6] =	sst s0;
	s0 =	simm.s32 @!p2 $0x0  }
0x16: {  	s3 =	sld [smem:$0x3FDB];
	s0 =	simm.s32 @p2 $0x1  }
0x17: {  	s4 =	simm.s32 $0x1BF5;
	[smem:$0x3FB8] =	sst s0  }
0x18: {  	s0 =	sld [smem:$0x3F9B];
	_ =	swait.ge [sflag:s4], $0x0  }
0x19: {  	s7 =	sld [smem:$0x3F9C]  }
0x1a: {  	s8 =	sadd.s32 $0xFFFFE003, lr  }
0x1b: {  	s9 =	sadd.s32 $0xFFFFFEF7, lr;
	s5 =	simm.s32 $0xFFFFFFFF;
	p2 =	slt.u32 s8, $0xFFFFF086  }
0x1c: {  	p1 =	slt.u32 s9, $0xF7A;
	s5 =	simm.s32 @!p2 $0x0  }
0x1d: {  	s5 =	simm.s32 @p1 $0x1;
	p0 =	seq.s32 s7, s2  }
0x1e: {  	s7 =	smul.u32 @!p0 $0xF7A, s2;
	p2 =	seq.s32 @!p0 s5, $0x0  }
0x1f: {  	s9 =	smul.u32 $0xF7A, s1;
	s8 =	simm.s32 @!p0 $0x1BF5;
	p2 =	por !p2, p0  }
0x20: {  	[sflag:s8] =	ssyncset.s32 @!p0 $0xFFFFF086;
	s6 =	sadd.s32 @!p0 s3, s7;
	s7 =	simm.s32 @!p0 $0x108  }
0x21: {  	s3 =	sadd.s32 s3, s9;
	s6 =	sadd.s32 @!p0 $0x88, s6;
	s7 =	simm.s32 @p2 $0x1082  }
0x22: {  	[simem:s7], [sflag:s8] =	dma.local @!p0 [hbm:s6], $0xF7A  }
0x23: {  	s9 =	sor.u32 $0xD0000000, s2;
	s6 =	simm.s32 $0x108;
	_ =	swait.ge @!p0 [sflag:s8], $0x0  }
0x24: {  	s3 =	sadd.s32 $0x88, s3;
	s6 =	simm.s32 @!p1 $0x1082;
	[sflag:s4] =	ssyncset.s32 $0xFFFFF086  }
0x25: {  	[simem:s6], [sflag:s4] =	dma.local [hbm:s3], $0xF7A  }
0x26: {  	[smem:$0x3F9C] =	sst s1;
	(tag) =	ssettag s2;
	_ =	strace s9  }
0x27: {  	s1 =	sld [smem:$0x3FAC]  }
0x28: {  	s2 =	sld [smem:$0x3FAD]  }
0x29: {  	s4 =	sld [smem:$0x3FAF]  }
0x2a: {  	p0 =	seq.s32 s5, $0x0;
	s5 =	sld [smem:$0x3FB0]  }
0x2b: {  	s6 =	sld [smem:$0x3FB1]  }
0x2c: {  	s7 =	sld [smem:$0x3FB2]  }
0x2d: {  	s3 =	simm.s32 $0x108;
	s8 =	sld [smem:$0x3FB3]  }
0x2e: {  	s3 =	simm.s32 @!p0 $0x1082;
	s9 =	sld [smem:$0x3FB4]  }
0x2f: {  	lr =	sadd.s32 s0, s3;
	s0 =	sld [smem:$0x3FAB]  }
0x30: {  	s3 =	sld [smem:$0x3FAE]  }
0x31: {  	[smem:$0x3FB7] =	sst s10  }
0x32: {  	s10 =	sld [smem:$0x3FB5];
	_ =	sdelay $0x3  }
0x33: {  	p0 =	seq.s32 s10, $0x1;
	s10 =	sld [smem:$0x3FB7];
	_ =	sdelay $0x3  }
0x34: {  	[smem:$0x3FB7] =	sst s10  }
0x35: {  	s10 =	sld [smem:$0x3FB6];
	_ =	sdelay $0x3  }
0x36: {  	p1 =	seq.s32 s10, $0x1;
	s10 =	sld [smem:$0x3FB7];
	_ =	sdelay $0x3  }
0x37: {  	[smem:$0x3FB7] =	sst s10  }
0x38: {  	s10 =	sld [smem:$0x3FB8]  }
0x39: {  	_ = 	snop;
	(pc) =	sbr.ind lr, $3  }
0x3a: {  	_ = 	snop  }
0x3b: {  	_ = 	snop  }
0x3c: {  	p2 =	seq.s32 s10, $0x1;
	s10 =	sld [smem:$0x3FB7]  }
0x3d: {  	_ =	shalt  }
0x3e: {  	_ =	shalt  }
0x3f: {  	_ =	shalt  }
0x40: {  	_ =	shalt  }
0x41: {  	_ =	shalt  }
0x42: {  	_ =	shalt  }
0x43: {  	_ =	shalt  }
0x44: {  	_ =	shalt  }
0x45: {  	_ =	shalt  }
0x46: {  	_ =	shalt  }
0x47: {  	_ =	shalt  }
0x48: {  	_ =	shalt  }
0x49: {  	_ =	shalt  }
0x4a: {  	_ =	shalt  }
0x4b: {  	_ =	shalt  }
0x4c: {  	_ =	shalt  }
0x4d: {  	_ =	shalt  }
0x4e: {  	_ =	shalt  }
0x4f: {  	_ =	shalt  }
0x50: {  	_ =	shalt  }
0x51: {  	_ =	shalt  }
0x52: {  	_ =	shalt  }
0x53: {  	_ =	shalt  }
0x54: {  	_ =	shalt  }
0x55: {  	_ =	shalt  }
0x56: {  	_ =	shalt  }
0x57: {  	_ =	shalt  }
0x58: {  	_ =	shalt  }
0x59: {  	_ =	shalt  }
0x5a: {  	_ =	shalt  }
0x5b: {  	_ =	shalt  }
0x5c: {  	_ =	shalt  }
0x5d: {  	_ =	shalt  }
0x5e: {  	_ =	shalt  }
0x5f: {  	_ =	shalt  }
0x60: {  	_ =	shalt  }
0x61: {  	_ =	shalt  }
0x62: {  	_ =	shalt  }
0x63: {  	_ =	shalt  }
0x64: {  	_ =	shalt  }
0x65: {  	_ =	shalt  }
0x66: {  	_ =	shalt  }
0x67: {  	_ =	shalt  }
0x68: {  	_ =	shalt  }
0x69: {  	_ =	shalt  }
0x6a: {  	_ =	shalt  }
0x6b: {  	_ =	shalt  }
0x6c: {  	_ =	shalt  }
0x6d: {  	_ =	shalt  }
0x6e: {  	_ =	shalt  }
0x6f: {  	_ =	shalt  }
0x70: {  	_ =	shalt  }
0x71: {  	_ =	shalt  }
0x72: {  	_ =	shalt  }
0x73: {  	_ =	shalt  }
0x74: {  	_ =	shalt  }
0x75: {  	_ =	shalt  }
0x76: {  	_ =	shalt  }
0x77: {  	_ =	shalt  }
0x78: {  	_ =	shalt  }
0x79: {  	_ =	shalt  }
0x7a: {  	_ =	shalt  }
0x7b: {  	_ =	shalt  }
0x7c: {  	_ =	shalt  }
0x7d: {  	_ =	shalt  }
0x7e: {  	_ =	shalt  }
0x7f: {  	_ =	shalt  }
0x80: {  	_ =	shalt  }
0x81: {  	_ =	shalt  }
0x82: {  	_ =	shalt  }
0x83: {  	_ =	shalt  }
0x84: {  	_ =	shalt  }
0x85: {  	_ =	shalt  }
0x86: {  	_ =	shalt  }
0x87: {  	_ =	shalt  }
.Lfunc_end0:
.L_simem_size_0:
called_computation.1_lowered:
.L_overlay_start_0:
0x88: {  	s2 =	sld [smem:$0x3FD9]  }
0x89: {  	s3 =	sld [smem:$0x3FFE];
	_ =	sdelay $0x1  }
0x8a: {  	s1 =	srdreg.scid  }
0x8b: {  	s0 =	sand.u32 $0x1, s1  }
0x8c: {  	s14 =	sshll.u32 s0, $0xA;
	s2 =	sadd.s32 s3, s2  }
0x8d: {  	s2 =	sadd.s32 s2, s14  }
0x8e: {  	[smem:$0x3FC3] =	sst s2  }
0x8f: {  	_ = 	snop  }
0x90: {  	s2 =	sld [smem:$0x3FD0];
	_ =	sdelay $0x2  }
0x91: {  	s4 =	simm.s32 $0xA;
	s5 =	simm.s32 $0x10;
	s15 =	sld [smem:$0x3FC6]  }
0x92: {  	[smem:s5], [sflag:s4] =	dma.local [hbm:s2], $0x1  }
0x93: {  	_ =	swait.eq [sflag:s4], $0x1  }
0x94: {  	s16 =	sld [smem:$0x10];
	[sflag:s4] =	ssyncset.done $0x0  }
0x95: {  	s17 =	sld [smem:$0x11];
	[sflag:s4] =	ssyncadd.s32 $0xFFFFFFFF  }
0x96: {  	s18 =	sld [smem:$0x12];
	(tm) =	ssettm $0x1  }
0x97: {  	s6 =	sld [smem:$0x3FFB];
	_ =	sdelay $0x3  }
0x98: {  	_ =	strace s6  }
0x99: {  	s6 =	sld [smem:$0x3FFC];
	_ =	sdelay $0x3  }
0x9a: {  	_ =	strace s6  }
0x9b: {  	s6 =	sld [smem:$0x3FFD];
	_ =	sdelay $0x3  }
0x9c: {  	_ =	strace s6  }
0x9d: {  	_ =	strace $0x8FFFFFFF  }
0x9e: {  	s19 =	sld [smem:$0x3FDB];
	_ =	sdelay $0x1  }
0x9f: {  	s7 =	simm.s32 $_scs_section_size  }
0xa0: {  	s8 =	simm.s32 $_size__tile_overlayer_lowered;
	s9 =	simm.s32 $_tile_overlayer_lowered  }
0xa1: {  	s22 =	simm.s32 $0x1BFF;
	s21 =	sshll.u32 s9, $0x1;
	s6 =	sadd.s32 s7, s19  }
0xa2: {  	s10 =	simm.s32 $0x0;
	s20 =	sshll.u32 s8, $0x1;
	s8 =	sadd.s32 s21, s6  }
0xa3: {  	[timem:s10], [sflag:s22] =	dma.local [hbm:s8], s20  }
0xa4: {  	_ =	swait.ge [sflag:s22], s20  }
0xa5: {  	s7 =	ssub.s32 $0x0, s20;
	[sflag:s22] =	ssyncset.done $0x0  }
0xa6: {  	[sflag:s22] =	ssyncadd.s32 s7;
	_ =	sdelay $0x1  }
0xa7: {  	s23 =	simm.s32 $0x1B8B  }
0xa8: {  	_ =	swait.ge [sflag:s23], $0x1  }
0xa9: {  	[sflag:s23] =	ssyncset.done $0x0  }
0xaa: {  	s25 =	simm.s32 $0x1B8E;
	s24 =	sld [smem:$0x3FFE];
	[sflag:s23] =	ssyncadd.s32 $0xFFFFFFFF  }
0xab: {  	s26 =	simm.s32 $execute0_lowered;
	[smem:$0x3FD2] =	sst s25  }
0xac: {  	s8 =	sshll.u32 s26, $0x1;
	_ =	strace $0x80000046;
	[dreg:$0x1] =	wrdreg $0xFFFFFFFF  }
0xad: {  	s28 =	simm.s32 $_size_execute0_lowered;
	s6 =	sadd.s32 s6, s8;
	[dreg:$0x0] =	wrdreg $0x0  }
0xae: {  	s8 =	sshll.u32 s28, $0x1;
	[dreg:$0x2] =	wrdreg s6  }
0xaf: {  	[dreg:$0x3] =	wrdreg s8  }
0xb0: {  	[dreg:$0x4] =	wrdreg $0xC0  }
0xb1: {  	_ =	task [dreg:s10], $0x5FFFF  }
0xb2: {  	[dreg:$0x1] =	wrdreg $0xFFFFFFFF  }
0xb3: {  	[dreg:$0x0] =	wrdreg $0x60  }
0xb4: {  	[dreg:$0x2] =	wrdreg s18  }
0xb5: {  	[dreg:$0x3] =	wrdreg s15  }
0xb6: {  	[dreg:$0x4] =	wrdreg s24  }
0xb7: {  	[dreg:$0x5] =	wrdreg s17  }
0xb8: {  	[dreg:$0x6] =	wrdreg s16  }
0xb9: {  	[dreg:$0x7] =	wrdreg $0x9  }
0xba: {  	_ =	task.clear_ibuf [dreg:s10], $0x8FFFF;
	_ =	strace $0x90000046  }
0xbb: {  	s29 =	simm.s32 $0x9;
	_ =	strace $0x80000048  }
0xbc: {  	_ =	swait.ge [sflag:s29], $0x1  }
0xbd: {  	[sflag:s29] =	ssyncadd.s32 $0xFFFFFFFF  }
0xbe: {  	_ =	strace $0x90000048  }
0xbf: {  	_ =	sfence  }
0xc0: {  	s30 =	sld [smem:$0x0];
	_ =	sdelay $0x2  }
0xc1: {  	s31 =	sshll.u32 s1, $0xD;
	s1 =	sshrl.u32 s1, $0x2  }
0xc2: {  	s3 =	sand.u32 $0x4000, s31;
	s1 =	sadd.s32 s1, s30  }
0xc3: {  	s0 =	sor.u32 s3, s0;
	s1 =	sshll.u32 s1, $0x11  }
0xc4: {  	s0 =	sor.u32 s1, s0  }
0xc5: {  	s0 =	sadd.s32 $0x8F2B, s0  }
0xc6: {  	[sflag:s0] =	ssyncadd.remote.s32 $0x1  }
0xc7: {  	_ =	sfence.sel $0xFFFF  }
0xc8: {  	[dreg:$0x0] =	wrdreg $0xFFFFFFFF;
	(pc) =	sbr.abs _section_cstart, $3  }
0xc9: {  	[dreg:$0x1] =	wrdreg $0xFFFFFFFF  }
0xca: {  	_ =	task.clear_ibuf [dreg:s10], $0x2FFFF;
	_ =	strace $0x9FFFFFFF  }
0xcb: {  	(tm) =	ssettm $0x7FFFFFFF  }
tec
execute0_lowered:
.L_overlay_start_1:
0x0: {  	(tag) =	ssettag $0x1  }
0x1: {  	s0 =	rddreg [dreg:$0x0]  }
0x2: {  	s1 =	rddreg [dreg:$0x1]  }
0x3: {  	s2 =	rddreg [dreg:$0x2]  }
0x4: {  	s10 =	rddreg [dreg:$0x3];
	s3 =	srdreg.scid  }
0x5: {  	s9 =	stileid.u32;
	s11 =	rddreg [dreg:$0x4];
	s14 =	simm.s32 $0x400  }
0x6: {  	s15 =	simm.s32 $0x80;
	s16 =	simm.s32 $0x2C00;
	s17 =	simm.s32 $0x4C00  }
0x7: {  	s18 =	simm.s32 $0x6C00;
	s19 =	simm.s32 $0x8C00;
	s30 =	simm.s32 $0x1  }
0x8: {  	s20 =	simm.s32 $0x800;
	s21 =	simm.s32 $0x880;
	s22 =	simm.s32 $0xAC00  }
0x9: {  	s23 =	simm.s32 $0x2;
	s24 =	simm.s32 $0x16C00;
	s25 =	simm.s32 $0x0  }
0xa: {  	s5 =	sand.u32 $0x1, s3;
	s4 =	sshll.u32 s9, $0x1;
	s3 =	simm.s32 $0x0  }
0xb: {  	s31 =	sshll.u32 s9, $0x7;
	s4 =	sor.u32 s5, s4;
	[smem:$0x7FF] =	sst s3  }
0xc: {  	s7 =	ssub.s32 $0x2, s5;
	s5 =	sshll.u32 s5, $0x9;
	s6 =	smul.u32 $0x500, s4  }
.Ltmp0:
0xd: {  	_ =	strace $0x80000047;
	s8 =	sshrl.u32 s7, $0x1;
	(pc) =	sbr.rel .LBB2_1-.Ltmp0, $4  }
0xe: {  	s13 =	sshll.u32 s4, $0xC;
	s4 =	sadd.s32 s1, s31;
	s9 =	sor.u32 $0x180, s5  }
0xf: {  	s12 =	ssub.s32 s7, s8;
	s7 =	sor.u32 $0x80, s5;
	s8 =	sor.u32 $0x100, s5  }
0x10: {  	s10 =	sadd.s32 s10, s13;
	s11 =	sadd.s32 s11, s13;
	s2 =	sadd.s32 s6, s2  }
0x11: {  	s13 =	simm.s32 $0x3;
	s12 =	smax.u32 s12, $0x1;
	s6 =	sadd.s32 $0x2000, s2  }
.LBB2_8:
0x12: {  	s25 =	sadd.s32 $0x1, s25  }
0x13: {  	p0 =	sne.s32 s25, s12  }
.Ltmp1:
0x14: {  	_ = 	snop;
	(pc) =	sbr.rel @!p0 .LBB2_9-.Ltmp1, $1  }
0x15: {  	_ =	sdelay $0x3  }
.LBB2_1:
0x16: {  	[tilespmem:s3], [sflag:$0x3] =	stream.linear.gather [hbm4b:s4+s3], $0x400, $0x38;
	[tilespmem:$0x17400] =	vst v63  }
0x17: {  	_ =	swait.ge [sflag:s13], $0x400  }
0x18: {  	[sflag:s13] =	ssyncset.done $0x0  }
0x19: {  	[sflag:s13] =	ssyncadd.s32 $0xFFFFFC00  }
0x1a: {  	[tilespmem:s14], [sflag:$0x3] =	stream.linear.gather [hbm4b:s6+s3], $0x2800, $0x38;
	[tilespmem:$0x17400] =	vst v63  }
0x1b: {  	_ =	swait.ge [sflag:s13], $0x2800  }
0x1c: {  	[sflag:s13] =	ssyncset.done $0x0  }
0x1d: {  	[sflag:s13] =	ssyncadd.s32 $0xFFFFD800  }
0x1e: {  	[tilespmem:s16], [sflag:$0x1] =	stream.indirect.gather [hbm4b:s0+s15], $0x40, s5, s15, $0xb8;
	[tilespmem:$0x17400] =	vst v63  }
0x1f: {  	_ = 	snop  }
0x20: {  	[tilespmem:s17], [sflag:$0x1] =	stream.indirect.gather [hbm4b:s0+s15], $0x40, s7, s15, $0xb8;
	[tilespmem:$0x17400] =	vst v63  }
0x21: {  	_ = 	snop  }
0x22: {  	[tilespmem:s18], [sflag:$0x1] =	stream.indirect.gather [hbm4b:s0+s15], $0x40, s8, s15, $0xb8;
	[tilespmem:$0x17400] =	vst v63  }
0x23: {  	_ = 	snop  }
0x24: {  	[tilespmem:s19], [sflag:$0x1] =	stream.indirect.gather [hbm4b:s0+s15], $0x40, s9, s15, $0xb8;
	[tilespmem:$0x17400] =	vst v63  }
0x25: {  	s1 =	simm.s32 $0xCC00  }
0x26: {  	[tilespmem:s1], [sflag:$0x2] =	stream.indirect.gather [hbm4b:s0+s15], $0x40, s14, s15, $0xb8;
	[tilespmem:$0x17400] =	vst v63  }
0x27: {  	s31 =	simm.s32 $0x480;
	s2 =	simm.s32 $0xEC00  }
0x28: {  	[tilespmem:s2], [sflag:$0x2] =	stream.indirect.gather [hbm4b:s0+s15], $0x40, s31, s15, $0xb8;
	[tilespmem:$0x17400] =	vst v63  }
0x29: {  	s26 =	simm.s32 $0x500;
	s28 =	simm.s32 $0x10C00  }
0x2a: {  	[tilespmem:s28], [sflag:$0x2] =	stream.indirect.gather [hbm4b:s0+s15], $0x40, s26, s15, $0xb8;
	[tilespmem:$0x17400] =	vst v63  }
0x2b: {  	s29 =	simm.s32 $0x580;
	s31 =	simm.s32 $0x12C00  }
0x2c: {  	[tilespmem:s31], [sflag:$0x2] =	stream.indirect.gather [hbm4b:s0+s15], $0x40, s29, s15, $0xb8;
	[tilespmem:$0x17400] =	vst v63  }
0x2d: {  	s2 =	simm.s32 $0x600;
	s26 =	simm.s32 $0x14C00  }
0x2e: {  	[tilespmem:s26], [sflag:$0x2] =	stream.indirect.gather [hbm4b:s0+s15], $0x40, s2, s15, $0xb8;
	[tilespmem:$0x17400] =	vst v63  }
0x2f: {  	_ =	swait.ge [sflag:s30], $0x8000  }
0x30: {  	[sflag:s30] =	ssyncset.done $0x0  }
0x31: {  	[sflag:s30] =	ssyncadd.s32 $0xFFFF8000  }
0x32: {  	[hbm4b:s10+s3] =	stream.linear.scatter [tilespmem:s16], [sflag:$0x3], $0x8000, $0x38;
	[tilespmem:$0x17400] =	vst v63  }
0x33: {  	_ =	swait.ge [sflag:s13], $0x8000  }
0x34: {  	[sflag:s13] =	ssyncset.done $0x0  }
0x35: {  	s28 =	simm.s32 $0x680;
	[sflag:s13] =	ssyncadd.s32 $0xFFFF8000  }
0x36: {  	[tilespmem:s16], [sflag:$0x1] =	stream.indirect.gather [hbm4b:s0+s15], $0x40, s28, s15, $0xb8;
	[tilespmem:$0x17400] =	vst v63  }
0x37: {  	s29 =	simm.s32 $0x700  }
0x38: {  	[tilespmem:s17], [sflag:$0x1] =	stream.indirect.gather [hbm4b:s0+s15], $0x40, s29, s15, $0xb8;
	[tilespmem:$0x17400] =	vst v63  }
0x39: {  	s31 =	simm.s32 $0x780  }
0x3a: {  	[tilespmem:s18], [sflag:$0x1] =	stream.indirect.gather [hbm4b:s0+s15], $0x40, s31, s15, $0xb8;
	[tilespmem:$0x17400] =	vst v63  }
0x3b: {  	_ = 	snop  }
0x3c: {  	[tilespmem:s19], [sflag:$0x1] =	stream.indirect.gather [hbm4b:s0+s15], $0x40, s20, s15, $0xb8;
	[tilespmem:$0x17400] =	vst v63  }
0x3d: {  	s26 =	simm.s32 $0x0  }
0x3e: {  	[tilespmem:s22], [sflag:$0x1] =	stream.indirect.gather [hbm4b:s0+s15], $0x40, s21, s15, $0xb8;
	[tilespmem:$0x17400] =	vst v63  }
.LBB2_2:
0x3f: {  	_ =	swait.ge [sflag:s23], $0xA000  }
0x40: {  	[sflag:s23] =	ssyncset.done $0x0  }
0x41: {  	s28 =	simm.s32 $0xCE80;
	[sflag:s23] =	ssyncadd.s32 $0xFFFF6000  }
0x42: {  	v0 =	vld [tilespmem:s28+$0xFFFFFDC0]  }
0x43: {  	v1 =	vld [tilespmem:s28+$0xFFFFFD80];
	_ =	sdelay $0x1  }
0x44: {  	v2 =	vld [tilespmem:s28+$0xFFFFFE00];
	_ =	sdelay $0x1  }
0x45: {  	v3 =	vld [tilespmem:s28+$0xFFFFFE40]  }
0x46: {  	v0 =	vadd.f32 v0, v1  }
0x47: {  	v1 =	vld [tilespmem:s28+$0xFFFFFE80]  }
0x48: {  	v0 =	vadd.f32 v2, v0  }
0x49: {  	v2 =	vld [tilespmem:s28+$0xFFFFFEC0]  }
0x4a: {  	v0 =	vadd.f32 v3, v0  }
0x4b: {  	v3 =	vld [tilespmem:s28+$0xFFFFFF00]  }
0x4c: {  	v0 =	vadd.f32 v1, v0  }
0x4d: {  	v1 =	vld [tilespmem:s28+$0xFFFFFF40]  }
0x4e: {  	v0 =	vadd.f32 v2, v0  }
0x4f: {  	v2 =	vld [tilespmem:s28+$0xFFFFFF80]  }
0x50: {  	v0 =	vadd.f32 v3, v0  }
0x51: {  	v3 =	vld [tilespmem:s28+$0xFFFFFFC0]  }
0x52: {  	v0 =	vadd.f32 v1, v0  }
0x53: {  	v1 =	vld [tilespmem:s28+$0x0]  }
0x54: {  	v0 =	vadd.f32 v2, v0  }
0x55: {  	v2 =	vld [tilespmem:s28+$0x40]  }
0x56: {  	v0 =	vadd.f32 v3, v0  }
0x57: {  	v3 =	vld [tilespmem:s28+$0x80]  }
0x58: {  	v0 =	vadd.f32 v1, v0  }
0x59: {  	v1 =	vld [tilespmem:s28+$0xC0]  }
0x5a: {  	v0 =	vadd.f32 v2, v0  }
0x5b: {  	v2 =	vld [tilespmem:s28+$0x100]  }
0x5c: {  	v0 =	vadd.f32 v3, v0  }
0x5d: {  	v3 =	vld [tilespmem:s28+$0x140]  }
0x5e: {  	v0 =	vadd.f32 v1, v0  }
0x5f: {  	v1 =	vld [tilespmem:s28+$0x180]  }
0x60: {  	v0 =	vadd.f32 v2, v0  }
0x61: {  	v2 =	vld [tilespmem:s28+$0x1C0]  }
0x62: {  	v0 =	vadd.f32 v3, v0  }
0x63: {  	v3 =	vld [tilespmem:s28+$0x200]  }
0x64: {  	v0 =	vadd.f32 v1, v0  }
0x65: {  	v1 =	vld [tilespmem:s28+$0x240]  }
0x66: {  	v0 =	vadd.f32 v2, v0;
	_ =	sdelay $0x1  }
0x67: {  	v0 =	vadd.f32 v3, v0;
	_ =	sdelay $0x1  }
0x68: {  	v0 =	vadd.f32 v1, v0;
	_ =	sdelay $0x1  }
0x69: {  	v0 =	vmul.f32 $5.000000070e-02, v0  }
0x6a: {  	s29 =	simm.s32 $0x0  }
0x6b: {  	[tilespmem:s29+$0x16C00] =	vst v0  }
0x6c: {  	v0 =	vld [tilespmem:s28+$0xFFFFFD90]  }
0x6d: {  	v1 =	vld [tilespmem:s28+$0xFFFFFDD0];
	_ =	sdelay $0x1  }
0x6e: {  	v2 =	vld [tilespmem:s28+$0xFFFFFE10];
	_ =	sdelay $0x1  }
0x6f: {  	v3 =	vld [tilespmem:s28+$0xFFFFFE50]  }
0x70: {  	v0 =	vadd.f32 v1, v0  }
0x71: {  	v1 =	vld [tilespmem:s28+$0xFFFFFE90]  }
0x72: {  	v0 =	vadd.f32 v2, v0  }
0x73: {  	v2 =	vld [tilespmem:s28+$0xFFFFFED0]  }
0x74: {  	v0 =	vadd.f32 v3, v0  }
0x75: {  	v3 =	vld [tilespmem:s28+$0xFFFFFF10]  }
0x76: {  	v0 =	vadd.f32 v1, v0  }
0x77: {  	v1 =	vld [tilespmem:s28+$0xFFFFFF50]  }
0x78: {  	v0 =	vadd.f32 v2, v0  }
0x79: {  	v2 =	vld [tilespmem:s28+$0xFFFFFF90]  }
0x7a: {  	v0 =	vadd.f32 v3, v0  }
0x7b: {  	v3 =	vld [tilespmem:s28+$0xFFFFFFD0]  }
0x7c: {  	v0 =	vadd.f32 v1, v0  }
0x7d: {  	v1 =	vld [tilespmem:s28+$0x10]  }
0x7e: {  	v0 =	vadd.f32 v2, v0  }
0x7f: {  	v2 =	vld [tilespmem:s28+$0x50]  }
0x80: {  	v0 =	vadd.f32 v3, v0  }
0x81: {  	v3 =	vld [tilespmem:s28+$0x90]  }
0x82: {  	v0 =	vadd.f32 v1, v0  }
0x83: {  	v1 =	vld [tilespmem:s28+$0xD0]  }
0x84: {  	v0 =	vadd.f32 v2, v0  }
0x85: {  	v2 =	vld [tilespmem:s28+$0x110]  }
0x86: {  	v0 =	vadd.f32 v3, v0  }
0x87: {  	v3 =	vld [tilespmem:s28+$0x150]  }
0x88: {  	v0 =	vadd.f32 v1, v0  }
0x89: {  	v1 =	vld [tilespmem:s28+$0x190]  }
0x8a: {  	v0 =	vadd.f32 v2, v0  }
0x8b: {  	v2 =	vld [tilespmem:s28+$0x1D0]  }
0x8c: {  	v0 =	vadd.f32 v3, v0  }
0x8d: {  	v3 =	vld [tilespmem:s28+$0x210]  }
0x8e: {  	v0 =	vadd.f32 v1, v0  }
0x8f: {  	v1 =	vld [tilespmem:s28+$0x250]  }
0x90: {  	v0 =	vadd.f32 v2, v0;
	_ =	sdelay $0x1  }
0x91: {  	v0 =	vadd.f32 v3, v0;
	_ =	sdelay $0x1  }
0x92: {  	v0 =	vadd.f32 v1, v0;
	_ =	sdelay $0x1  }
0x93: {  	v0 =	vmul.f32 $5.000000070e-02, v0;
	_ =	sdelay $0x1  }
0x94: {  	[tilespmem:s29+$0x16C10] =	vst v0  }
0x95: {  	v0 =	vld [tilespmem:s28+$0xFFFFFDA0]  }
0x96: {  	v1 =	vld [tilespmem:s28+$0xFFFFFDE0];
	_ =	sdelay $0x1  }
0x97: {  	v2 =	vld [tilespmem:s28+$0xFFFFFE20];
	_ =	sdelay $0x1  }
0x98: {  	v3 =	vld [tilespmem:s28+$0xFFFFFE60]  }
0x99: {  	v0 =	vadd.f32 v1, v0  }
0x9a: {  	v1 =	vld [tilespmem:s28+$0xFFFFFEA0]  }
0x9b: {  	v0 =	vadd.f32 v2, v0  }
0x9c: {  	v2 =	vld [tilespmem:s28+$0xFFFFFEE0]  }
0x9d: {  	v0 =	vadd.f32 v3, v0  }
0x9e: {  	v3 =	vld [tilespmem:s28+$0xFFFFFF20]  }
0x9f: {  	v0 =	vadd.f32 v1, v0  }
0xa0: {  	v1 =	vld [tilespmem:s28+$0xFFFFFF60]  }
0xa1: {  	v0 =	vadd.f32 v2, v0  }
0xa2: {  	v2 =	vld [tilespmem:s28+$0xFFFFFFA0]  }
0xa3: {  	v0 =	vadd.f32 v3, v0  }
0xa4: {  	v3 =	vld [tilespmem:s28+$0xFFFFFFE0]  }
0xa5: {  	v0 =	vadd.f32 v1, v0  }
0xa6: {  	v1 =	vld [tilespmem:s28+$0x20]  }
0xa7: {  	v0 =	vadd.f32 v2, v0  }
0xa8: {  	v2 =	vld [tilespmem:s28+$0x60]  }
0xa9: {  	v0 =	vadd.f32 v3, v0  }
0xaa: {  	v3 =	vld [tilespmem:s28+$0xA0]  }
0xab: {  	v0 =	vadd.f32 v1, v0  }
0xac: {  	v1 =	vld [tilespmem:s28+$0xE0]  }
0xad: {  	v0 =	vadd.f32 v2, v0  }
0xae: {  	v2 =	vld [tilespmem:s28+$0x120]  }
0xaf: {  	v0 =	vadd.f32 v3, v0  }
0xb0: {  	v3 =	vld [tilespmem:s28+$0x160]  }
0xb1: {  	v0 =	vadd.f32 v1, v0  }
0xb2: {  	v1 =	vld [tilespmem:s28+$0x1A0]  }
0xb3: {  	v0 =	vadd.f32 v2, v0  }
0xb4: {  	v2 =	vld [tilespmem:s28+$0x1E0]  }
0xb5: {  	v0 =	vadd.f32 v3, v0  }
0xb6: {  	v3 =	vld [tilespmem:s28+$0x220]  }
0xb7: {  	v0 =	vadd.f32 v1, v0  }
0xb8: {  	v1 =	vld [tilespmem:s28+$0x260]  }
0xb9: {  	v0 =	vadd.f32 v2, v0;
	_ =	sdelay $0x1  }
0xba: {  	v0 =	vadd.f32 v3, v0;
	_ =	sdelay $0x1  }
0xbb: {  	v0 =	vadd.f32 v1, v0;
	_ =	sdelay $0x1  }
0xbc: {  	v0 =	vmul.f32 $5.000000070e-02, v0;
	_ =	sdelay $0x1  }
0xbd: {  	[tilespmem:s29+$0x16C20] =	vst v0  }
0xbe: {  	v0 =	vld [tilespmem:s28+$0xFFFFFDB0]  }
0xbf: {  	v1 =	vld [tilespmem:s28+$0xFFFFFDF0];
	_ =	sdelay $0x1  }
0xc0: {  	v2 =	vld [tilespmem:s28+$0xFFFFFE30];
	_ =	sdelay $0x1  }
0xc1: {  	v3 =	vld [tilespmem:s28+$0xFFFFFE70]  }
0xc2: {  	v0 =	vadd.f32 v1, v0  }
0xc3: {  	v1 =	vld [tilespmem:s28+$0xFFFFFEB0]  }
0xc4: {  	v0 =	vadd.f32 v2, v0  }
0xc5: {  	v2 =	vld [tilespmem:s28+$0xFFFFFEF0]  }
0xc6: {  	v0 =	vadd.f32 v3, v0  }
0xc7: {  	v3 =	vld [tilespmem:s28+$0xFFFFFF30]  }
0xc8: {  	v0 =	vadd.f32 v1, v0  }
0xc9: {  	v1 =	vld [tilespmem:s28+$0xFFFFFF70]  }
0xca: {  	v0 =	vadd.f32 v2, v0  }
0xcb: {  	v2 =	vld [tilespmem:s28+$0xFFFFFFB0]  }
0xcc: {  	v0 =	vadd.f32 v3, v0  }
0xcd: {  	v3 =	vld [tilespmem:s28+$0xFFFFFFF0]  }
0xce: {  	v0 =	vadd.f32 v1, v0  }
0xcf: {  	v1 =	vld [tilespmem:s28+$0x30]  }
0xd0: {  	v0 =	vadd.f32 v2, v0  }
0xd1: {  	v2 =	vld [tilespmem:s28+$0x70]  }
0xd2: {  	v0 =	vadd.f32 v3, v0  }
0xd3: {  	v3 =	vld [tilespmem:s28+$0xB0]  }
0xd4: {  	v0 =	vadd.f32 v1, v0  }
0xd5: {  	v1 =	vld [tilespmem:s28+$0xF0]  }
0xd6: {  	v0 =	vadd.f32 v2, v0  }
0xd7: {  	v2 =	vld [tilespmem:s28+$0x130]  }
0xd8: {  	v0 =	vadd.f32 v3, v0  }
0xd9: {  	v3 =	vld [tilespmem:s28+$0x170]  }
0xda: {  	v0 =	vadd.f32 v1, v0  }
0xdb: {  	v1 =	vld [tilespmem:s28+$0x1B0]  }
0xdc: {  	v0 =	vadd.f32 v2, v0  }
0xdd: {  	v2 =	vld [tilespmem:s28+$0x1F0]  }
0xde: {  	v0 =	vadd.f32 v3, v0;
	_ =	sdelay $0x1  }
0xdf: {  	v3 =	vld [tilespmem:s28+$0x230];
	v0 =	vadd.f32 v1, v0;
	_ =	sdelay $0x1  }
0xe0: {  	v1 =	vadd.f32 v2, v0;
	v0 =	vld [tilespmem:s28+$0x270];
	_ =	sdelay $0x2  }
0xe1: {  	s31 =	simm.s32 $0x100;
	v1 =	vadd.f32 v3, v1  }
.LBB2_3:
0xe2: {  	p0 =	sne.s32 s31, $0x1F00  }
0xe3: {  	s28 =	sadd.s32 $0x500, s28;
	s2 =	smov.u32 s31;
	s31 =	sadd.s32 $0x100, s31;
	v0 =	vadd.f32 v0, v1  }
0xe4: {  	_ = 	snop  }
0xe5: {  	v0 =	vmul.f32 $5.000000070e-02, v0;
	_ =	sdelay $0x1  }
0xe6: {  	[tilespmem:s29+$0x16C30] =	vst v0  }
0xe7: {  	v0 =	vld [tilespmem:s28+$0xFFFFFDC0]  }
0xe8: {  	v1 =	vld [tilespmem:s28+$0xFFFFFD80];
	_ =	sdelay $0x1  }
0xe9: {  	v2 =	vld [tilespmem:s28+$0xFFFFFE00];
	_ =	sdelay $0x1  }
0xea: {  	v3 =	vld [tilespmem:s28+$0xFFFFFE40]  }
0xeb: {  	v0 =	vadd.f32 v0, v1  }
0xec: {  	v1 =	vld [tilespmem:s28+$0xFFFFFE80]  }
0xed: {  	v0 =	vadd.f32 v2, v0  }
0xee: {  	v2 =	vld [tilespmem:s28+$0xFFFFFEC0]  }
0xef: {  	v0 =	vadd.f32 v3, v0  }
0xf0: {  	v3 =	vld [tilespmem:s28+$0xFFFFFF00]  }
0xf1: {  	v0 =	vadd.f32 v1, v0  }
0xf2: {  	v1 =	vld [tilespmem:s28+$0xFFFFFF40]  }
0xf3: {  	v0 =	vadd.f32 v2, v0  }
0xf4: {  	v2 =	vld [tilespmem:s28+$0xFFFFFF80]  }
0xf5: {  	v0 =	vadd.f32 v3, v0  }
0xf6: {  	v3 =	vld [tilespmem:s28+$0xFFFFFFC0]  }
0xf7: {  	v0 =	vadd.f32 v1, v0  }
0xf8: {  	v1 =	vld [tilespmem:s28+$0x0]  }
0xf9: {  	v0 =	vadd.f32 v2, v0  }
0xfa: {  	v2 =	vld [tilespmem:s28+$0x40]  }
0xfb: {  	v0 =	vadd.f32 v3, v0  }
0xfc: {  	v3 =	vld [tilespmem:s28+$0x80]  }
0xfd: {  	v0 =	vadd.f32 v1, v0  }
0xfe: {  	v1 =	vld [tilespmem:s28+$0xC0]  }
0xff: {  	v0 =	vadd.f32 v2, v0  }
0x100: {  	v2 =	vld [tilespmem:s28+$0x100]  }
0x101: {  	v0 =	vadd.f32 v3, v0  }
0x102: {  	v3 =	vld [tilespmem:s28+$0x140]  }
0x103: {  	v0 =	vadd.f32 v1, v0  }
0x104: {  	v1 =	vld [tilespmem:s28+$0x180]  }
0x105: {  	v0 =	vadd.f32 v2, v0  }
0x106: {  	v2 =	vld [tilespmem:s28+$0x1C0]  }
0x107: {  	v0 =	vadd.f32 v3, v0  }
0x108: {  	v3 =	vld [tilespmem:s28+$0x200]  }
0x109: {  	v0 =	vadd.f32 v1, v0  }
0x10a: {  	v1 =	vld [tilespmem:s28+$0x240]  }
0x10b: {  	v0 =	vadd.f32 v2, v0;
	_ =	sdelay $0x1  }
0x10c: {  	v0 =	vadd.f32 v3, v0;
	_ =	sdelay $0x1  }
0x10d: {  	v0 =	vadd.f32 v1, v0;
	_ =	sdelay $0x1  }
0x10e: {  	v0 =	vmul.f32 $5.000000070e-02, v0  }
0x10f: {  	s29 =	sshra.s32 s2, $0x2  }
0x110: {  	[tilespmem:s29+$0x16C00] =	vst v0  }
0x111: {  	v0 =	vld [tilespmem:s28+$0xFFFFFD90]  }
0x112: {  	v1 =	vld [tilespmem:s28+$0xFFFFFDD0];
	_ =	sdelay $0x1  }
0x113: {  	v2 =	vld [tilespmem:s28+$0xFFFFFE10];
	_ =	sdelay $0x1  }
0x114: {  	v3 =	vld [tilespmem:s28+$0xFFFFFE50]  }
0x115: {  	v0 =	vadd.f32 v1, v0  }
0x116: {  	v1 =	vld [tilespmem:s28+$0xFFFFFE90]  }
0x117: {  	v0 =	vadd.f32 v2, v0  }
0x118: {  	v2 =	vld [tilespmem:s28+$0xFFFFFED0]  }
0x119: {  	v0 =	vadd.f32 v3, v0  }
0x11a: {  	v3 =	vld [tilespmem:s28+$0xFFFFFF10]  }
0x11b: {  	v0 =	vadd.f32 v1, v0  }
0x11c: {  	v1 =	vld [tilespmem:s28+$0xFFFFFF50]  }
0x11d: {  	v0 =	vadd.f32 v2, v0  }
0x11e: {  	v2 =	vld [tilespmem:s28+$0xFFFFFF90]  }
0x11f: {  	v0 =	vadd.f32 v3, v0  }
0x120: {  	v3 =	vld [tilespmem:s28+$0xFFFFFFD0]  }
0x121: {  	v0 =	vadd.f32 v1, v0  }
0x122: {  	v1 =	vld [tilespmem:s28+$0x10]  }
0x123: {  	v0 =	vadd.f32 v2, v0  }
0x124: {  	v2 =	vld [tilespmem:s28+$0x50]  }
0x125: {  	v0 =	vadd.f32 v3, v0  }
0x126: {  	v3 =	vld [tilespmem:s28+$0x90]  }
0x127: {  	v0 =	vadd.f32 v1, v0  }
0x128: {  	v1 =	vld [tilespmem:s28+$0xD0]  }
0x129: {  	v0 =	vadd.f32 v2, v0  }
0x12a: {  	v2 =	vld [tilespmem:s28+$0x110]  }
0x12b: {  	v0 =	vadd.f32 v3, v0  }
0x12c: {  	v3 =	vld [tilespmem:s28+$0x150]  }
0x12d: {  	v0 =	vadd.f32 v1, v0  }
0x12e: {  	v1 =	vld [tilespmem:s28+$0x190]  }
0x12f: {  	v0 =	vadd.f32 v2, v0  }
0x130: {  	v2 =	vld [tilespmem:s28+$0x1D0]  }
0x131: {  	v0 =	vadd.f32 v3, v0  }
0x132: {  	v3 =	vld [tilespmem:s28+$0x210]  }
0x133: {  	v0 =	vadd.f32 v1, v0  }
0x134: {  	v1 =	vld [tilespmem:s28+$0x250]  }
0x135: {  	v0 =	vadd.f32 v2, v0;
	_ =	sdelay $0x1  }
0x136: {  	v0 =	vadd.f32 v3, v0;
	_ =	sdelay $0x1  }
0x137: {  	v0 =	vadd.f32 v1, v0;
	_ =	sdelay $0x1  }
0x138: {  	v0 =	vmul.f32 $5.000000070e-02, v0;
	_ =	sdelay $0x1  }
0x139: {  	[tilespmem:s29+$0x16C10] =	vst v0  }
0x13a: {  	v0 =	vld [tilespmem:s28+$0xFFFFFDA0]  }
0x13b: {  	v1 =	vld [tilespmem:s28+$0xFFFFFDE0];
	_ =	sdelay $0x1  }
0x13c: {  	v2 =	vld [tilespmem:s28+$0xFFFFFE20];
	_ =	sdelay $0x1  }
0x13d: {  	v3 =	vld [tilespmem:s28+$0xFFFFFE60]  }
0x13e: {  	v0 =	vadd.f32 v1, v0  }
0x13f: {  	v1 =	vld [tilespmem:s28+$0xFFFFFEA0]  }
0x140: {  	v0 =	vadd.f32 v2, v0  }
0x141: {  	v2 =	vld [tilespmem:s28+$0xFFFFFEE0]  }
0x142: {  	v0 =	vadd.f32 v3, v0  }
0x143: {  	v3 =	vld [tilespmem:s28+$0xFFFFFF20]  }
0x144: {  	v0 =	vadd.f32 v1, v0  }
0x145: {  	v1 =	vld [tilespmem:s28+$0xFFFFFF60]  }
0x146: {  	v0 =	vadd.f32 v2, v0  }
0x147: {  	v2 =	vld [tilespmem:s28+$0xFFFFFFA0]  }
0x148: {  	v0 =	vadd.f32 v3, v0  }
0x149: {  	v3 =	vld [tilespmem:s28+$0xFFFFFFE0]  }
0x14a: {  	v0 =	vadd.f32 v1, v0  }
0x14b: {  	v1 =	vld [tilespmem:s28+$0x20]  }
0x14c: {  	v0 =	vadd.f32 v2, v0  }
0x14d: {  	v2 =	vld [tilespmem:s28+$0x60]  }
0x14e: {  	v0 =	vadd.f32 v3, v0  }
0x14f: {  	v3 =	vld [tilespmem:s28+$0xA0]  }
0x150: {  	v0 =	vadd.f32 v1, v0  }
0x151: {  	v1 =	vld [tilespmem:s28+$0xE0]  }
0x152: {  	v0 =	vadd.f32 v2, v0  }
0x153: {  	v2 =	vld [tilespmem:s28+$0x120]  }
0x154: {  	v0 =	vadd.f32 v3, v0  }
0x155: {  	v3 =	vld [tilespmem:s28+$0x160]  }
0x156: {  	v0 =	vadd.f32 v1, v0  }
0x157: {  	v1 =	vld [tilespmem:s28+$0x1A0]  }
0x158: {  	v0 =	vadd.f32 v2, v0  }
0x159: {  	v2 =	vld [tilespmem:s28+$0x1E0]  }
0x15a: {  	v0 =	vadd.f32 v3, v0  }
0x15b: {  	v3 =	vld [tilespmem:s28+$0x220]  }
0x15c: {  	v0 =	vadd.f32 v1, v0  }
0x15d: {  	v1 =	vld [tilespmem:s28+$0x260]  }
0x15e: {  	v0 =	vadd.f32 v2, v0;
	_ =	sdelay $0x1  }
0x15f: {  	v0 =	vadd.f32 v3, v0;
	_ =	sdelay $0x1  }
0x160: {  	v0 =	vadd.f32 v1, v0;
	_ =	sdelay $0x1  }
0x161: {  	v0 =	vmul.f32 $5.000000070e-02, v0;
	_ =	sdelay $0x1  }
0x162: {  	[tilespmem:s29+$0x16C20] =	vst v0  }
0x163: {  	v0 =	vld [tilespmem:s28+$0xFFFFFDB0]  }
0x164: {  	v1 =	vld [tilespmem:s28+$0xFFFFFDF0]  }
0x165: {  	v2 =	vld [tilespmem:s28+$0xFFFFFE30]  }
0x166: {  	v3 =	vld [tilespmem:s28+$0xFFFFFE70]  }
0x167: {  	v4 =	vld [tilespmem:s28+$0xFFFFFEB0]  }
0x168: {  	v5 =	vld [tilespmem:s28+$0xFFFFFEF0]  }
0x169: {  	v0 =	vadd.f32 v1, v0;
	v1 =	vld [tilespmem:s28+$0xFFFFFF30]  }
0x16a: {  	v6 =	vld [tilespmem:s28+$0xFFFFFF70]  }
0x16b: {  	v0 =	vadd.f32 v2, v0;
	v2 =	vld [tilespmem:s28+$0xFFFFFFB0]  }
0x16c: {  	v7 =	vld [tilespmem:s28+$0xFFFFFFF0]  }
0x16d: {  	v0 =	vadd.f32 v3, v0;
	v3 =	vld [tilespmem:s28+$0x30]  }
0x16e: {  	v8 =	vld [tilespmem:s28+$0x70]  }
0x16f: {  	v0 =	vadd.f32 v4, v0;
	v4 =	vld [tilespmem:s28+$0xB0]  }
0x170: {  	v9 =	vld [tilespmem:s28+$0xF0]  }
0x171: {  	v0 =	vadd.f32 v5, v0;
	v5 =	vld [tilespmem:s28+$0x130]  }
0x172: {  	v10 =	vld [tilespmem:s28+$0x170]  }
0x173: {  	v0 =	vadd.f32 v1, v0;
	v1 =	vld [tilespmem:s28+$0x1B0]  }
0x174: {  	v11 =	vld [tilespmem:s28+$0x1F0]  }
0x175: {  	v6 =	vadd.f32 v6, v0;
	v12 =	vld [tilespmem:s28+$0x230]  }
0x176: {  	v0 =	vld [tilespmem:s28+$0x270]  }
0x177: {  	v2 =	vadd.f32 v2, v6;
	_ =	sdelay $0x1  }
0x178: {  	v2 =	vadd.f32 v7, v2;
	_ =	sdelay $0x1  }
0x179: {  	v2 =	vadd.f32 v3, v2;
	_ =	sdelay $0x1  }
0x17a: {  	v2 =	vadd.f32 v8, v2;
	_ =	sdelay $0x1  }
0x17b: {  	v2 =	vadd.f32 v4, v2;
	_ =	sdelay $0x1  }
0x17c: {  	v2 =	vadd.f32 v9, v2;
	_ =	sdelay $0x1  }
0x17d: {  	v2 =	vadd.f32 v5, v2;
	_ =	sdelay $0x1  }
0x17e: {  	v2 =	vadd.f32 v10, v2;
	_ =	sdelay $0x1  }
.Ltmp2:
0x17f: {  	v1 =	vadd.f32 v1, v2;
	(pc) =	sbr.rel @p0 .LBB2_3-.Ltmp2, $3  }
0x180: {  	_ = 	snop  }
0x181: {  	v1 =	vadd.f32 v11, v1;
	_ =	sdelay $0x1  }
0x182: {  	v1 =	vadd.f32 v12, v1  }
0x183: {  	_ = 	snop  }
0x184: {  	v0 =	vadd.f32 v0, v1;
	_ =	sdelay $0x1  }
0x185: {  	v0 =	vmul.f32 $5.000000070e-02, v0  }
0x186: {  	s1 =	sshll.u32 s26, $0x9;
	p0 =	seq.s32 s26, $0x7  }
0x187: {  	s28 =	sadd.s32 s1, s11;
	s1 =	smul.u32 @!p0 $0x1400, s26;
	[tilespmem:s29+$0x16C30] =	vst v0  }
0x188: {  	[hbm4b:s28+s3] =	stream.linear.scatter [tilespmem:s24], [sflag:$0x3], $0x800, $0x38;
	[tilespmem:$0x17400] =	vst v63  }
0x189: {  	_ =	swait.ge [sflag:s13], $0x800  }
0x18a: {  	s31 =	simm.s32 @!p0 $0xCC00;
	s1 =	sshra.s32 @!p0 s1, $0x2;
	[sflag:s13] =	ssyncset.done $0x0  }
0x18b: {  	s2 =	sadd.s32 @!p0 $0x900, s1;
	s29 =	simm.s32 @!p0 $0x80;
	[sflag:s13] =	ssyncadd.s32 $0xFFFFF800  }
0x18c: {  	[tilespmem:s31], [sflag:$0x2] =	stream.indirect.gather @!p0 [hbm4b:s0+s29], $0x40, s2, s29, $0xb8;
	[tilespmem:$0x17400] =	vst v63  }
0x18d: {  	s2 =	sadd.s32 @!p0 $0x980, s1;
	s31 =	simm.s32 @!p0 $0xEC00  }
0x18e: {  	[tilespmem:s31], [sflag:$0x2] =	stream.indirect.gather @!p0 [hbm4b:s0+s29], $0x40, s2, s29, $0xb8;
	[tilespmem:$0x17400] =	vst v63  }
0x18f: {  	s2 =	sadd.s32 @!p0 $0xA00, s1;
	s31 =	simm.s32 @!p0 $0x10C00  }
0x190: {  	[tilespmem:s31], [sflag:$0x2] =	stream.indirect.gather @!p0 [hbm4b:s0+s29], $0x40, s2, s29, $0xb8;
	[tilespmem:$0x17400] =	vst v63  }
0x191: {  	s2 =	sadd.s32 @!p0 $0xA80, s1;
	s31 =	simm.s32 @!p0 $0x12C00  }
0x192: {  	[tilespmem:s31], [sflag:$0x2] =	stream.indirect.gather @!p0 [hbm4b:s0+s29], $0x40, s2, s29, $0xb8;
	[tilespmem:$0x17400] =	vst v63  }
0x193: {  	s1 =	sadd.s32 @!p0 $0xB00, s1;
	s2 =	simm.s32 @!p0 $0x14C00  }
0x194: {  	[tilespmem:s2], [sflag:$0x2] =	stream.indirect.gather @!p0 [hbm4b:s0+s29], $0x40, s1, s29, $0xb8;
	[tilespmem:$0x17400] =	vst v63  }
0x195: {  	_ =	swait.ge [sflag:s30], $0xA000  }
0x196: {  	[sflag:s30] =	ssyncset.done $0x0  }
0x197: {  	s29 =	simm.s32 $0x2E80;
	[sflag:s30] =	ssyncadd.s32 $0xFFFF6000  }
0x198: {  	v0 =	vld [tilespmem:s29+$0xFFFFFDC0]  }
0x199: {  	v1 =	vld [tilespmem:s29+$0xFFFFFD80];
	_ =	sdelay $0x1  }
0x19a: {  	v2 =	vld [tilespmem:s29+$0xFFFFFE00];
	_ =	sdelay $0x1  }
0x19b: {  	v3 =	vld [tilespmem:s29+$0xFFFFFE40]  }
0x19c: {  	v0 =	vadd.f32 v0, v1  }
0x19d: {  	v1 =	vld [tilespmem:s29+$0xFFFFFE80]  }
0x19e: {  	v0 =	vadd.f32 v2, v0  }
0x19f: {  	v2 =	vld [tilespmem:s29+$0xFFFFFEC0]  }
0x1a0: {  	v0 =	vadd.f32 v3, v0  }
0x1a1: {  	v3 =	vld [tilespmem:s29+$0xFFFFFF00]  }
0x1a2: {  	v0 =	vadd.f32 v1, v0  }
0x1a3: {  	v1 =	vld [tilespmem:s29+$0xFFFFFF40]  }
0x1a4: {  	v0 =	vadd.f32 v2, v0  }
0x1a5: {  	v2 =	vld [tilespmem:s29+$0xFFFFFF80]  }
0x1a6: {  	v0 =	vadd.f32 v3, v0  }
0x1a7: {  	v3 =	vld [tilespmem:s29+$0xFFFFFFC0]  }
0x1a8: {  	v0 =	vadd.f32 v1, v0  }
0x1a9: {  	v1 =	vld [tilespmem:s29+$0x0]  }
0x1aa: {  	v0 =	vadd.f32 v2, v0  }
0x1ab: {  	v2 =	vld [tilespmem:s29+$0x40]  }
0x1ac: {  	v0 =	vadd.f32 v3, v0  }
0x1ad: {  	v3 =	vld [tilespmem:s29+$0x80]  }
0x1ae: {  	v0 =	vadd.f32 v1, v0  }
0x1af: {  	v1 =	vld [tilespmem:s29+$0xC0]  }
0x1b0: {  	v0 =	vadd.f32 v2, v0  }
0x1b1: {  	v2 =	vld [tilespmem:s29+$0x100]  }
0x1b2: {  	v0 =	vadd.f32 v3, v0  }
0x1b3: {  	v3 =	vld [tilespmem:s29+$0x140]  }
0x1b4: {  	v0 =	vadd.f32 v1, v0  }
0x1b5: {  	v1 =	vld [tilespmem:s29+$0x180]  }
0x1b6: {  	v0 =	vadd.f32 v2, v0  }
0x1b7: {  	v2 =	vld [tilespmem:s29+$0x1C0]  }
0x1b8: {  	v0 =	vadd.f32 v3, v0  }
0x1b9: {  	v3 =	vld [tilespmem:s29+$0x200]  }
0x1ba: {  	v0 =	vadd.f32 v1, v0  }
0x1bb: {  	v1 =	vld [tilespmem:s29+$0x240]  }
0x1bc: {  	v0 =	vadd.f32 v2, v0;
	_ =	sdelay $0x1  }
0x1bd: {  	v0 =	vadd.f32 v3, v0;
	_ =	sdelay $0x1  }
0x1be: {  	v0 =	vadd.f32 v1, v0;
	_ =	sdelay $0x1  }
0x1bf: {  	v0 =	vmul.f32 $5.000000070e-02, v0  }
0x1c0: {  	s31 =	simm.s32 $0x0  }
0x1c1: {  	[tilespmem:s31+$0x16C00] =	vst v0  }
0x1c2: {  	v0 =	vld [tilespmem:s29+$0xFFFFFD90]  }
0x1c3: {  	v1 =	vld [tilespmem:s29+$0xFFFFFDD0];
	_ =	sdelay $0x1  }
0x1c4: {  	v2 =	vld [tilespmem:s29+$0xFFFFFE10];
	_ =	sdelay $0x1  }
0x1c5: {  	v3 =	vld [tilespmem:s29+$0xFFFFFE50]  }
0x1c6: {  	v0 =	vadd.f32 v1, v0  }
0x1c7: {  	v1 =	vld [tilespmem:s29+$0xFFFFFE90]  }
0x1c8: {  	v0 =	vadd.f32 v2, v0  }
0x1c9: {  	v2 =	vld [tilespmem:s29+$0xFFFFFED0]  }
0x1ca: {  	v0 =	vadd.f32 v3, v0  }
0x1cb: {  	v3 =	vld [tilespmem:s29+$0xFFFFFF10]  }
0x1cc: {  	v0 =	vadd.f32 v1, v0  }
0x1cd: {  	v1 =	vld [tilespmem:s29+$0xFFFFFF50]  }
0x1ce: {  	v0 =	vadd.f32 v2, v0  }
0x1cf: {  	v2 =	vld [tilespmem:s29+$0xFFFFFF90]  }
0x1d0: {  	v0 =	vadd.f32 v3, v0  }
0x1d1: {  	v3 =	vld [tilespmem:s29+$0xFFFFFFD0]  }
0x1d2: {  	v0 =	vadd.f32 v1, v0  }
0x1d3: {  	v1 =	vld [tilespmem:s29+$0x10]  }
0x1d4: {  	v0 =	vadd.f32 v2, v0  }
0x1d5: {  	v2 =	vld [tilespmem:s29+$0x50]  }
0x1d6: {  	v0 =	vadd.f32 v3, v0  }
0x1d7: {  	v3 =	vld [tilespmem:s29+$0x90]  }
0x1d8: {  	v0 =	vadd.f32 v1, v0  }
0x1d9: {  	v1 =	vld [tilespmem:s29+$0xD0]  }
0x1da: {  	v0 =	vadd.f32 v2, v0  }
0x1db: {  	v2 =	vld [tilespmem:s29+$0x110]  }
0x1dc: {  	v0 =	vadd.f32 v3, v0  }
0x1dd: {  	v3 =	vld [tilespmem:s29+$0x150]  }
0x1de: {  	v0 =	vadd.f32 v1, v0  }
0x1df: {  	v1 =	vld [tilespmem:s29+$0x190]  }
0x1e0: {  	v0 =	vadd.f32 v2, v0  }
0x1e1: {  	v2 =	vld [tilespmem:s29+$0x1D0]  }
0x1e2: {  	v0 =	vadd.f32 v3, v0  }
0x1e3: {  	v3 =	vld [tilespmem:s29+$0x210]  }
0x1e4: {  	v0 =	vadd.f32 v1, v0  }
0x1e5: {  	v1 =	vld [tilespmem:s29+$0x250]  }
0x1e6: {  	v0 =	vadd.f32 v2, v0;
	_ =	sdelay $0x1  }
0x1e7: {  	v0 =	vadd.f32 v3, v0;
	_ =	sdelay $0x1  }
0x1e8: {  	v0 =	vadd.f32 v1, v0;
	_ =	sdelay $0x1  }
0x1e9: {  	v0 =	vmul.f32 $5.000000070e-02, v0;
	_ =	sdelay $0x1  }
0x1ea: {  	[tilespmem:s31+$0x16C10] =	vst v0  }
0x1eb: {  	v0 =	vld [tilespmem:s29+$0xFFFFFDA0]  }
0x1ec: {  	v1 =	vld [tilespmem:s29+$0xFFFFFDE0];
	_ =	sdelay $0x1  }
0x1ed: {  	v2 =	vld [tilespmem:s29+$0xFFFFFE20];
	_ =	sdelay $0x1  }
0x1ee: {  	v3 =	vld [tilespmem:s29+$0xFFFFFE60]  }
0x1ef: {  	v0 =	vadd.f32 v1, v0  }
0x1f0: {  	v1 =	vld [tilespmem:s29+$0xFFFFFEA0]  }
0x1f1: {  	v0 =	vadd.f32 v2, v0  }
0x1f2: {  	v2 =	vld [tilespmem:s29+$0xFFFFFEE0]  }
0x1f3: {  	v0 =	vadd.f32 v3, v0  }
0x1f4: {  	v3 =	vld [tilespmem:s29+$0xFFFFFF20]  }
0x1f5: {  	v0 =	vadd.f32 v1, v0  }
0x1f6: {  	v1 =	vld [tilespmem:s29+$0xFFFFFF60]  }
0x1f7: {  	v0 =	vadd.f32 v2, v0  }
0x1f8: {  	v2 =	vld [tilespmem:s29+$0xFFFFFFA0]  }
0x1f9: {  	v0 =	vadd.f32 v3, v0  }
0x1fa: {  	v3 =	vld [tilespmem:s29+$0xFFFFFFE0]  }
0x1fb: {  	v0 =	vadd.f32 v1, v0  }
0x1fc: {  	v1 =	vld [tilespmem:s29+$0x20]  }
0x1fd: {  	v0 =	vadd.f32 v2, v0  }
0x1fe: {  	v2 =	vld [tilespmem:s29+$0x60]  }
0x1ff: {  	v0 =	vadd.f32 v3, v0  }
0x200: {  	v3 =	vld [tilespmem:s29+$0xA0]  }
0x201: {  	v0 =	vadd.f32 v1, v0  }
0x202: {  	v1 =	vld [tilespmem:s29+$0xE0]  }
0x203: {  	v0 =	vadd.f32 v2, v0  }
0x204: {  	v2 =	vld [tilespmem:s29+$0x120]  }
0x205: {  	v0 =	vadd.f32 v3, v0  }
0x206: {  	v3 =	vld [tilespmem:s29+$0x160]  }
0x207: {  	v0 =	vadd.f32 v1, v0  }
0x208: {  	v1 =	vld [tilespmem:s29+$0x1A0]  }
0x209: {  	v0 =	vadd.f32 v2, v0  }
0x20a: {  	v2 =	vld [tilespmem:s29+$0x1E0]  }
0x20b: {  	v0 =	vadd.f32 v3, v0  }
0x20c: {  	v3 =	vld [tilespmem:s29+$0x220]  }
0x20d: {  	v0 =	vadd.f32 v1, v0  }
0x20e: {  	v1 =	vld [tilespmem:s29+$0x260]  }
0x20f: {  	v0 =	vadd.f32 v2, v0;
	_ =	sdelay $0x1  }
0x210: {  	v0 =	vadd.f32 v3, v0;
	_ =	sdelay $0x1  }
0x211: {  	v0 =	vadd.f32 v1, v0;
	_ =	sdelay $0x1  }
0x212: {  	v0 =	vmul.f32 $5.000000070e-02, v0;
	_ =	sdelay $0x1  }
0x213: {  	[tilespmem:s31+$0x16C20] =	vst v0  }
0x214: {  	v0 =	vld [tilespmem:s29+$0xFFFFFDB0]  }
0x215: {  	v1 =	vld [tilespmem:s29+$0xFFFFFDF0];
	_ =	sdelay $0x1  }
0x216: {  	v2 =	vld [tilespmem:s29+$0xFFFFFE30];
	_ =	sdelay $0x1  }
0x217: {  	v3 =	vld [tilespmem:s29+$0xFFFFFE70]  }
0x218: {  	v0 =	vadd.f32 v1, v0  }
0x219: {  	v1 =	vld [tilespmem:s29+$0xFFFFFEB0]  }
0x21a: {  	v0 =	vadd.f32 v2, v0  }
0x21b: {  	v2 =	vld [tilespmem:s29+$0xFFFFFEF0]  }
0x21c: {  	v0 =	vadd.f32 v3, v0  }
0x21d: {  	v3 =	vld [tilespmem:s29+$0xFFFFFF30]  }
0x21e: {  	v0 =	vadd.f32 v1, v0  }
0x21f: {  	v1 =	vld [tilespmem:s29+$0xFFFFFF70]  }
0x220: {  	v0 =	vadd.f32 v2, v0  }
0x221: {  	v2 =	vld [tilespmem:s29+$0xFFFFFFB0]  }
0x222: {  	v0 =	vadd.f32 v3, v0  }
0x223: {  	v3 =	vld [tilespmem:s29+$0xFFFFFFF0]  }
0x224: {  	v0 =	vadd.f32 v1, v0  }
0x225: {  	v1 =	vld [tilespmem:s29+$0x30]  }
0x226: {  	v0 =	vadd.f32 v2, v0  }
0x227: {  	v2 =	vld [tilespmem:s29+$0x70]  }
0x228: {  	v0 =	vadd.f32 v3, v0  }
0x229: {  	v3 =	vld [tilespmem:s29+$0xB0]  }
0x22a: {  	v0 =	vadd.f32 v1, v0  }
0x22b: {  	v1 =	vld [tilespmem:s29+$0xF0]  }
0x22c: {  	v0 =	vadd.f32 v2, v0  }
0x22d: {  	v2 =	vld [tilespmem:s29+$0x130]  }
0x22e: {  	v0 =	vadd.f32 v3, v0  }
0x22f: {  	v3 =	vld [tilespmem:s29+$0x170]  }
0x230: {  	v0 =	vadd.f32 v1, v0  }
0x231: {  	v1 =	vld [tilespmem:s29+$0x1B0]  }
0x232: {  	v0 =	vadd.f32 v2, v0  }
0x233: {  	v2 =	vld [tilespmem:s29+$0x1F0]  }
0x234: {  	v0 =	vadd.f32 v3, v0;
	_ =	sdelay $0x1  }
0x235: {  	v3 =	vld [tilespmem:s29+$0x230];
	v0 =	vadd.f32 v1, v0;
	_ =	sdelay $0x1  }
0x236: {  	v1 =	vadd.f32 v2, v0;
	v0 =	vld [tilespmem:s29+$0x270];
	_ =	sdelay $0x2  }
0x237: {  	s2 =	simm.s32 $0x100;
	v1 =	vadd.f32 v3, v1  }
.LBB2_5:
0x238: {  	p1 =	sne.s32 s2, $0x1F00  }
0x239: {  	s29 =	sadd.s32 $0x500, s29;
	s1 =	smov.u32 s2;
	s2 =	sadd.s32 $0x100, s2;
	v0 =	vadd.f32 v0, v1  }
0x23a: {  	_ = 	snop  }
0x23b: {  	v0 =	vmul.f32 $5.000000070e-02, v0;
	_ =	sdelay $0x1  }
0x23c: {  	[tilespmem:s31+$0x16C30] =	vst v0  }
0x23d: {  	v0 =	vld [tilespmem:s29+$0xFFFFFDC0]  }
0x23e: {  	v1 =	vld [tilespmem:s29+$0xFFFFFD80];
	_ =	sdelay $0x1  }
0x23f: {  	v2 =	vld [tilespmem:s29+$0xFFFFFE00];
	_ =	sdelay $0x1  }
0x240: {  	v3 =	vld [tilespmem:s29+$0xFFFFFE40]  }
0x241: {  	v0 =	vadd.f32 v0, v1  }
0x242: {  	v1 =	vld [tilespmem:s29+$0xFFFFFE80]  }
0x243: {  	v0 =	vadd.f32 v2, v0  }
0x244: {  	v2 =	vld [tilespmem:s29+$0xFFFFFEC0]  }
0x245: {  	v0 =	vadd.f32 v3, v0  }
0x246: {  	v3 =	vld [tilespmem:s29+$0xFFFFFF00]  }
0x247: {  	v0 =	vadd.f32 v1, v0  }
0x248: {  	v1 =	vld [tilespmem:s29+$0xFFFFFF40]  }
0x249: {  	v0 =	vadd.f32 v2, v0  }
0x24a: {  	v2 =	vld [tilespmem:s29+$0xFFFFFF80]  }
0x24b: {  	v0 =	vadd.f32 v3, v0  }
0x24c: {  	v3 =	vld [tilespmem:s29+$0xFFFFFFC0]  }
0x24d: {  	v0 =	vadd.f32 v1, v0  }
0x24e: {  	v1 =	vld [tilespmem:s29+$0x0]  }
0x24f: {  	v0 =	vadd.f32 v2, v0  }
0x250: {  	v2 =	vld [tilespmem:s29+$0x40]  }
0x251: {  	v0 =	vadd.f32 v3, v0  }
0x252: {  	v3 =	vld [tilespmem:s29+$0x80]  }
0x253: {  	v0 =	vadd.f32 v1, v0  }
0x254: {  	v1 =	vld [tilespmem:s29+$0xC0]  }
0x255: {  	v0 =	vadd.f32 v2, v0  }
0x256: {  	v2 =	vld [tilespmem:s29+$0x100]  }
0x257: {  	v0 =	vadd.f32 v3, v0  }
0x258: {  	v3 =	vld [tilespmem:s29+$0x140]  }
0x259: {  	v0 =	vadd.f32 v1, v0  }
0x25a: {  	v1 =	vld [tilespmem:s29+$0x180]  }
0x25b: {  	v0 =	vadd.f32 v2, v0  }
0x25c: {  	v2 =	vld [tilespmem:s29+$0x1C0]  }
0x25d: {  	v0 =	vadd.f32 v3, v0  }
0x25e: {  	v3 =	vld [tilespmem:s29+$0x200]  }
0x25f: {  	v0 =	vadd.f32 v1, v0  }
0x260: {  	v1 =	vld [tilespmem:s29+$0x240]  }
0x261: {  	v0 =	vadd.f32 v2, v0;
	_ =	sdelay $0x1  }
0x262: {  	v0 =	vadd.f32 v3, v0;
	_ =	sdelay $0x1  }
0x263: {  	v0 =	vadd.f32 v1, v0;
	_ =	sdelay $0x1  }
0x264: {  	v0 =	vmul.f32 $5.000000070e-02, v0  }
0x265: {  	s31 =	sshra.s32 s1, $0x2  }
0x266: {  	[tilespmem:s31+$0x16C00] =	vst v0  }
0x267: {  	v0 =	vld [tilespmem:s29+$0xFFFFFD90]  }
0x268: {  	v1 =	vld [tilespmem:s29+$0xFFFFFDD0];
	_ =	sdelay $0x1  }
0x269: {  	v2 =	vld [tilespmem:s29+$0xFFFFFE10];
	_ =	sdelay $0x1  }
0x26a: {  	v3 =	vld [tilespmem:s29+$0xFFFFFE50]  }
0x26b: {  	v0 =	vadd.f32 v1, v0  }
0x26c: {  	v1 =	vld [tilespmem:s29+$0xFFFFFE90]  }
0x26d: {  	v0 =	vadd.f32 v2, v0  }
0x26e: {  	v2 =	vld [tilespmem:s29+$0xFFFFFED0]  }
0x26f: {  	v0 =	vadd.f32 v3, v0  }
0x270: {  	v3 =	vld [tilespmem:s29+$0xFFFFFF10]  }
0x271: {  	v0 =	vadd.f32 v1, v0  }
0x272: {  	v1 =	vld [tilespmem:s29+$0xFFFFFF50]  }
0x273: {  	v0 =	vadd.f32 v2, v0  }
0x274: {  	v2 =	vld [tilespmem:s29+$0xFFFFFF90]  }
0x275: {  	v0 =	vadd.f32 v3, v0  }
0x276: {  	v3 =	vld [tilespmem:s29+$0xFFFFFFD0]  }
0x277: {  	v0 =	vadd.f32 v1, v0  }
0x278: {  	v1 =	vld [tilespmem:s29+$0x10]  }
0x279: {  	v0 =	vadd.f32 v2, v0  }
0x27a: {  	v2 =	vld [tilespmem:s29+$0x50]  }
0x27b: {  	v0 =	vadd.f32 v3, v0  }
0x27c: {  	v3 =	vld [tilespmem:s29+$0x90]  }
0x27d: {  	v0 =	vadd.f32 v1, v0  }
0x27e: {  	v1 =	vld [tilespmem:s29+$0xD0]  }
0x27f: {  	v0 =	vadd.f32 v2, v0  }
0x280: {  	v2 =	vld [tilespmem:s29+$0x110]  }
0x281: {  	v0 =	vadd.f32 v3, v0  }
0x282: {  	v3 =	vld [tilespmem:s29+$0x150]  }
0x283: {  	v0 =	vadd.f32 v1, v0  }
0x284: {  	v1 =	vld [tilespmem:s29+$0x190]  }
0x285: {  	v0 =	vadd.f32 v2, v0  }
0x286: {  	v2 =	vld [tilespmem:s29+$0x1D0]  }
0x287: {  	v0 =	vadd.f32 v3, v0  }
0x288: {  	v3 =	vld [tilespmem:s29+$0x210]  }
0x289: {  	v0 =	vadd.f32 v1, v0  }
0x28a: {  	v1 =	vld [tilespmem:s29+$0x250]  }
0x28b: {  	v0 =	vadd.f32 v2, v0;
	_ =	sdelay $0x1  }
0x28c: {  	v0 =	vadd.f32 v3, v0;
	_ =	sdelay $0x1  }
0x28d: {  	v0 =	vadd.f32 v1, v0;
	_ =	sdelay $0x1  }
0x28e: {  	v0 =	vmul.f32 $5.000000070e-02, v0;
	_ =	sdelay $0x1  }
0x28f: {  	[tilespmem:s31+$0x16C10] =	vst v0  }
0x290: {  	v0 =	vld [tilespmem:s29+$0xFFFFFDA0]  }
0x291: {  	v1 =	vld [tilespmem:s29+$0xFFFFFDE0];
	_ =	sdelay $0x1  }
0x292: {  	v2 =	vld [tilespmem:s29+$0xFFFFFE20];
	_ =	sdelay $0x1  }
0x293: {  	v3 =	vld [tilespmem:s29+$0xFFFFFE60]  }
0x294: {  	v0 =	vadd.f32 v1, v0  }
0x295: {  	v1 =	vld [tilespmem:s29+$0xFFFFFEA0]  }
0x296: {  	v0 =	vadd.f32 v2, v0  }
0x297: {  	v2 =	vld [tilespmem:s29+$0xFFFFFEE0]  }
0x298: {  	v0 =	vadd.f32 v3, v0  }
0x299: {  	v3 =	vld [tilespmem:s29+$0xFFFFFF20]  }
0x29a: {  	v0 =	vadd.f32 v1, v0  }
0x29b: {  	v1 =	vld [tilespmem:s29+$0xFFFFFF60]  }
0x29c: {  	v0 =	vadd.f32 v2, v0  }
0x29d: {  	v2 =	vld [tilespmem:s29+$0xFFFFFFA0]  }
0x29e: {  	v0 =	vadd.f32 v3, v0  }
0x29f: {  	v3 =	vld [tilespmem:s29+$0xFFFFFFE0]  }
0x2a0: {  	v0 =	vadd.f32 v1, v0  }
0x2a1: {  	v1 =	vld [tilespmem:s29+$0x20]  }
0x2a2: {  	v0 =	vadd.f32 v2, v0  }
0x2a3: {  	v2 =	vld [tilespmem:s29+$0x60]  }
0x2a4: {  	v0 =	vadd.f32 v3, v0  }
0x2a5: {  	v3 =	vld [tilespmem:s29+$0xA0]  }
0x2a6: {  	v0 =	vadd.f32 v1, v0  }
0x2a7: {  	v1 =	vld [tilespmem:s29+$0xE0]  }
0x2a8: {  	v0 =	vadd.f32 v2, v0  }
0x2a9: {  	v2 =	vld [tilespmem:s29+$0x120]  }
0x2aa: {  	v0 =	vadd.f32 v3, v0  }
0x2ab: {  	v3 =	vld [tilespmem:s29+$0x160]  }
0x2ac: {  	v0 =	vadd.f32 v1, v0  }
0x2ad: {  	v1 =	vld [tilespmem:s29+$0x1A0]  }
0x2ae: {  	v0 =	vadd.f32 v2, v0  }
0x2af: {  	v2 =	vld [tilespmem:s29+$0x1E0]  }
0x2b0: {  	v0 =	vadd.f32 v3, v0  }
0x2b1: {  	v3 =	vld [tilespmem:s29+$0x220]  }
0x2b2: {  	v0 =	vadd.f32 v1, v0  }
0x2b3: {  	v1 =	vld [tilespmem:s29+$0x260]  }
0x2b4: {  	v0 =	vadd.f32 v2, v0;
	_ =	sdelay $0x1  }
0x2b5: {  	v0 =	vadd.f32 v3, v0;
	_ =	sdelay $0x1  }
0x2b6: {  	v0 =	vadd.f32 v1, v0;
	_ =	sdelay $0x1  }
0x2b7: {  	v0 =	vmul.f32 $5.000000070e-02, v0;
	_ =	sdelay $0x1  }
0x2b8: {  	[tilespmem:s31+$0x16C20] =	vst v0  }
0x2b9: {  	v0 =	vld [tilespmem:s29+$0xFFFFFDB0]  }
0x2ba: {  	v1 =	vld [tilespmem:s29+$0xFFFFFDF0]  }
0x2bb: {  	v2 =	vld [tilespmem:s29+$0xFFFFFE30]  }
0x2bc: {  	v3 =	vld [tilespmem:s29+$0xFFFFFE70]  }
0x2bd: {  	v4 =	vld [tilespmem:s29+$0xFFFFFEB0]  }
0x2be: {  	v5 =	vld [tilespmem:s29+$0xFFFFFEF0]  }
0x2bf: {  	v0 =	vadd.f32 v1, v0;
	v1 =	vld [tilespmem:s29+$0xFFFFFF30]  }
0x2c0: {  	v6 =	vld [tilespmem:s29+$0xFFFFFF70]  }
0x2c1: {  	v0 =	vadd.f32 v2, v0;
	v2 =	vld [tilespmem:s29+$0xFFFFFFB0]  }
0x2c2: {  	v7 =	vld [tilespmem:s29+$0xFFFFFFF0]  }
0x2c3: {  	v0 =	vadd.f32 v3, v0;
	v3 =	vld [tilespmem:s29+$0x30]  }
0x2c4: {  	v8 =	vld [tilespmem:s29+$0x70]  }
0x2c5: {  	v0 =	vadd.f32 v4, v0;
	v4 =	vld [tilespmem:s29+$0xB0]  }
0x2c6: {  	v9 =	vld [tilespmem:s29+$0xF0]  }
0x2c7: {  	v0 =	vadd.f32 v5, v0;
	v5 =	vld [tilespmem:s29+$0x130]  }
0x2c8: {  	v10 =	vld [tilespmem:s29+$0x170]  }
0x2c9: {  	v0 =	vadd.f32 v1, v0;
	v1 =	vld [tilespmem:s29+$0x1B0]  }
0x2ca: {  	v11 =	vld [tilespmem:s29+$0x1F0]  }
0x2cb: {  	v6 =	vadd.f32 v6, v0;
	v12 =	vld [tilespmem:s29+$0x230]  }
0x2cc: {  	v0 =	vld [tilespmem:s29+$0x270]  }
0x2cd: {  	v2 =	vadd.f32 v2, v6;
	_ =	sdelay $0x1  }
0x2ce: {  	v2 =	vadd.f32 v7, v2;
	_ =	sdelay $0x1  }
0x2cf: {  	v2 =	vadd.f32 v3, v2;
	_ =	sdelay $0x1  }
0x2d0: {  	v2 =	vadd.f32 v8, v2;
	_ =	sdelay $0x1  }
0x2d1: {  	v2 =	vadd.f32 v4, v2;
	_ =	sdelay $0x1  }
0x2d2: {  	v2 =	vadd.f32 v9, v2;
	_ =	sdelay $0x1  }
0x2d3: {  	v2 =	vadd.f32 v5, v2;
	_ =	sdelay $0x1  }
0x2d4: {  	v2 =	vadd.f32 v10, v2;
	_ =	sdelay $0x1  }
.Ltmp3:
0x2d5: {  	v1 =	vadd.f32 v1, v2;
	(pc) =	sbr.rel @p1 .LBB2_5-.Ltmp3, $3  }
0x2d6: {  	_ = 	snop  }
0x2d7: {  	v1 =	vadd.f32 v11, v1;
	_ =	sdelay $0x1  }
0x2d8: {  	v1 =	vadd.f32 v12, v1  }
0x2d9: {  	_ = 	snop  }
0x2da: {  	v0 =	vadd.f32 v0, v1;
	_ =	sdelay $0x1  }
0x2db: {  	v0 =	vmul.f32 $5.000000070e-02, v0;
	_ =	sdelay $0x1  }
.Ltmp4:
0x2dc: {  	s1 =	sadd.s32 $0x100, s28;
	[tilespmem:s31+$0x16C30] =	vst v0;
	(pc) =	sbr.rel @p0 .LBB2_8-.Ltmp4, $4  }
0x2dd: {  	[hbm4b:s1+s3] =	stream.linear.scatter [tilespmem:s24], [sflag:$0x3], $0x800, $0x38;
	[tilespmem:$0x17400] =	vst v63  }
0x2de: {  	_ =	swait.ge [sflag:s13], $0x800  }
0x2df: {  	[sflag:s13] =	ssyncset.done $0x0  }
0x2e0: {  	[sflag:s13] =	ssyncadd.s32 $0xFFFFF800  }
0x2e1: {  	s1 =	smul.u32 $0x1400, s26;
	_ =	sdelay $0x1  }
0x2e2: {  	s1 =	sshra.s32 s1, $0x2  }
0x2e3: {  	s2 =	sadd.s32 $0xB80, s1  }
0x2e4: {  	[tilespmem:s16], [sflag:$0x1] =	stream.indirect.gather [hbm4b:s0+s15], $0x40, s2, s15, $0xb8;
	[tilespmem:$0x17400] =	vst v63  }
0x2e5: {  	s28 =	sadd.s32 $0xC00, s1  }
0x2e6: {  	[tilespmem:s17], [sflag:$0x1] =	stream.indirect.gather [hbm4b:s0+s15], $0x40, s28, s15, $0xb8;
	[tilespmem:$0x17400] =	vst v63  }
0x2e7: {  	s29 =	sadd.s32 $0xC80, s1  }
0x2e8: {  	[tilespmem:s18], [sflag:$0x1] =	stream.indirect.gather [hbm4b:s0+s15], $0x40, s29, s15, $0xb8;
	[tilespmem:$0x17400] =	vst v63  }
.Ltmp5:
0x2e9: {  	_ = 	snop;
	(pc) =	sbr.rel .LBB2_2-.Ltmp5, $4  }
0x2ea: {  	s31 =	sadd.s32 $0xD00, s1  }
0x2eb: {  	[tilespmem:s19], [sflag:$0x1] =	stream.indirect.gather [hbm4b:s0+s15], $0x40, s31, s15, $0xb8;
	[tilespmem:$0x17400] =	vst v63  }
0x2ec: {  	s26 =	sadd.s32 $0x1, s26;
	s1 =	sadd.s32 $0xD80, s1  }
0x2ed: {  	[tilespmem:s22], [sflag:$0x1] =	stream.indirect.gather [hbm4b:s0+s15], $0x40, s1, s15, $0xb8;
	[tilespmem:$0x17400] =	vst v63  }
.LBB2_9:
0x2ee: {  	_ =	sfence.sel $0x180000  }
0x2ef: {  	[bflag:$0x0] =	sbarrier.arrive $0xFFFF  }
0x2f0: {  	_ =	strace $0x90000047  }
0x2f1: {  	s0 =	stileid.u32;
	[bflag:$0x2] =	sbarrier.arrive $0xFFFF  }
0x2f2: {  	p0 =	sne.s32 s0, $0x0;
	s0 =	rddreg [dreg:$0x5]  }
0x2f3: {  	s0 =	sadd.s32 @!p0 $0x100000, s0  }
0x2f4: {  	[sflag:s0] =	ssyncadd.tile.s32 @!p0 $0x1;
	_ =	shalt  }
.Lfunc_end2:
_tile_overlayer_lowered:
.L_overlay_start_2:
0x2f5: {  	(tag) =	ssettag $0x2  }
0x2f6: {  	s0 =	rddreg [dreg:$0x0];
	s2 =	stileid.u32  }
0x2f7: {  	s1 =	rddreg [dreg:$0x1];
	p0 =	sne.s32 s2, $0x0  }
0x2f8: {  	s3 =	rddreg [dreg:$0x2];
	[bflag:$0x3] =	sbarrier.arrive $0xFFFF;
	s2 =	simm.s32 @!p0 $0x1C03  }
0x2f9: {  	[timem:s3], [sflag:s2] =	dma.local @!p0 [hbm:s0], s1  }
0x2fa: {  	s0 =	simm.s32 @!p0 $0x3  }
0x2fb: {  	_ =	swait.ge @!p0 [sflag:s0], s1  }
0x2fc: {  	s1 =	ssub.s32 @!p0 $0x0, s1;
	[sflag:s0] =	ssyncset.done @!p0 $0x0  }
0x2fd: {  	[sflag:s0] =	ssyncadd.s32 @!p0 s1  }
0x2fe: {  	[bflag:$0x3] =	sbarrier.arrive $0xFFFF  }
0x2ff: {  	_ =	shalt  }

// kernel: kernel.8.cloned.1.call-start
scs
__scs_entry_jumppad:
0x0: {  	(pc) =	sbr.rel $0x88, $3  }
0x1: {  	(tag) =	ssettag $0x0;
	lr =	simm.s32 $0x1  }
0x2: {  	[smem:$0x3F9C] =	sst lr;
	_ =	strace $0xD0000000  }
0x3: {  	_ = 	snop  }
0x4: {  	_ = 	snop  }
0x5: {  	_ = 	snop  }
0x6: {  	_ = 	snop  }
0x7: {  	_ = 	snop  }
__scs_overlays_trampoline_lowered:
0x8: {  	[smem:$0x3FAB] =	sst s0  }
0x9: {  	[smem:$0x3FAC] =	sst s1  }
0xa: {  	[smem:$0x3FAD] =	sst s2  }
0xb: {  	[smem:$0x3FAE] =	sst s3  }
0xc: {  	[smem:$0x3FAF] =	sst s4  }
0xd: {  	[smem:$0x3FB0] =	sst s5  }
0xe: {  	[smem:$0x3FB1] =	sst s6  }
0xf: {  	[smem:$0x3FB2] =	sst s7  }
0x10: {  	[smem:$0x3FB3] =	sst s8  }
0x11: {  	[smem:$0x3FB4] =	sst s9;
	s0 =	simm.s32 @!p0 $0x0  }
0x12: {  	s1 =	sld [smem:$0x3F9A];
	s0 =	simm.s32 @p0 $0x1  }
0x13: {  	[smem:$0x3FB5] =	sst s0;
	s0 =	simm.s32 @!p1 $0x0  }
0x14: {  	s2 =	sld [smem:$0x3F99];
	s0 =	simm.s32 @p1 $0x1  }
0x15: {  	[smem:$0x3FB6] =	sst s0;
	s0 =	simm.s32 @!p2 $0x0  }
0x16: {  	s3 =	sld [smem:$0x3FDB];
	s0 =	simm.s32 @p2 $0x1  }
0x17: {  	s4 =	simm.s32 $0x1BF5;
	[smem:$0x3FB8] =	sst s0  }
0x18: {  	s0 =	sld [smem:$0x3F9B];
	_ =	swait.ge [sflag:s4], $0x0  }
0x19: {  	s7 =	sld [smem:$0x3F9C]  }
0x1a: {  	s8 =	sadd.s32 $0xFFFFE003, lr  }
0x1b: {  	s9 =	sadd.s32 $0xFFFFFEF7, lr;
	s5 =	simm.s32 $0xFFFFFFFF;
	p2 =	slt.u32 s8, $0xFFFFF086  }
0x1c: {  	p1 =	slt.u32 s9, $0xF7A;
	s5 =	simm.s32 @!p2 $0x0  }
0x1d: {  	s5 =	simm.s32 @p1 $0x1;
	p0 =	seq.s32 s7, s2  }
0x1e: {  	s7 =	smul.u32 @!p0 $0xF7A, s2;
	p2 =	seq.s32 @!p0 s5, $0x0  }
0x1f: {  	s9 =	smul.u32 $0xF7A, s1;
	s8 =	simm.s32 @!p0 $0x1BF5;
	p2 =	por !p2, p0  }
0x20: {  	[sflag:s8] =	ssyncset.s32 @!p0 $0xFFFFF086;
	s6 =	sadd.s32 @!p0 s3, s7;
	s7 =	simm.s32 @!p0 $0x108  }
0x21: {  	s3 =	sadd.s32 s3, s9;
	s6 =	sadd.s32 @!p0 $0x88, s6;
	s7 =	simm.s32 @p2 $0x1082  }
0x22: {  	[simem:s7], [sflag:s8] =	dma.local @!p0 [hbm:s6], $0xF7A  }
0x23: {  	s9 =	sor.u32 $0xD0000000, s2;
	s6 =	simm.s32 $0x108;
	_ =	swait.ge @!p0 [sflag:s8], $0x0  }
0x24: {  	s3 =	sadd.s32 $0x88, s3;
	s6 =	simm.s32 @!p1 $0x1082;
	[sflag:s4] =	ssyncset.s32 $0xFFFFF086  }
0x25: {  	[simem:s6], [sflag:s4] =	dma.local [hbm:s3], $0xF7A  }
0x26: {  	[smem:$0x3F9C] =	sst s1;
	(tag) =	ssettag s2;
	_ =	strace s9  }
0x27: {  	s1 =	sld [smem:$0x3FAC]  }
0x28: {  	s2 =	sld [smem:$0x3FAD]  }
0x29: {  	s4 =	sld [smem:$0x3FAF]  }
0x2a: {  	p0 =	seq.s32 s5, $0x0;
	s5 =	sld [smem:$0x3FB0]  }
0x2b: {  	s6 =	sld [smem:$0x3FB1]  }
0x2c: {  	s7 =	sld [smem:$0x3FB2]  }
0x2d: {  	s3 =	simm.s32 $0x108;
	s8 =	sld [smem:$0x3FB3]  }
0x2e: {  	s3 =	simm.s32 @!p0 $0x1082;
	s9 =	sld [smem:$0x3FB4]  }
0x2f: {  	lr =	sadd.s32 s0, s3;
	s0 =	sld [smem:$0x3FAB]  }
0x30: {  	s3 =	sld [smem:$0x3FAE]  }
0x31: {  	[smem:$0x3FB7] =	sst s10  }
0x32: {  	s10 =	sld [smem:$0x3FB5];
	_ =	sdelay $0x3  }
0x33: {  	p0 =	seq.s32 s10, $0x1;
	s10 =	sld [smem:$0x3FB7];
	_ =	sdelay $0x3  }
0x34: {  	[smem:$0x3FB7] =	sst s10  }
0x35: {  	s10 =	sld [smem:$0x3FB6];
	_ =	sdelay $0x3  }
0x36: {  	p1 =	seq.s32 s10, $0x1;
	s10 =	sld [smem:$0x3FB7];
	_ =	sdelay $0x3  }
0x37: {  	[smem:$0x3FB7] =	sst s10  }
0x38: {  	s10 =	sld [smem:$0x3FB8]  }
0x39: {  	_ = 	snop;
	(pc) =	sbr.ind lr, $3  }
0x3a: {  	_ = 	snop  }
0x3b: {  	_ = 	snop  }
0x3c: {  	p2 =	seq.s32 s10, $0x1;
	s10 =	sld [smem:$0x3FB7]  }
0x3d: {  	_ =	shalt  }
0x3e: {  	_ =	shalt  }
0x3f: {  	_ =	shalt  }
0x40: {  	_ =	shalt  }
0x41: {  	_ =	shalt  }
0x42: {  	_ =	shalt  }
0x43: {  	_ =	shalt  }
0x44: {  	_ =	shalt  }
0x45: {  	_ =	shalt  }
0x46: {  	_ =	shalt  }
0x47: {  	_ =	shalt  }
0x48: {  	_ =	shalt  }
0x49: {  	_ =	shalt  }
0x4a: {  	_ =	shalt  }
0x4b: {  	_ =	shalt  }
0x4c: {  	_ =	shalt  }
0x4d: {  	_ =	shalt  }
0x4e: {  	_ =	shalt  }
0x4f: {  	_ =	shalt  }
0x50: {  	_ =	shalt  }
0x51: {  	_ =	shalt  }
0x52: {  	_ =	shalt  }
0x53: {  	_ =	shalt  }
0x54: {  	_ =	shalt  }
0x55: {  	_ =	shalt  }
0x56: {  	_ =	shalt  }
0x57: {  	_ =	shalt  }
0x58: {  	_ =	shalt  }
0x59: {  	_ =	shalt  }
0x5a: {  	_ =	shalt  }
0x5b: {  	_ =	shalt  }
0x5c: {  	_ =	shalt  }
0x5d: {  	_ =	shalt  }
0x5e: {  	_ =	shalt  }
0x5f: {  	_ =	shalt  }
0x60: {  	_ =	shalt  }
0x61: {  	_ =	shalt  }
0x62: {  	_ =	shalt  }
0x63: {  	_ =	shalt  }
0x64: {  	_ =	shalt  }
0x65: {  	_ =	shalt  }
0x66: {  	_ =	shalt  }
0x67: {  	_ =	shalt  }
0x68: {  	_ =	shalt  }
0x69: {  	_ =	shalt  }
0x6a: {  	_ =	shalt  }
0x6b: {  	_ =	shalt  }
0x6c: {  	_ =	shalt  }
0x6d: {  	_ =	shalt  }
0x6e: {  	_ =	shalt  }
0x6f: {  	_ =	shalt  }
0x70: {  	_ =	shalt  }
0x71: {  	_ =	shalt  }
0x72: {  	_ =	shalt  }
0x73: {  	_ =	shalt  }
0x74: {  	_ =	shalt  }
0x75: {  	_ =	shalt  }
0x76: {  	_ =	shalt  }
0x77: {  	_ =	shalt  }
0x78: {  	_ =	shalt  }
0x79: {  	_ =	shalt  }
0x7a: {  	_ =	shalt  }
0x7b: {  	_ =	shalt  }
0x7c: {  	_ =	shalt  }
0x7d: {  	_ =	shalt  }
0x7e: {  	_ =	shalt  }
0x7f: {  	_ =	shalt  }
0x80: {  	_ =	shalt  }
0x81: {  	_ =	shalt  }
0x82: {  	_ =	shalt  }
0x83: {  	_ =	shalt  }
0x84: {  	_ =	shalt  }
0x85: {  	_ =	shalt  }
0x86: {  	_ =	shalt  }
0x87: {  	_ =	shalt  }
.Lfunc_end0:
.L_simem_size_0:
called_computation.2_lowered:
.L_overlay_start_0:
0x88: {  	s2 =	sld [smem:$0x3FD9]  }
0x89: {  	s3 =	sld [smem:$0x3FFE];
	_ =	sdelay $0x1  }
0x8a: {  	s1 =	srdreg.scid  }
0x8b: {  	s0 =	sand.u32 $0x1, s1  }
0x8c: {  	s15 =	sshll.u32 s0, $0xA;
	s2 =	sadd.s32 s3, s2  }
0x8d: {  	s2 =	sadd.s32 s2, s15  }
0x8e: {  	[smem:$0x3FC3] =	sst s2  }
0x8f: {  	_ = 	snop  }
0x90: {  	s2 =	sld [smem:$0x3FD0];
	_ =	sdelay $0x2  }
0x91: {  	s4 =	simm.s32 $0xA;
	s5 =	simm.s32 $0x10;
	s16 =	sld [smem:$0x3FC6]  }
0x92: {  	[smem:s5], [sflag:s4] =	dma.local [hbm:s2], $0x1  }
0x93: {  	_ =	swait.eq [sflag:s4], $0x1  }
0x94: {  	[sflag:s4] =	ssyncset.done $0x0  }
0x95: {  	s17 =	sld [smem:$0x11];
	[sflag:s4] =	ssyncadd.s32 $0xFFFFFFFF  }
0x96: {  	s18 =	sld [smem:$0x12];
	(tm) =	ssettm $0x1  }
0x97: {  	s19 =	sld [smem:$0x3FFB];
	_ =	sdelay $0x3  }
0x98: {  	_ =	strace s19  }
0x99: {  	s5 =	sld [smem:$0x3FFC];
	_ =	sdelay $0x3  }
0x9a: {  	_ =	strace s5  }
0x9b: {  	s5 =	sld [smem:$0x3FFD];
	_ =	sdelay $0x3  }
0x9c: {  	_ =	strace s5  }
0x9d: {  	_ =	strace $0x8FFFFFFF  }
0x9e: {  	s20 =	sld [smem:$0x3FDB];
	_ =	sdelay $0x1  }
0x9f: {  	s6 =	simm.s32 $_scs_section_size  }
0xa0: {  	s7 =	simm.s32 $_size__tile_overlayer_lowered;
	s8 =	simm.s32 $_tile_overlayer_lowered  }
0xa1: {  	s23 =	simm.s32 $0x1BFF;
	s22 =	sshll.u32 s8, $0x1;
	s5 =	sadd.s32 s6, s20  }
0xa2: {  	s9 =	simm.s32 $0x0;
	s21 =	sshll.u32 s7, $0x1;
	s7 =	sadd.s32 s22, s5  }
0xa3: {  	[timem:s9], [sflag:s23] =	dma.local [hbm:s7], s21  }
0xa4: {  	_ =	swait.ge [sflag:s23], s21  }
0xa5: {  	s6 =	ssub.s32 $0x0, s21;
	[sflag:s23] =	ssyncset.done $0x0  }
0xa6: {  	[sflag:s23] =	ssyncadd.s32 s6;
	_ =	sdelay $0x1  }
0xa7: {  	s24 =	simm.s32 $0x1B8B  }
0xa8: {  	_ =	swait.ge [sflag:s24], $0x1  }
0xa9: {  	[sflag:s24] =	ssyncset.done $0x0  }
0xaa: {  	s25 =	simm.s32 $0x1B8E;
	[sflag:s24] =	ssyncadd.s32 $0xFFFFFFFF  }
0xab: {  	s26 =	simm.s32 $execute0_lowered;
	[smem:$0x3FD2] =	sst s25  }
0xac: {  	s6 =	sshll.u32 s26, $0x1;
	_ =	strace $0x80000049;
	[dreg:$0x1] =	wrdreg $0xFFFFFFFF  }
0xad: {  	s28 =	simm.s32 $_size_execute0_lowered;
	s5 =	sadd.s32 s5, s6;
	[dreg:$0x0] =	wrdreg $0x0  }
0xae: {  	s6 =	sshll.u32 s28, $0x1;
	[dreg:$0x2] =	wrdreg s5  }
0xaf: {  	[dreg:$0x3] =	wrdreg s6  }
0xb0: {  	[dreg:$0x4] =	wrdreg $0xC0  }
0xb1: {  	_ =	task [dreg:s9], $0x5FFFF  }
0xb2: {  	[dreg:$0x1] =	wrdreg $0xFFFFFFFF  }
0xb3: {  	[dreg:$0x0] =	wrdreg $0x60  }
0xb4: {  	[dreg:$0x2] =	wrdreg s16  }
0xb5: {  	[dreg:$0x3] =	wrdreg s17  }
0xb6: {  	[dreg:$0x4] =	wrdreg s18  }
0xb7: {  	[dreg:$0x5] =	wrdreg $0x9  }
0xb8: {  	_ =	task.clear_ibuf [dreg:s9], $0x6FFFF;
	_ =	strace $0x90000049  }
0xb9: {  	s29 =	simm.s32 $0x9;
	_ =	strace $0x8000004B  }
0xba: {  	_ =	swait.ge [sflag:s29], $0x1  }
0xbb: {  	[sflag:s29] =	ssyncadd.s32 $0xFFFFFFFF  }
0xbc: {  	_ =	strace $0x9000004B  }
0xbd: {  	_ =	sfence  }
0xbe: {  	s30 =	sld [smem:$0x0];
	_ =	sdelay $0x2  }
0xbf: {  	s31 =	sshll.u32 s1, $0xD;
	s1 =	sshrl.u32 s1, $0x2  }
0xc0: {  	s3 =	sand.u32 $0x4000, s31;
	s1 =	sadd.s32 s1, s30  }
0xc1: {  	s0 =	sor.u32 s3, s0;
	s1 =	sshll.u32 s1, $0x11  }
0xc2: {  	s0 =	sor.u32 s1, s0  }
0xc3: {  	s0 =	sadd.s32 $0x8F2B, s0  }
0xc4: {  	[sflag:s0] =	ssyncadd.remote.s32 $0x1  }
0xc5: {  	_ =	sfence.sel $0xFFFF  }
0xc6: {  	[dreg:$0x0] =	wrdreg $0xFFFFFFFF;
	(pc) =	sbr.abs _section_cstart, $3  }
0xc7: {  	[dreg:$0x1] =	wrdreg $0xFFFFFFFF  }
0xc8: {  	_ =	task.clear_ibuf [dreg:s9], $0x2FFFF;
	_ =	strace $0x9FFFFFFF  }
0xc9: {  	(tm) =	ssettm $0x7FFFFFFF  }
tec
execute0_lowered:
.L_overlay_start_1:
0x0: {  	(tag) =	ssettag $0x1  }
0x1: {  	s4 =	rddreg [dreg:$0x0]  }
0x2: {  	s6 =	rddreg [dreg:$0x1]  }
0x3: {  	s2 =	rddreg [dreg:$0x2]  }
0x4: {  	s0 =	rddreg [dreg:$0x3]  }
0x5: {  	s3 =	simm.s32 $0x0;
	s1 =	stileid.u32;
	s5 =	srdreg.scid  }
0x6: {  	[smem:$0x7FF] =	sst s3;
	s7 =	sshll.u32 s1, $0x7;
	s12 =	sand.u32 $0x1, s5  }
0x7: {  	_ =	strace $0x8000004A;
	s5 =	sadd.s32 s4, s7;
	s4 =	simm.s32 $0x1  }
0x8: {  	[tilespmem:s3], [sflag:$0x1] =	stream.linear.gather [hbm4b:s5+s3], $0x400, $0x38;
	[tilespmem:$0x8400] =	vst v63  }
0x9: {  	s31 =	sshll.u32 s12, $0xC;
	_ =	swait.ge [sflag:s4], $0x400  }
0xa: {  	s8 =	sshll.u32 s1, $0xD;
	s6 =	sadd.s32 s6, s31;
	[sflag:s4] =	ssyncset.done $0x0  }
0xb: {  	s7 =	simm.s32 $0x400;
	s6 =	sadd.s32 s8, s6;
	[sflag:s4] =	ssyncadd.s32 $0xFFFFFC00  }
0xc: {  	[tilespmem:s7], [sflag:$0x1] =	stream.linear.gather [hbm4b:s6+s3], $0x8000, $0x38;
	[tilespmem:$0x8400] =	vst v63  }
0xd: {  	_ =	swait.ge [sflag:s4], $0x8000  }
0xe: {  	[sflag:s4] =	ssyncset.done $0x0  }
0xf: {  	s9 =	simm.s32 $0x80;
	s8 =	sshll.u32 s12, $0x9;
	[sflag:s4] =	ssyncadd.s32 $0xFFFF8000  }
0x10: {  	[hbm4b:s2+s9] =	stream.indirect.scatter [tilespmem:s7], [sflag:$0x1], $0x40, s8, s9, $0xb8;
	[tilespmem:$0x8400] =	vst v63  }
0x11: {  	_ =	swait.ge [sflag:s4], $0x2000  }
0x12: {  	s11 =	simm.s32 $0x2400;
	[sflag:s4] =	ssyncset.done $0x0  }
0x13: {  	s14 =	ssub.s32 $0x2, s12;
	s10 =	sor.u32 $0x80, s8;
	[sflag:s4] =	ssyncadd.s32 $0xFFFFE000  }
0x14: {  	[hbm4b:s2+s9] =	stream.indirect.scatter [tilespmem:s11], [sflag:$0x1], $0x40, s10, s9, $0xb8;
	[tilespmem:$0x8400] =	vst v63  }
0x15: {  	s15 =	sshrl.u32 s14, $0x1;
	_ =	swait.ge [sflag:s4], $0x2000  }
0x16: {  	s13 =	simm.s32 $0x4400;
	s15 =	ssub.s32 s14, s15;
	[sflag:s4] =	ssyncset.done $0x0  }
0x17: {  	s12 =	sor.u32 $0x100, s8;
	s16 =	smax.u32 s15, $0x1;
	[sflag:s4] =	ssyncadd.s32 $0xFFFFE000  }
0x18: {  	[hbm4b:s2+s9] =	stream.indirect.scatter [tilespmem:s13], [sflag:$0x1], $0x40, s12, s9, $0xb8;
	[tilespmem:$0x8400] =	vst v63  }
0x19: {  	p0 =	sne.s32 s16, $0x1;
	_ =	swait.ge [sflag:s4], $0x2000  }
.Ltmp0:
0x1a: {  	[sflag:s4] =	ssyncset.done $0x0;
	(pc) =	sbr.rel @!p0 .LBB2_2-.Ltmp0, $4  }
0x1b: {  	s14 =	sor.u32 $0x180, s8;
	s15 =	simm.s32 $0x6400;
	[sflag:s4] =	ssyncadd.s32 $0xFFFFE000  }
0x1c: {  	[hbm4b:s2+s9] =	stream.indirect.scatter [tilespmem:s15], [sflag:$0x1], $0x40, s14, s9, $0xb8;
	[tilespmem:$0x8400] =	vst v63  }
0x1d: {  	_ =	swait.ge [sflag:s4], $0x2000  }
0x1e: {  	s16 =	sadd.s32 $0xFFFFFFFF, s16;
	[sflag:s4] =	ssyncset.done $0x0  }
.LBB2_1:
0x1f: {  	p0 =	sne.s32 s16, $0x1;
	s16 =	sadd.s32 $0xFFFFFFFF, s16;
	[sflag:s4] =	ssyncadd.s32 $0xFFFFE000  }
0x20: {  	[tilespmem:s3], [sflag:$0x1] =	stream.linear.gather [hbm4b:s5+s3], $0x400, $0x38;
	[tilespmem:$0x8400] =	vst v63  }
0x21: {  	_ =	swait.ge [sflag:s4], $0x400  }
0x22: {  	[sflag:s4] =	ssyncset.done $0x0  }
0x23: {  	[sflag:s4] =	ssyncadd.s32 $0xFFFFFC00  }
0x24: {  	[tilespmem:s7], [sflag:$0x1] =	stream.linear.gather [hbm4b:s6+s3], $0x8000, $0x38;
	[tilespmem:$0x8400] =	vst v63  }
0x25: {  	_ =	swait.ge [sflag:s4], $0x8000  }
0x26: {  	[sflag:s4] =	ssyncset.done $0x0  }
0x27: {  	[sflag:s4] =	ssyncadd.s32 $0xFFFF8000  }
0x28: {  	[hbm4b:s2+s9] =	stream.indirect.scatter [tilespmem:s7], [sflag:$0x1], $0x40, s8, s9, $0xb8;
	[tilespmem:$0x8400] =	vst v63  }
0x29: {  	_ =	swait.ge [sflag:s4], $0x2000  }
0x2a: {  	[sflag:s4] =	ssyncset.done $0x0  }
0x2b: {  	[sflag:s4] =	ssyncadd.s32 $0xFFFFE000  }
0x2c: {  	[hbm4b:s2+s9] =	stream.indirect.scatter [tilespmem:s11], [sflag:$0x1], $0x40, s10, s9, $0xb8;
	[tilespmem:$0x8400] =	vst v63  }
0x2d: {  	_ =	swait.ge [sflag:s4], $0x2000  }
0x2e: {  	[sflag:s4] =	ssyncset.done $0x0  }
0x2f: {  	[sflag:s4] =	ssyncadd.s32 $0xFFFFE000  }
0x30: {  	[hbm4b:s2+s9] =	stream.indirect.scatter [tilespmem:s13], [sflag:$0x1], $0x40, s12, s9, $0xb8;
	[tilespmem:$0x8400] =	vst v63  }
0x31: {  	_ =	swait.ge [sflag:s4], $0x2000  }
.Ltmp1:
0x32: {  	[sflag:s4] =	ssyncset.done $0x0;
	(pc) =	sbr.rel @p0 .LBB2_1-.Ltmp1, $4  }
0x33: {  	[sflag:s4] =	ssyncadd.s32 $0xFFFFE000  }
0x34: {  	[hbm4b:s2+s9] =	stream.indirect.scatter [tilespmem:s15], [sflag:$0x1], $0x40, s14, s9, $0xb8;
	[tilespmem:$0x8400] =	vst v63  }
0x35: {  	_ =	swait.ge [sflag:s4], $0x2000  }
0x36: {  	[sflag:s4] =	ssyncset.done $0x0  }
.LBB2_2:
0x37: {  	[sflag:s4] =	ssyncadd.s32 $0xFFFFE000  }
0x38: {  	_ =	sfence.sel $0x180000  }
0x39: {  	[bflag:$0x0] =	sbarrier.arrive $0xFFFF  }
0x3a: {  	p0 =	sne.s32 s1, $0x0;
	_ =	strace $0x9000004A  }
0x3b: {  	s0 =	sadd.s32 @!p0 $0x100000, s0;
	[bflag:$0x2] =	sbarrier.arrive $0xFFFF  }
0x3c: {  	[sflag:s0] =	ssyncadd.tile.s32 @!p0 $0x1;
	_ =	shalt  }
.Lfunc_end2:
_tile_overlayer_lowered:
.L_overlay_start_2:
0x3d: {  	(tag) =	ssettag $0x2  }
0x3e: {  	s0 =	rddreg [dreg:$0x0];
	s2 =	stileid.u32  }
0x3f: {  	s1 =	rddreg [dreg:$0x1];
	p0 =	sne.s32 s2, $0x0  }
0x40: {  	s3 =	rddreg [dreg:$0x2];
	[bflag:$0x3] =	sbarrier.arrive $0xFFFF;
	s2 =	simm.s32 @!p0 $0x1C01  }
0x41: {  	[timem:s3], [sflag:s2] =	dma.local @!p0 [hbm:s0], s1  }
0x42: {  	s0 =	simm.s32 @!p0 $0x1  }
0x43: {  	_ =	swait.ge @!p0 [sflag:s0], s1  }
0x44: {  	s1 =	ssub.s32 @!p0 $0x0, s1;
	[sflag:s0] =	ssyncset.done @!p0 $0x0  }
0x45: {  	[sflag:s0] =	ssyncadd.s32 @!p0 s1  }
0x46: {  	[bflag:$0x3] =	sbarrier.arrive $0xFFFF  }
0x47: {  	_ =	shalt  }

// kernel: sparse-core-data-format-call.cloned.1.call-start
scs
called_computation_lowered:
.L_overlay_start_0:
0x0: {  	s2 =	sld [smem:$0x3FD9]  }
0x1: {  	s3 =	sld [smem:$0x3FFE];
	_ =	sdelay $0x1  }
0x2: {  	s1 =	srdreg.scid  }
0x3: {  	s0 =	sand.u32 $0x1, s1  }
0x4: {  	s15 =	sshll.u32 s0, $0xA;
	s2 =	sadd.s32 s3, s2  }
0x5: {  	s2 =	sadd.s32 s2, s15  }
0x6: {  	[smem:$0x3FC3] =	sst s2  }
0x7: {  	_ = 	snop  }
0x8: {  	s2 =	sld [smem:$0x3FD0];
	_ =	sdelay $0x2  }
0x9: {  	s16 =	simm.s32 $0xA;
	s4 =	simm.s32 $0x10  }
0xa: {  	[smem:s4], [sflag:s16] =	dma.local [hbm:s2], $0x1  }
0xb: {  	_ =	swait.eq [sflag:s16], $0x1  }
0xc: {  	[sflag:s16] =	ssyncset.done $0x0  }
0xd: {  	[sflag:s16] =	ssyncadd.s32 $0xFFFFFFFF  }
0xe: {  	s17 =	sld [smem:$0x12];
	(tm) =	ssettm $0x1  }
0xf: {  	s18 =	sld [smem:$0x3FFB];
	_ =	sdelay $0x3  }
0x10: {  	_ =	strace s18  }
0x11: {  	s3 =	sld [smem:$0x3FFC];
	_ =	sdelay $0x3  }
0x12: {  	_ =	strace s3  }
0x13: {  	s3 =	sld [smem:$0x3FFD];
	_ =	sdelay $0x3  }
0x14: {  	_ =	strace s3  }
0x15: {  	_ =	strace $0x8FFFFFFF  }
0x16: {  	s19 =	sld [smem:$0x3FDB];
	_ =	sdelay $0x1  }
0x17: {  	s20 =	simm.s32 $_scs_section_size  }
0x18: {  	s5 =	simm.s32 $_size__tile_overlayer_lowered;
	s6 =	simm.s32 $_tile_overlayer_lowered  }
0x19: {  	s23 =	simm.s32 $0x1BFF;
	s22 =	sshll.u32 s6, $0x1;
	s3 =	sadd.s32 s20, s19  }
0x1a: {  	s7 =	simm.s32 $0x0;
	s21 =	sshll.u32 s5, $0x1;
	s5 =	sadd.s32 s22, s3  }
0x1b: {  	[timem:s7], [sflag:s23] =	dma.local [hbm:s5], s21  }
0x1c: {  	_ =	swait.ge [sflag:s23], s21  }
0x1d: {  	s4 =	ssub.s32 $0x0, s21;
	[sflag:s23] =	ssyncset.done $0x0  }
0x1e: {  	[sflag:s23] =	ssyncadd.s32 s4;
	_ =	sdelay $0x1  }
0x1f: {  	s24 =	simm.s32 $0x1B8B  }
0x20: {  	_ =	swait.ge [sflag:s24], $0x1  }
0x21: {  	[sflag:s24] =	ssyncset.done $0x0  }
0x22: {  	s26 =	simm.s32 $0x1B8E;
	s25 =	sld [smem:$0x3FFE];
	[sflag:s24] =	ssyncadd.s32 $0xFFFFFFFF  }
0x23: {  	s27 =	simm.s32 $execute0_lowered;
	[smem:$0x3FD2] =	sst s26  }
0x24: {  	s5 =	sshll.u32 s27, $0x1;
	_ =	strace $0x8000004C;
	[dreg:$0x1] =	wrdreg $0xFFFFFFFF  }
0x25: {  	s28 =	simm.s32 $_size_execute0_lowered;
	s3 =	sadd.s32 s3, s5;
	[dreg:$0x0] =	wrdreg $0x0  }
0x26: {  	s5 =	sshll.u32 s28, $0x1;
	[dreg:$0x2] =	wrdreg s3  }
0x27: {  	[dreg:$0x3] =	wrdreg s5  }
0x28: {  	[dreg:$0x4] =	wrdreg $0xC0  }
0x29: {  	_ =	task [dreg:s7], $0x5FFFF  }
0x2a: {  	[dreg:$0x1] =	wrdreg $0xFFFFFFFF  }
0x2b: {  	[dreg:$0x0] =	wrdreg $0x60  }
0x2c: {  	[dreg:$0x2] =	wrdreg s25  }
0x2d: {  	[dreg:$0x3] =	wrdreg s17  }
0x2e: {  	[dreg:$0x4] =	wrdreg $0x9  }
0x2f: {  	_ =	task.clear_ibuf [dreg:s7], $0x5FFFF;
	_ =	strace $0x9000004C  }
0x30: {  	s29 =	simm.s32 $0x9;
	_ =	strace $0x8000004E  }
0x31: {  	_ =	swait.ge [sflag:s29], $0x1  }
0x32: {  	[sflag:s29] =	ssyncadd.s32 $0xFFFFFFFF  }
0x33: {  	_ =	strace $0x9000004E  }
0x34: {  	_ =	sfence  }
0x35: {  	s30 =	sld [smem:$0x0];
	_ =	sdelay $0x2  }
0x36: {  	s31 =	sshll.u32 s1, $0xD;
	s1 =	sshrl.u32 s1, $0x2  }
0x37: {  	s3 =	sand.u32 $0x4000, s31;
	s1 =	sadd.s32 s1, s30  }
0x38: {  	s0 =	sor.u32 s3, s0;
	s1 =	sshll.u32 s1, $0x11  }
0x39: {  	s0 =	sor.u32 s1, s0  }
0x3a: {  	s0 =	sadd.s32 $0x8F2B, s0  }
0x3b: {  	[sflag:s0] =	ssyncadd.remote.s32 $0x1  }
0x3c: {  	_ =	sfence.sel $0xFFFF  }
0x3d: {  	[dreg:$0x0] =	wrdreg $0xFFFFFFFF;
	(pc) =	sbr.abs _section_cstart, $3  }
0x3e: {  	[dreg:$0x1] =	wrdreg $0xFFFFFFFF  }
0x3f: {  	_ =	task.clear_ibuf [dreg:s7], $0x2FFFF;
	_ =	strace $0x9FFFFFFF  }
0x40: {  	(tm) =	ssettm $0x7FFFFFFF  }
0x41: {  	_ =	shalt  }
tec
execute0_lowered:
.L_overlay_start_1:
0x0: {  	(tag) =	ssettag $0x1  }
0x1: {  	s4 =	rddreg [dreg:$0x0]  }
0x2: {  	s0 =	srdreg.scid;
	s2 =	rddreg [dreg:$0x1]  }
0x3: {  	s1 =	stileid.u32;
	s5 =	simm.s32 $0x1;
	s0 =	sshll.u32 s0, $0x4  }
0x4: {  	s7 =	simm.s32 $0x2;
	s11 =	simm.s32 $0x0;
	s3 =	sand.u32 $0x10, s0  }
.Ltmp0:
0x5: {  	p0 =	por $0x0, $0x0;
	s3 =	sor.u32 s1, s3;
	(pc) =	sbr.rel .LBB1_1-.Ltmp0, $4  }
0x6: {  	s8 =	simm.s32 $0x7A1400;
	s10 =	simm.s32 $0x0;
	s3 =	sshll.u32 s3, $0x7  }
0x7: {  	s0 =	rddreg [dreg:$0x2];
	_ =	strace $0x8000004D;
	s6 =	ssub.s32 $0xF4200, s3  }
0x8: {  	s4 =	sadd.s32 $0x82000, s4;
	[sflag:s5] =	ssyncpa.u1 $0x0;
	s6 =	sshrl.u32 s6, $0xC  }
0x9: {  	[sflag:s7] =	ssyncpa.u1 $0x0;
	s9 =	smov.u32 s3;
	s7 =	sadd.s32 $0x2, s6  }
.LBB1_5:
0xa: {  	s13 =	sadd.s32 $0x1000, s9  }
0xb: {  	p2 =	sgt.s32 s13, $0xF423F  }
0xc: {  	s13 =	smov.u32 @p2 s3;
	p2 =	sne.s32 s10, s7  }
.Ltmp1:
0xd: {  	p1 =	slt.u32 s10, $0x2;
	(pc) =	sbr.rel @!p2 .LBB1_6-.Ltmp1, $4  }
0xe: {  	s12 =	simm.s32 @!p1 $0x2  }
0xf: {  	s14 =	sadd.s32 $0x1, s10;
	_ =	swait.ge @!p1 [sflag:s12], $0x2000  }
0x10: {  	s11 =	smov.u32 s9;
	p0 =	por !p0, !p0;
	[sflag:s12] =	ssyncset.done @!p1 $0x0  }
0x11: {  	s10 =	smov.u32 s14;
	s9 =	smov.u32 s13;
	[sflag:s12] =	ssyncadd.s32 @!p1 $0xFFFFE000  }
.LBB1_1:
0x12: {  	p1 =	sgt.u32 s10, s6  }
0x13: {  	s13 =	smov.u32 s9;
	p2 =	sgt.s32 @!p1 s9, $0xF41C0  }
0x14: {  	s12 =	sand.u32 @!p1 $0x1FFFFFF, s9;
	s14 =	sshra.s32 @!p1 s9, $0x1F;
	p2 =	por !p2, p1  }
0x15: {  	s15 =	smulhi.u32 @!p1 $0x218DEF5, s12;
	s14 =	sand.u32 @!p1 s14, s9;
	s13 =	simm.s32 @p2 $0xF41C0  }
0x16: {  	s13 =	ssub.s32 @!p1 s13, s14  }
0x17: {  	s14 =	sshrl.u32 @!p1 s15, $0xD;
	s13 =	sadd.s32 @!p1 $0xFFF0BE40, s13  }
0x18: {  	s15 =	sxor.u32 @!p1 $0xFFFFFFFF, s10;
	s14 =	smul.u32 @!p1 $0xF4240, s14;
	s16 =	sshll.u32 @!p1 s13, $0x8  }
0x19: {  	s15 =	sshll.u32 @!p1 s15, $0xD;
	p2 =	sgt.s32 @!p1 s13, $0x7F;
	s13 =	ssub.s32 @!p1 $0x8000, s16  }
0x1a: {  	s12 =	ssub.s32 @!p1 s12, s14;
	p2 =	por !p2, p1;
	s14 =	sand.u32 @!p1 $0x2000, s15  }
0x1b: {  	s15 =	simm.s32 @!p1 $0x40;
	s13 =	sshrl.u32 @!p1 s13, $0x2;
	s12 =	sshll.u32 @!p1 s12, $0x4  }
0x1c: {  	s16 =	simm.s32 @!p1 $0x80;
	s13 =	simm.s32 @!p2 $0x0;
	s12 =	sadd.s32 @!p1 s4, s12  }
0x1d: {  	[tilespmem:s14], [sflag:$0x1] =	stream.strided.gather @!p1 [hbm4b:s12+s15], s13, s16, s15, $0x38;
	[tilespmem:$0x8080] =	vst v63  }
0x1e: {  	p1 =	seq.s32 s10, $0x0  }
0x1f: {  	p2 =	sge.u32 @!p1 s10, s7  }
0x20: {  	p1 =	por p1, p2  }
.Ltmp2:
0x21: {  	_ = 	snop;
	(pc) =	sbr.rel @p1 .LBB1_5-.Ltmp2, $1  }
0x22: {  	_ =	sdelay $0x3  }
0x23: {  	p1 =	sgt.s32 s11, $0xF41C0;
	s12 =	smov.u32 s11;
	s13 =	sshra.s32 s11, $0x1F  }
0x24: {  	s12 =	simm.s32 @!p1 $0xF41C0;
	s13 =	sand.u32 s13, s11  }
0x25: {  	s12 =	ssub.s32 s12, s13  }
0x26: {  	s12 =	sadd.s32 $0xFFF0BE40, s12  }
0x27: {  	s28 =	sshll.u32 s12, $0x8  }
0x28: {  	s13 =	ssub.s32 $0x8000, s28  }
0x29: {  	p1 =	sgt.s32 s12, $0x7F;
	s12 =	sshrl.u32 s13, $0x2  }
0x2a: {  	s13 =	simm.s32 $0x1;
	s12 =	simm.s32 @p1 $0x0  }
0x2b: {  	s13 =	simm.s32 @!p0 $0x0;
	_ =	swait.ge [sflag:s5], s12  }
0x2c: {  	s14 =	sshll.u32 s13, $0xD;
	s12 =	ssub.s32 $0x0, s12;
	[sflag:s5] =	ssyncset.done $0x0  }
0x2d: {  	s16 =	sor.u32 $0x20, s14;
	[sflag:s5] =	ssyncadd.s32 s12  }
0x2e: {  	s29 =	smul.u32 $0x8100, s13;
	v3 =	vld [tilespmem:s16+$0x10]  }
0x2f: {  	s30 =	sand.u32 $0x1, s10;
	v2 =	vld [tilespmem:s16+$0xFFFFFFF0]  }
0x30: {  	s13 =	smul.u32 $0x8100, s30;
	s12 =	sshrl.u32 s29, $0x2;
	v0 =	vld [tilespmem:s16+$0x0]  }
0x31: {  	s14 =	sor.u32 $0x4000, s12;
	v1 =	vld [tilespmem:s16+$0xFFFFFFE0]  }
0x32: {  	s31 =	sshrl.u32 s13, $0x2;
	s13 =	sadd.s32 $0x0, s14  }
0x33: {  	s15 =	simm.s32 $0x4;
	s12 =	sor.u32 $0x4000, s31;
	s16 =	sadd.s32 $0x40, s16;
	[tilespmem:s13+$0x1830 ss:$0x81] =	vst.msk $0xffff, v3  }
.LBB1_3:
0x34: {  	v3 =	vld [tilespmem:s16+$0x10];
	p1 =	sne.s32 s15, $0x1FC;
	[tilespmem:s13+$0x810 ss:$0x81] =	vst.msk $0xffff, v2;
	s17 =	smov.u32 s15;
	s15 =	sadd.s32 $0x4, s15  }
.Ltmp3:
0x35: {  	v2 =	vld [tilespmem:s16+$0xFFFFFFF0];
	[tilespmem:s13+$0x1020 ss:$0x81] =	vst.msk $0xffff, v0;
	(pc) =	sbr.rel @p1 .LBB1_3-.Ltmp3, $4  }
0x36: {  	v0 =	vld [tilespmem:s16+$0x0];
	[tilespmem:s13+$0x0 ss:$0x81] =	vst.msk $0xffff, v1  }
0x37: {  	s13 =	sshra.s32 s17, $0x2;
	v1 =	vld [tilespmem:s16+$0xFFFFFFE0]  }
0x38: {  	s13 =	sadd.s32 s13, s14  }
0x39: {  	s16 =	sadd.s32 $0x40, s16;
	[tilespmem:s13+$0x1830 ss:$0x81] =	vst.msk $0xffff, v3  }
0x3a: {  	s14 =	sshll.u32 s11, $0x3  }
0x3b: {  	s30 =	sand.u32 $0x7F, s11;
	s14 =	sand.u32 $0xFFFFFC00, s14  }
0x3c: {  	s11 =	sor.u32 s30, s14  }
0x3d: {  	s15 =	smulhi.u32 $0x218D6287, s11;
	_ =	sdelay $0x1  }
0x3e: {  	s14 =	smulhi.u32 $0x218D6287, s14;
	s15 =	sshrl.u32 s15, $0x11  }
0x3f: {  	s15 =	smul.u32 $0xF4280, s15  }
0x40: {  	s14 =	sshrl.u32 s14, $0x11  }
.Ltmp4:
0x41: {  	s14 =	sand.u32 $0x3F, s14;
	s11 =	ssub.s32 s11, s15;
	(pc) =	sbr.rel .LBB1_5-.Ltmp4, $4  }
0x42: {  	[tilespmem:s13+$0x810 ss:$0x81] =	vst.msk $0xffff, v2;
	s14 =	smul.u32 $0x1E850, s14;
	s15 =	sshrl.u32 s11, $0x3;
	s11 =	sand.u32 $0x7, s11  }
0x43: {  	[tilespmem:s13+$0x1020 ss:$0x81] =	vst.msk $0xffff, v0;
	s15 =	sadd.s32 s2, s15;
	s11 =	sshll.u32 s11, $0x12  }
0x44: {  	[tilespmem:s13+$0x0 ss:$0x81] =	vst.msk $0xffff, v1;
	s31 =	sadd.s32 s14, s15;
	s11 =	sor.u32 $0x400, s11  }
0x45: {  	[hbm4b:s31+s11] =	stream.strided.scatter [tilespmem:s12], [sflag:$0x2], $0x2000, s8, s11, $0x20;
	[tilespmem:$0x8080] =	vst v63  }
.LBB1_6:
0x46: {  	_ =	sfence.sel $0x180000  }
0x47: {  	s2 =	simm.s32 $0x1;
	[bflag:$0x0] =	sbarrier.arrive $0xFFFF  }
0x48: {  	s31 =	simm.s32 $0x2;
	[sflag:s2] =	ssyncpa.u1 $0x1  }
0x49: {  	[sflag:s31] =	ssyncpa.u1 $0x1  }
0x4a: {  	p0 =	sne.s32 s1, $0x0;
	_ =	strace $0x9000004D  }
0x4b: {  	s0 =	sadd.s32 @!p0 $0x100000, s0;
	[bflag:$0x2] =	sbarrier.arrive $0xFFFF  }
0x4c: {  	[sflag:s0] =	ssyncadd.tile.s32 @!p0 $0x1;
	_ =	shalt  }
.Lfunc_end1:
_tile_overlayer_lowered:
.L_overlay_start_2:
0x4d: {  	(tag) =	ssettag $0x2  }
0x4e: {  	s0 =	rddreg [dreg:$0x0];
	s2 =	stileid.u32  }
0x4f: {  	s1 =	rddreg [dreg:$0x1];
	p0 =	sne.s32 s2, $0x0  }
0x50: {  	s3 =	rddreg [dreg:$0x2];
	[bflag:$0x3] =	sbarrier.arrive $0xFFFF;
	s2 =	simm.s32 @!p0 $0x1C01  }
0x51: {  	[timem:s3], [sflag:s2] =	dma.local @!p0 [hbm:s0], s1  }
0x52: {  	s0 =	simm.s32 @!p0 $0x1  }
0x53: {  	_ =	swait.ge @!p0 [sflag:s0], s1  }
0x54: {  	s1 =	ssub.s32 @!p0 $0x0, s1;
	[sflag:s0] =	ssyncset.done @!p0 $0x0  }
0x55: {  	[sflag:s0] =	ssyncadd.s32 @!p0 s1  }
0x56: {  	[bflag:$0x3] =	sbarrier.arrive $0xFFFF  }
0x57: {  	_ =	shalt  }

</sc_bundles>
